<compile_context>
chip_gen: v7x
topology: tpu7x:2x2x1
jax: 0.10.2.dev20260603
libtpu: 0.0.44.dev20260713+nightly
codegen_flags: <defaults>
</compile_context>

<pallas_src>
import jax
import jax.numpy as jnp
from jax import lax
from jax.experimental import pallas as pl
from jax.experimental.pallas import tpu as pltpu
from jax.experimental.pallas import tpu_sc as plsc

N = 10000
D = 128
E = 320000

NC = 2
NS = 16
NW = NC * NS
EPT = E // NW
CS = 128
NCHS = 79
EPAD = NW * NCHS * CS - E
NPAD = 10240
RPT = NPAD // NS

_f32 = jnp.float32


def _sc_mesh():
    return plsc.VectorSubcoreMesh(core_axis_name="c", subcore_axis_name="s",
                                  num_cores=NC, num_subcores=NS)


def _scat_body(table_hbm, eidx_hbm, zeros_hbm,
               out_hbm,
               idx_v, rows_v, isem, gsem, zsem,
               acc):
    c = lax.axis_index("c")
    s = lax.axis_index("s")
    wid = s * NC + c
    base = s * RPT

    for j in range(RPT // CS):
        pltpu.async_copy(zeros_hbm, acc.at[pl.ds(base + j * CS, CS)], zsem)
    pltpu.async_copy(eidx_hbm.at[wid, 0], idx_v.at[0], isem)
    pltpu.make_async_copy(eidx_hbm.at[wid, 0], idx_v.at[0], isem).wait()
    pltpu.async_copy(table_hbm.at[idx_v.at[0, 0]], rows_v.at[0], gsem)
    pltpu.async_copy(eidx_hbm.at[wid, 1], idx_v.at[1], isem)
    for j in range(RPT // CS):
        pltpu.make_async_copy(zeros_hbm, acc.at[pl.ds(base + j * CS, CS)],
                              zsem).wait()
    plsc.subcore_barrier()

    def chunk(j, carry):
        slot = lax.rem(j, 2)
        nslot = lax.rem(j + 1, 2)

        @pl.when(j + 1 < NCHS)
        def _():
            pltpu.make_async_copy(eidx_hbm.at[wid, j + 1], idx_v.at[nslot],
                                  isem).wait()
            pltpu.async_copy(table_hbm.at[idx_v.at[nslot, 0]],
                             rows_v.at[nslot], gsem)

        pltpu.make_async_copy(table_hbm.at[idx_v.at[slot, 0]],
                              rows_v.at[slot], gsem).wait()
        pltpu.sync_copy(rows_v.at[slot], acc.at[idx_v.at[slot, 1]], add=True)

        @pl.when(j + 2 < NCHS)
        def _():
            pltpu.async_copy(eidx_hbm.at[wid, j + 2], idx_v.at[slot], isem)

        return carry

    lax.fori_loop(0, NCHS, chunk, 0)
    plsc.subcore_barrier()
    pltpu.sync_copy(acc.at[pl.ds(base, RPT)],
                    out_hbm.at[pl.ds(c * NPAD + base, RPT)])


def _scat_call(table, eidx, zeros128):
    f = pl.kernel(
        _scat_body,
        out_type=jax.ShapeDtypeStruct((NC * NPAD, D), _f32),
        mesh=_sc_mesh(),
        scratch_types=[
            pltpu.VMEM((2, 2, CS), jnp.int32),
            pltpu.VMEM((2, CS, D), _f32),
            pltpu.SemaphoreType.DMA,
            pltpu.SemaphoreType.DMA,
            pltpu.SemaphoreType.DMA,
            pltpu.VMEM_SHARED((NPAD, D), _f32),
        ],
    )
    return f(table, eidx, zeros128)


HB = NPAD // 2
HBP = HB + 16
NV = EPT // 16
NRED = HB // 16


def _deg_body(ei_hbm, out_hbm, sidx_v, didx_v, hist_v, red_v):
    c = lax.axis_index("c")
    s = lax.axis_index("s")
    wid = s * NC + c

    pltpu.sync_copy(ei_hbm.at[pl.ds(wid * EPT, EPT)], sidx_v)
    pltpu.sync_copy(ei_hbm.at[pl.ds(E + wid * EPT, EPT)], didx_v)

    lane = lax.iota(jnp.int32, 16)
    ones16 = jnp.ones((16,), _f32)
    zeros16 = jnp.zeros((16,), _f32)

    for d in range(2):
        idx_ref = sidx_v if d == 0 else didx_v
        for h in range(2):
            lo = h * HB

            def zero(i, carry):
                for u in range(8):
                    hist_v[pl.ds(i * 128 + u * 16, 16)] = zeros16
                return carry

            lax.fori_loop(0, HBP * 16 // 128, zero, 0)

            def cnt(i, carry):
                idx = idx_ref[pl.ds(i * 16, 16)]
                m = (idx >= lo) & (idx < lo + HB)
                pos = lane * HBP + jnp.where(m, idx - lo, HB)
                cur = plsc.load_gather(hist_v, [pos])
                plsc.store_scatter(hist_v, [pos], cur + ones16)
                return carry

            lax.fori_loop(0, NV, cnt, 0)

            def red(i, carry):
                vals = [hist_v[pl.ds(cc * HBP + i * 16, 16)]
                        for cc in range(16)]
                while len(vals) > 1:
                    vals = [vals[k] + vals[k + 1]
                            for k in range(0, len(vals), 2)]
                red_v[pl.ds(i * 16, 16)] = vals[0]
                return carry

            lax.fori_loop(0, NRED, red, 0)
            pltpu.sync_copy(red_v, out_hbm.at[pl.ds((d * NW + wid) * NPAD + lo, HB)])


def _deg_call(edge_index):
    f = pl.kernel(
        _deg_body,
        out_type=jax.ShapeDtypeStruct((2 * NW * NPAD,), _f32),
        mesh=_sc_mesh(),
        compiler_params=pltpu.CompilerParams(needs_layout_passes=False),
        scratch_types=[
            pltpu.VMEM((EPT,), jnp.int32),
            pltpu.VMEM((EPT,), jnp.int32),
            pltpu.VMEM((HBP * 16,), _f32),
            pltpu.VMEM((HB,), _f32),
        ],
    )
    return f(edge_index.reshape(2 * E)).reshape(2, NW, NPAD)


def _prep_body(x_ref, dego_ref, out_ref):
    dego = jnp.sum(dego_ref[...], axis=0) + 1.0
    nsrc = lax.rsqrt(dego)
    out_ref[...] = x_ref[...] * nsrc[:, None]


def _prep_call(x, dego_p):
    return pl.pallas_call(
        _prep_body,
        out_shape=jax.ShapeDtypeStruct((N, D), _f32),
    )(x, dego_p)


def _dense_mid_body(sp_ref, hp_ref, dego_ref, degi_ref, w_ref, b_ref,
                    g_ref, bb_ref, out_ref):
    degi = jnp.sum(degi_ref[...], axis=0) + 1.0
    ndst = lax.rsqrt(degi)
    agg = (sp_ref[0, :N, :] + sp_ref[1, :N, :] + hp_ref[...]) * ndst[:, None]
    z = jnp.dot(agg, w_ref[...], preferred_element_type=_f32) + b_ref[...][None, :]
    r = jnp.maximum(z, 0.0)
    m = jnp.mean(r, axis=0)
    v = jnp.mean(r * r, axis=0) - m * m
    h = (r - m) * lax.rsqrt(v + 1e-5) * g_ref[...][None, :] + bb_ref[...][None, :]
    dego = jnp.sum(dego_ref[...], axis=0) + 1.0
    nsrc = lax.rsqrt(dego)
    out_ref[...] = h * nsrc[:, None]


def _dense_mid_call(sp, hp, dego_p, degi_p, w, b, g, bb):
    sp = sp.reshape(NC, NPAD, D)
    return pl.pallas_call(
        _dense_mid_body,
        out_shape=jax.ShapeDtypeStruct((N, D), _f32),
    )(sp, hp, dego_p, degi_p, w, b, g, bb)


def _dense_fin_body(sp_ref, hp_ref, degi_ref, w_ref, b_ref,
                    g_ref, bb_ref, out_ref):
    degi = jnp.sum(degi_ref[...], axis=0) + 1.0
    ndst = lax.rsqrt(degi)
    agg = (sp_ref[0, :N, :] + sp_ref[1, :N, :] + hp_ref[...]) * ndst[:, None]
    z = jnp.dot(agg, w_ref[...], preferred_element_type=_f32) + b_ref[...][None, :]
    m = jnp.mean(z, axis=-1, keepdims=True)
    zc = z - m
    v = jnp.mean(zc * zc, axis=-1, keepdims=True)
    out_ref[...] = zc * lax.rsqrt(v + 1e-5) * g_ref[...][None, :] + bb_ref[...][None, :]


def _dense_fin_call(sp, hp, degi_p, w, b, g, bb):
    sp = sp.reshape(NC, NPAD, D)
    return pl.pallas_call(
        _dense_fin_body,
        out_shape=jax.ShapeDtypeStruct((N, D), _f32),
    )(sp, hp, degi_p, w, b, g, bb)


def kernel(x, edge_index, W1, b1, W2, b2, W3, b3,
           bn1_g, bn1_b, bn2_g, bn2_b, ln_g, ln_b):
    src_p = jnp.concatenate([edge_index[0],
                             jnp.arange(EPAD, dtype=jnp.int32) * 2 + 1])
    dst_p = jnp.concatenate([edge_index[1],
                             N + jnp.arange(EPAD, dtype=jnp.int32)
                             % (NPAD - N)])
    eidx = jnp.stack([src_p.reshape(NW, NCHS, CS),
                      dst_p.reshape(NW, NCHS, CS)], axis=2)
    zeros128 = jnp.zeros((CS, D), _f32)

    deg_p = _deg_call(edge_index)
    dego_p = deg_p[0, :, :N]
    degi_p = deg_p[1, :, :N]

    h1p = _prep_call(x, dego_p)
    s1 = _scat_call(h1p, eidx, zeros128)
    h2p = _dense_mid_call(s1, h1p, dego_p, degi_p, W1, b1, bn1_g, bn1_b)
    s2 = _scat_call(h2p, eidx, zeros128)
    h3p = _dense_mid_call(s2, h2p, dego_p, degi_p, W2, b2, bn2_g, bn2_b)
    s3 = _scat_call(h3p, eidx, zeros128)
    return _dense_fin_call(s3, h3p, degi_p, W3, b3, ln_g, ln_b)

# --- scband reference (transcript-rebuilt; emitter-appended) ---
"""Pipeline reference for scband-gcn-40132174414180 (READ-ONLY COPY).

The authoritative reference and input builder live on the scoring server;
editing this copy changes nothing except your own understanding.
"""

import jax, jax.numpy as jnp
import numpy as np

N = 10000
D_IN = 128
D_H = 128
D_OUT = 128
E = 320000


def setup_inputs(seed: int = 0):
    key = jax.random.key(seed)
    ks = jax.random.split(key, 8)
    s = 1.0 / np.sqrt(D_IN)
    return {
        "x": jax.random.normal(ks[0], (N, D_IN), dtype=jnp.float32),
        "edge_index": jax.random.randint(ks[1], (2, E), 0, N, dtype=jnp.int32),
        "W1": jax.random.normal(ks[2], (D_IN, D_H), dtype=jnp.float32) * s,
        "b1": jnp.zeros((D_H,), dtype=jnp.float32),
        "W2": jax.random.normal(ks[3], (D_H, D_H), dtype=jnp.float32) * s,
        "b2": jnp.zeros((D_H,), dtype=jnp.float32),
        "W3": jax.random.normal(ks[4], (D_H, D_OUT), dtype=jnp.float32) * s,
        "b3": jnp.zeros((D_OUT,), dtype=jnp.float32),
        "bn1_g": jnp.ones((D_H,), dtype=jnp.float32),
        "bn1_b": jnp.zeros((D_H,), dtype=jnp.float32),
        "bn2_g": jnp.ones((D_H,), dtype=jnp.float32),
        "bn2_b": jnp.zeros((D_H,), dtype=jnp.float32),
        "ln_g": jnp.ones((D_OUT,), dtype=jnp.float32),
        "ln_b": jnp.zeros((D_OUT,), dtype=jnp.float32),
    }


def _graph_conv(x, src, dst, W, b, n):
    # DGL GraphConv with norm='both': D_out^{-1/2} on source, sum-aggregate, D_in^{-1/2} on dest
    ones = jnp.ones((src.shape[0],), dtype=x.dtype)
    deg_out = jax.ops.segment_sum(ones, src, num_segments=n)
    deg_in = jax.ops.segment_sum(ones, dst, num_segments=n)
    norm_src = jnp.where(deg_out > 0, deg_out, 1.0) ** -0.5
    norm_dst = jnp.where(deg_in > 0, deg_in, 1.0) ** -0.5
    h = x * norm_src[:, None]
    msg = h[src]
    agg = jax.ops.segment_sum(msg, dst, num_segments=n)
    agg = agg * norm_dst[:, None]
    return agg @ W + b


def _bn(h, g, b):
    m = h.mean(axis=0)
    v = h.var(axis=0)
    return (h - m) / jnp.sqrt(v + 1e-5) * g + b


def _ln(h, g, b):
    m = h.mean(axis=-1, keepdims=True)
    v = h.var(axis=-1, keepdims=True)
    return (h - m) / jnp.sqrt(v + 1e-5) * g + b


def reference(x, edge_index, W1, b1, W2, b2, W3, b3, bn1_g, bn1_b, bn2_g, bn2_b, ln_g, ln_b):
    n = x.shape[0]
    # g = dgl.add_self_loop(g)
    loops = jnp.arange(n, dtype=edge_index.dtype)
    src = jnp.concatenate([edge_index[0], loops])
    dst = jnp.concatenate([edge_index[1], loops])
    h = jax.nn.relu(_graph_conv(x, src, dst, W1, b1, n))
    h = _bn(h, bn1_g, bn1_b)
    # dropout: identity (deterministic eval)
    h = jax.nn.relu(_graph_conv(h, src, dst, W2, b2, n))
    h = _bn(h, bn2_g, bn2_b)
    h = _graph_conv(h, src, dst, W3, b3, n)
    h = _ln(h, ln_g, ln_b)
    return h

if __name__ == "__main__":
    import jax
    _d = setup_inputs()
    print(jax.jit(kernel)(*tuple(_d.values())))

</pallas_src>

<mosaic_0001>
#map = affine_map<(d0, d1) -> (0)>
module attributes {stable_mosaic.version = 14 : i64} {
  func.func @_deg_body(%arg0: i32, %arg1: i32, %arg2: memref<640000xi32, #tpu.memory_space<hbm>>, %arg3: memref<655360xf32, #tpu.memory_space<hbm>>, %arg4: memref<10000xi32, #tpu.memory_space<vmem>>, %arg5: memref<10000xi32, #tpu.memory_space<vmem>>, %arg6: memref<82176xf32, #tpu.memory_space<vmem>>, %arg7: memref<5120xf32, #tpu.memory_space<vmem>>) attributes {dimension_semantics = [#tpu.dimension_semantics<core_parallel>, #tpu.dimension_semantics<subcore_parallel>], iteration_bounds = array<i64: 2, 16>, scalar_prefetch = 0 : i64, scratch_operands = 4 : i64, tpu.core_type = #tpu.core_type<sc_vector_subcore>, window_params = [{transform_indices = #map}, {transform_indices = #map}]} {
    %mul3A = arith.constant 2 : i32
    %mul3A_0 = arith.muli %arg1, %mul3A : i32
    %add3A = arith.addi %mul3A_0, %arg0 : i32
    %mul3A_1 = arith.constant 10000 : i32
    %mul3A_2 = arith.muli %add3A, %mul3A_1 : i32
    "tpu.region"() ({
      %run_scoped3A = tpu.sem_alloc : memref<!tpu.dma_semaphore, #tpu.memory_space<semaphore_mem>>
      %dma_start3A = tpu.memref_slice %arg2[%mul3A_2] : memref<640000xi32, #tpu.memory_space<hbm>> -> memref<10000xi32, #tpu.memory_space<hbm>>
      %dma_start3A_105 = tpu.memref_slice %arg2[%mul3A_2] : memref<640000xi32, #tpu.memory_space<hbm>> -> memref<10000xi32, #tpu.memory_space<hbm>>
      tpu.enqueue_dma source(%dma_start3A_105 : memref<10000xi32, #tpu.memory_space<hbm>>) target(%arg4 : memref<10000xi32, #tpu.memory_space<vmem>>) target_semaphore(%run_scoped3A : memref<!tpu.dma_semaphore, #tpu.memory_space<semaphore_mem>>)
      %dma_wait3A = tpu.memref_slice %arg2[%mul3A_2] : memref<640000xi32, #tpu.memory_space<hbm>> -> memref<10000xi32, #tpu.memory_space<hbm>>
      %dma_wait3A_106 = tpu.memref_slice %arg2[%mul3A_2] : memref<640000xi32, #tpu.memory_space<hbm>> -> memref<10000xi32, #tpu.memory_space<hbm>>
      tpu.wait_dma2 semaphore(%run_scoped3A : memref<!tpu.dma_semaphore, #tpu.memory_space<semaphore_mem>>) src(%dma_wait3A_106 : memref<10000xi32, #tpu.memory_space<hbm>>) dst(%arg4 : memref<10000xi32, #tpu.memory_space<vmem>>)
      tpu.yield
    }) : () -> ()
    %mul3A_3 = arith.constant 10000 : i32
    %mul3A_4 = arith.muli %add3A, %mul3A_3 : i32
    %add3A_5 = arith.constant 320000 : i32
    %add3A_6 = arith.addi %add3A_5, %mul3A_4 : i32
    "tpu.region"() ({
      %run_scoped3A = tpu.sem_alloc : memref<!tpu.dma_semaphore, #tpu.memory_space<semaphore_mem>>
      %dma_start3A = tpu.memref_slice %arg2[%add3A_6] : memref<640000xi32, #tpu.memory_space<hbm>> -> memref<10000xi32, #tpu.memory_space<hbm>>
      %dma_start3A_105 = tpu.memref_slice %arg2[%add3A_6] : memref<640000xi32, #tpu.memory_space<hbm>> -> memref<10000xi32, #tpu.memory_space<hbm>>
      tpu.enqueue_dma source(%dma_start3A_105 : memref<10000xi32, #tpu.memory_space<hbm>>) target(%arg5 : memref<10000xi32, #tpu.memory_space<vmem>>) target_semaphore(%run_scoped3A : memref<!tpu.dma_semaphore, #tpu.memory_space<semaphore_mem>>)
      %dma_wait3A = tpu.memref_slice %arg2[%add3A_6] : memref<640000xi32, #tpu.memory_space<hbm>> -> memref<10000xi32, #tpu.memory_space<hbm>>
      %dma_wait3A_106 = tpu.memref_slice %arg2[%add3A_6] : memref<640000xi32, #tpu.memory_space<hbm>> -> memref<10000xi32, #tpu.memory_space<hbm>>
      tpu.wait_dma2 semaphore(%run_scoped3A : memref<!tpu.dma_semaphore, #tpu.memory_space<semaphore_mem>>) src(%dma_wait3A_106 : memref<10000xi32, #tpu.memory_space<hbm>>) dst(%arg5 : memref<10000xi32, #tpu.memory_space<vmem>>)
      tpu.yield
    }) : () -> ()
    %iota3A = tpu.iota {dimensions = array<i32: 0>} : vector<16xi32>
    %broadcast_in_dim3A = arith.constant 1.000000e+00 : f32
    %broadcast_in_dim3A_7 = vector.broadcast %broadcast_in_dim3A : f32 to vector<16xf32>
    %broadcast_in_dim3A_8 = arith.constant 0.000000e+00 : f32
    %broadcast_in_dim3A_9 = vector.broadcast %broadcast_in_dim3A_8 : f32 to vector<16xf32>
    %scan3A = arith.constant 0 : i32
    %scan3A_10 = arith.constant 0 : i32
    %scan3A_11 = arith.constant 642 : i32
    %scan3A_12 = arith.addi %scan3A_10, %scan3A_11 : i32
    %scan3A_13 = arith.constant 1 : i32
    scf.for %scan3A_105 = %scan3A_10 to %scan3A_12 step %scan3A_13  : i32 {
      %mul3A_106 = arith.constant 128 : i32
      %mul3A_107 = arith.muli %scan3A_105, %mul3A_106 : i32
      %add3A_108 = arith.constant 0 : i32
      %add3A_109 = arith.addi %mul3A_107, %add3A_108 : i32
      %swap3A = arith.index_cast %add3A_109 : i32 to index
      %swap3A_110 = tpu.vector_load %arg6[%swap3A] {strides = array<i32>} : memref<82176xf32, #tpu.memory_space<vmem>>, vector<16xf32>,
      tpu.vector_store %arg6[%swap3A], %broadcast_in_dim3A_9 {strides = array<i32>} : memref<82176xf32, #tpu.memory_space<vmem>>, vector<16xf32>,
      %mul3A_111 = arith.constant 128 : i32
      %mul3A_112 = arith.muli %scan3A_105, %mul3A_111 : i32
      %add3A_113 = arith.constant 16 : i32
      %add3A_114 = arith.addi %mul3A_112, %add3A_113 : i32
      %swap3A_115 = arith.index_cast %add3A_114 : i32 to index
      %swap3A_116 = tpu.vector_load %arg6[%swap3A_115] {strides = array<i32>} : memref<82176xf32, #tpu.memory_space<vmem>>, vector<16xf32>,
      tpu.vector_store %arg6[%swap3A_115], %broadcast_in_dim3A_9 {strides = array<i32>} : memref<82176xf32, #tpu.memory_space<vmem>>, vector<16xf32>,
      %mul3A_117 = arith.constant 128 : i32
      %mul3A_118 = arith.muli %scan3A_105, %mul3A_117 : i32
      %add3A_119 = arith.constant 32 : i32
      %add3A_120 = arith.addi %mul3A_118, %add3A_119 : i32
      %swap3A_121 = arith.index_cast %add3A_120 : i32 to index
      %swap3A_122 = tpu.vector_load %arg6[%swap3A_121] {strides = array<i32>} : memref<82176xf32, #tpu.memory_space<vmem>>, vector<16xf32>,
      tpu.vector_store %arg6[%swap3A_121], %broadcast_in_dim3A_9 {strides = array<i32>} : memref<82176xf32, #tpu.memory_space<vmem>>, vector<16xf32>,
      %mul3A_123 = arith.constant 128 : i32
      %mul3A_124 = arith.muli %scan3A_105, %mul3A_123 : i32
      %add3A_125 = arith.constant 48 : i32
      %add3A_126 = arith.addi %mul3A_124, %add3A_125 : i32
      %swap3A_127 = arith.index_cast %add3A_126 : i32 to index
      %swap3A_128 = tpu.vector_load %arg6[%swap3A_127] {strides = array<i32>} : memref<82176xf32, #tpu.memory_space<vmem>>, vector<16xf32>,
      tpu.vector_store %arg6[%swap3A_127], %broadcast_in_dim3A_9 {strides = array<i32>} : memref<82176xf32, #tpu.memory_space<vmem>>, vector<16xf32>,
      %mul3A_129 = arith.constant 128 : i32
      %mul3A_130 = arith.muli %scan3A_105, %mul3A_129 : i32
      %add3A_131 = arith.constant 64 : i32
      %add3A_132 = arith.addi %mul3A_130, %add3A_131 : i32
      %swap3A_133 = arith.index_cast %add3A_132 : i32 to index
      %swap3A_134 = tpu.vector_load %arg6[%swap3A_133] {strides = array<i32>} : memref<82176xf32, #tpu.memory_space<vmem>>, vector<16xf32>,
      tpu.vector_store %arg6[%swap3A_133], %broadcast_in_dim3A_9 {strides = array<i32>} : memref<82176xf32, #tpu.memory_space<vmem>>, vector<16xf32>,
      %mul3A_135 = arith.constant 128 : i32
      %mul3A_136 = arith.muli %scan3A_105, %mul3A_135 : i32
      %add3A_137 = arith.constant 80 : i32
      %add3A_138 = arith.addi %mul3A_136, %add3A_137 : i32
      %swap3A_139 = arith.index_cast %add3A_138 : i32 to index
      %swap3A_140 = tpu.vector_load %arg6[%swap3A_139] {strides = array<i32>} : memref<82176xf32, #tpu.memory_space<vmem>>, vector<16xf32>,
      tpu.vector_store %arg6[%swap3A_139], %broadcast_in_dim3A_9 {strides = array<i32>} : memref<82176xf32, #tpu.memory_space<vmem>>, vector<16xf32>,
      %mul3A_141 = arith.constant 128 : i32
      %mul3A_142 = arith.muli %scan3A_105, %mul3A_141 : i32
      %add3A_143 = arith.constant 96 : i32
      %add3A_144 = arith.addi %mul3A_142, %add3A_143 : i32
      %swap3A_145 = arith.index_cast %add3A_144 : i32 to index
      %swap3A_146 = tpu.vector_load %arg6[%swap3A_145] {strides = array<i32>} : memref<82176xf32, #tpu.memory_space<vmem>>, vector<16xf32>,
      tpu.vector_store %arg6[%swap3A_145], %broadcast_in_dim3A_9 {strides = array<i32>} : memref<82176xf32, #tpu.memory_space<vmem>>, vector<16xf32>,
      %mul3A_147 = arith.constant 128 : i32
      %mul3A_148 = arith.muli %scan3A_105, %mul3A_147 : i32
      %add3A_149 = arith.constant 112 : i32
      %add3A_150 = arith.addi %mul3A_148, %add3A_149 : i32
      %swap3A_151 = arith.index_cast %add3A_150 : i32 to index
      %swap3A_152 = tpu.vector_load %arg6[%swap3A_151] {strides = array<i32>} : memref<82176xf32, #tpu.memory_space<vmem>>, vector<16xf32>,
      tpu.vector_store %arg6[%swap3A_151], %broadcast_in_dim3A_9 {strides = array<i32>} : memref<82176xf32, #tpu.memory_space<vmem>>, vector<16xf32>,
    }
    %scan3A_14 = arith.constant 642 : i32
    %scan3A_15 = arith.constant 0 : i32
    %scan3A_16 = arith.constant 0 : i32
    %scan3A_17 = arith.constant 625 : i32
    %scan3A_18 = arith.addi %scan3A_16, %scan3A_17 : i32
    %scan3A_19 = arith.constant 1 : i32
    scf.for %scan3A_105 = %scan3A_16 to %scan3A_18 step %scan3A_19  : i32 {
      %mul3A_106 = arith.constant 16 : i32
      %mul3A_107 = arith.muli %scan3A_105, %mul3A_106 : i32
      %get3A = arith.index_cast %mul3A_107 : i32 to index
      %get3A_108 = tpu.vector_load %arg4[%get3A] {strides = array<i32>} : memref<10000xi32, #tpu.memory_space<vmem>>, vector<16xi32>,
      %ge3A = arith.constant 0 : i32
      %ge3A_109 = vector.broadcast %ge3A : i32 to vector<16xi32>
      %ge3A_110 = arith.cmpi sge, %get3A_108, %ge3A_109 : vector<16xi32>
      %lt3A = arith.constant 5120 : i32
      %lt3A_111 = vector.broadcast %lt3A : i32 to vector<16xi32>
      %lt3A_112 = arith.cmpi slt, %get3A_108, %lt3A_111 : vector<16xi32>
      %and3A = arith.andi %ge3A_110, %lt3A_112 : vector<16xi1>
      %mul3A_113 = arith.constant 5136 : i32
      %mul3A_114 = vector.broadcast %mul3A_113 : i32 to vector<16xi32>
      %mul3A_115 = arith.muli %iota3A, %mul3A_114 : vector<16xi32>
      %sub3A = arith.constant 0 : i32
      %sub3A_116 = vector.broadcast %sub3A : i32 to vector<16xi32>
      %sub3A_117 = arith.subi %get3A_108, %sub3A_116 : vector<16xi32>
      %jit3A = arith.constant 5120 : i32
      %broadcast_in_dim3A_118 = vector.broadcast %jit3A : i32 to vector<16xi32>
      %select_n3A = arith.select %and3A, %sub3A_117, %broadcast_in_dim3A_118 : vector<16xi1>, vector<16xi32>
      %add3A_119 = arith.addi %mul3A_115, %select_n3A : vector<16xi32>
      %gather3A = tpu.vector_load_idx %arg6[%add3A_119] : memref<82176xf32, #tpu.memory_space<vmem>>[vector<16xi32>], vector<16xf32>,
      %add3A_120 = arith.addf %gather3A, %broadcast_in_dim3A_7 : vector<16xf32>
      tpu.vector_store_idx %arg6[%add3A_119], %add3A_120 : memref<82176xf32, #tpu.memory_space<vmem>>[vector<16xi32>], vector<16xf32>,
    }
    %scan3A_20 = arith.constant 625 : i32
    %scan3A_21 = arith.constant 0 : i32
    %scan3A_22 = arith.constant 0 : i32
    %scan3A_23 = arith.constant 320 : i32
    %scan3A_24 = arith.addi %scan3A_22, %scan3A_23 : i32
    %scan3A_25 = arith.constant 1 : i32
    scf.for %scan3A_105 = %scan3A_22 to %scan3A_24 step %scan3A_25  : i32 {
      %mul3A_106 = arith.constant 16 : i32
      %mul3A_107 = arith.muli %scan3A_105, %mul3A_106 : i32
      %add3A_108 = arith.constant 0 : i32
      %add3A_109 = arith.addi %add3A_108, %mul3A_107 : i32
      %get3A = arith.index_cast %add3A_109 : i32 to index
      %get3A_110 = tpu.vector_load %arg6[%get3A] {strides = array<i32>} : memref<82176xf32, #tpu.memory_space<vmem>>, vector<16xf32>,
      %mul3A_111 = arith.constant 16 : i32
      %mul3A_112 = arith.muli %scan3A_105, %mul3A_111 : i32
      %add3A_113 = arith.constant 5136 : i32
      %add3A_114 = arith.addi %add3A_113, %mul3A_112 : i32
      %get3A_115 = arith.index_cast %add3A_114 : i32 to index
      %get3A_116 = tpu.vector_load %arg6[%get3A_115] {strides = array<i32>} : memref<82176xf32, #tpu.memory_space<vmem>>, vector<16xf32>,
      %mul3A_117 = arith.constant 16 : i32
      %mul3A_118 = arith.muli %scan3A_105, %mul3A_117 : i32
      %add3A_119 = arith.constant 10272 : i32
      %add3A_120 = arith.addi %add3A_119, %mul3A_118 : i32
      %get3A_121 = arith.index_cast %add3A_120 : i32 to index
      %get3A_122 = tpu.vector_load %arg6[%get3A_121] {strides = array<i32>} : memref<82176xf32, #tpu.memory_space<vmem>>, vector<16xf32>,
      %mul3A_123 = arith.constant 16 : i32
      %mul3A_124 = arith.muli %scan3A_105, %mul3A_123 : i32
      %add3A_125 = arith.constant 15408 : i32
      %add3A_126 = arith.addi %add3A_125, %mul3A_124 : i32
      %get3A_127 = arith.index_cast %add3A_126 : i32 to index
      %get3A_128 = tpu.vector_load %arg6[%get3A_127] {strides = array<i32>} : memref<82176xf32, #tpu.memory_space<vmem>>, vector<16xf32>,
      %mul3A_129 = arith.constant 16 : i32
      %mul3A_130 = arith.muli %scan3A_105, %mul3A_129 : i32
      %add3A_131 = arith.constant 20544 : i32
      %add3A_132 = arith.addi %add3A_131, %mul3A_130 : i32
      %get3A_133 = arith.index_cast %add3A_132 : i32 to index
      %get3A_134 = tpu.vector_load %arg6[%get3A_133] {strides = array<i32>} : memref<82176xf32, #tpu.memory_space<vmem>>, vector<16xf32>,
      %mul3A_135 = arith.constant 16 : i32
      %mul3A_136 = arith.muli %scan3A_105, %mul3A_135 : i32
      %add3A_137 = arith.constant 25680 : i32
      %add3A_138 = arith.addi %add3A_137, %mul3A_136 : i32
      %get3A_139 = arith.index_cast %add3A_138 : i32 to index
      %get3A_140 = tpu.vector_load %arg6[%get3A_139] {strides = array<i32>} : memref<82176xf32, #tpu.memory_space<vmem>>, vector<16xf32>,
      %mul3A_141 = arith.constant 16 : i32
      %mul3A_142 = arith.muli %scan3A_105, %mul3A_141 : i32
      %add3A_143 = arith.constant 30816 : i32
      %add3A_144 = arith.addi %add3A_143, %mul3A_142 : i32
      %get3A_145 = arith.index_cast %add3A_144 : i32 to index
      %get3A_146 = tpu.vector_load %arg6[%get3A_145] {strides = array<i32>} : memref<82176xf32, #tpu.memory_space<vmem>>, vector<16xf32>,
      %mul3A_147 = arith.constant 16 : i32
      %mul3A_148 = arith.muli %scan3A_105, %mul3A_147 : i32
      %add3A_149 = arith.constant 35952 : i32
      %add3A_150 = arith.addi %add3A_149, %mul3A_148 : i32
      %get3A_151 = arith.index_cast %add3A_150 : i32 to index
      %get3A_152 = tpu.vector_load %arg6[%get3A_151] {strides = array<i32>} : memref<82176xf32, #tpu.memory_space<vmem>>, vector<16xf32>,
      %mul3A_153 = arith.constant 16 : i32
      %mul3A_154 = arith.muli %scan3A_105, %mul3A_153 : i32
      %add3A_155 = arith.constant 41088 : i32
      %add3A_156 = arith.addi %add3A_155, %mul3A_154 : i32
      %get3A_157 = arith.index_cast %add3A_156 : i32 to index
      %get3A_158 = tpu.vector_load %arg6[%get3A_157] {strides = array<i32>} : memref<82176xf32, #tpu.memory_space<vmem>>, vector<16xf32>,
      %mul3A_159 = arith.constant 16 : i32
      %mul3A_160 = arith.muli %scan3A_105, %mul3A_159 : i32
      %add3A_161 = arith.constant 46224 : i32
      %add3A_162 = arith.addi %add3A_161, %mul3A_160 : i32
      %get3A_163 = arith.index_cast %add3A_162 : i32 to index
      %get3A_164 = tpu.vector_load %arg6[%get3A_163] {strides = array<i32>} : memref<82176xf32, #tpu.memory_space<vmem>>, vector<16xf32>,
      %mul3A_165 = arith.constant 16 : i32
      %mul3A_166 = arith.muli %scan3A_105, %mul3A_165 : i32
      %add3A_167 = arith.constant 51360 : i32
      %add3A_168 = arith.addi %add3A_167, %mul3A_166 : i32
      %get3A_169 = arith.index_cast %add3A_168 : i32 to index
      %get3A_170 = tpu.vector_load %arg6[%get3A_169] {strides = array<i32>} : memref<82176xf32, #tpu.memory_space<vmem>>, vector<16xf32>,
      %mul3A_171 = arith.constant 16 : i32
      %mul3A_172 = arith.muli %scan3A_105, %mul3A_171 : i32
      %add3A_173 = arith.constant 56496 : i32
      %add3A_174 = arith.addi %add3A_173, %mul3A_172 : i32
      %get3A_175 = arith.index_cast %add3A_174 : i32 to index
      %get3A_176 = tpu.vector_load %arg6[%get3A_175] {strides = array<i32>} : memref<82176xf32, #tpu.memory_space<vmem>>, vector<16xf32>,
      %mul3A_177 = arith.constant 16 : i32
      %mul3A_178 = arith.muli %scan3A_105, %mul3A_177 : i32
      %add3A_179 = arith.constant 61632 : i32
      %add3A_180 = arith.addi %add3A_179, %mul3A_178 : i32
      %get3A_181 = arith.index_cast %add3A_180 : i32 to index
      %get3A_182 = tpu.vector_load %arg6[%get3A_181] {strides = array<i32>} : memref<82176xf32, #tpu.memory_space<vmem>>, vector<16xf32>,
      %mul3A_183 = arith.constant 16 : i32
      %mul3A_184 = arith.muli %scan3A_105, %mul3A_183 : i32
      %add3A_185 = arith.constant 66768 : i32
      %add3A_186 = arith.addi %add3A_185, %mul3A_184 : i32
      %get3A_187 = arith.index_cast %add3A_186 : i32 to index
      %get3A_188 = tpu.vector_load %arg6[%get3A_187] {strides = array<i32>} : memref<82176xf32, #tpu.memory_space<vmem>>, vector<16xf32>,
      %mul3A_189 = arith.constant 16 : i32
      %mul3A_190 = arith.muli %scan3A_105, %mul3A_189 : i32
      %add3A_191 = arith.constant 71904 : i32
      %add3A_192 = arith.addi %add3A_191, %mul3A_190 : i32
      %get3A_193 = arith.index_cast %add3A_192 : i32 to index
      %get3A_194 = tpu.vector_load %arg6[%get3A_193] {strides = array<i32>} : memref<82176xf32, #tpu.memory_space<vmem>>, vector<16xf32>,
      %mul3A_195 = arith.constant 16 : i32
      %mul3A_196 = arith.muli %scan3A_105, %mul3A_195 : i32
      %add3A_197 = arith.constant 77040 : i32
      %add3A_198 = arith.addi %add3A_197, %mul3A_196 : i32
      %get3A_199 = arith.index_cast %add3A_198 : i32 to index
      %get3A_200 = tpu.vector_load %arg6[%get3A_199] {strides = array<i32>} : memref<82176xf32, #tpu.memory_space<vmem>>, vector<16xf32>,
      %add3A_201 = arith.addf %get3A_110, %get3A_116 : vector<16xf32>
      %add3A_202 = arith.addf %get3A_122, %get3A_128 : vector<16xf32>
      %add3A_203 = arith.addf %get3A_134, %get3A_140 : vector<16xf32>
      %add3A_204 = arith.addf %get3A_146, %get3A_152 : vector<16xf32>
      %add3A_205 = arith.addf %get3A_158, %get3A_164 : vector<16xf32>
      %add3A_206 = arith.addf %get3A_170, %get3A_176 : vector<16xf32>
      %add3A_207 = arith.addf %get3A_182, %get3A_188 : vector<16xf32>
      %add3A_208 = arith.addf %get3A_194, %get3A_200 : vector<16xf32>
      %add3A_209 = arith.addf %add3A_201, %add3A_202 : vector<16xf32>
      %add3A_210 = arith.addf %add3A_203, %add3A_204 : vector<16xf32>
      %add3A_211 = arith.addf %add3A_205, %add3A_206 : vector<16xf32>
      %add3A_212 = arith.addf %add3A_207, %add3A_208 : vector<16xf32>
      %add3A_213 = arith.addf %add3A_209, %add3A_210 : vector<16xf32>
      %add3A_214 = arith.addf %add3A_211, %add3A_212 : vector<16xf32>
      %add3A_215 = arith.addf %add3A_213, %add3A_214 : vector<16xf32>
      %mul3A_216 = arith.constant 16 : i32
      %mul3A_217 = arith.muli %scan3A_105, %mul3A_216 : i32
      %swap3A = arith.index_cast %mul3A_217 : i32 to index
      %swap3A_218 = tpu.vector_load %arg7[%swap3A] {strides = array<i32>} : memref<5120xf32, #tpu.memory_space<vmem>>, vector<16xf32>,
      tpu.vector_store %arg7[%swap3A], %add3A_215 {strides = array<i32>} : memref<5120xf32, #tpu.memory_space<vmem>>, vector<16xf32>,
    }
    %scan3A_26 = arith.constant 320 : i32
    %add3A_27 = arith.constant 0 : i32
    %add3A_28 = arith.addi %add3A_27, %add3A : i32
    %mul3A_29 = arith.constant 10240 : i32
    %mul3A_30 = arith.muli %add3A_28, %mul3A_29 : i32
    %add3A_31 = arith.constant 0 : i32
    %add3A_32 = arith.addi %mul3A_30, %add3A_31 : i32
    "tpu.region"() ({
      %run_scoped3A = tpu.sem_alloc : memref<!tpu.dma_semaphore, #tpu.memory_space<semaphore_mem>>
      %dma_start3A = tpu.memref_slice %arg3[%add3A_32] : memref<655360xf32, #tpu.memory_space<hbm>> -> memref<5120xf32, #tpu.memory_space<hbm>>
      %dma_start3A_105 = tpu.memref_slice %arg3[%add3A_32] : memref<655360xf32, #tpu.memory_space<hbm>> -> memref<5120xf32, #tpu.memory_space<hbm>>
      tpu.enqueue_dma source(%arg7 : memref<5120xf32, #tpu.memory_space<vmem>>) target(%dma_start3A_105 : memref<5120xf32, #tpu.memory_space<hbm>>) target_semaphore(%run_scoped3A : memref<!tpu.dma_semaphore, #tpu.memory_space<semaphore_mem>>)
      %dma_wait3A = tpu.memref_slice %arg3[%add3A_32] : memref<655360xf32, #tpu.memory_space<hbm>> -> memref<5120xf32, #tpu.memory_space<hbm>>
      %dma_wait3A_106 = tpu.memref_slice %arg3[%add3A_32] : memref<655360xf32, #tpu.memory_space<hbm>> -> memref<5120xf32, #tpu.memory_space<hbm>>
      tpu.wait_dma2 semaphore(%run_scoped3A : memref<!tpu.dma_semaphore, #tpu.memory_space<semaphore_mem>>) src(%arg7 : memref<5120xf32, #tpu.memory_space<vmem>>) dst(%dma_wait3A_106 : memref<5120xf32, #tpu.memory_space<hbm>>)
      tpu.yield
    }) : () -> ()
    %scan3A_33 = arith.constant 0 : i32
    %scan3A_34 = arith.constant 0 : i32
    %scan3A_35 = arith.constant 642 : i32
    %scan3A_36 = arith.addi %scan3A_34, %scan3A_35 : i32
    %scan3A_37 = arith.constant 1 : i32
    scf.for %scan3A_105 = %scan3A_34 to %scan3A_36 step %scan3A_37  : i32 {
      %mul3A_106 = arith.constant 128 : i32
      %mul3A_107 = arith.muli %scan3A_105, %mul3A_106 : i32
      %add3A_108 = arith.constant 0 : i32
      %add3A_109 = arith.addi %mul3A_107, %add3A_108 : i32
      %swap3A = arith.index_cast %add3A_109 : i32 to index
      %swap3A_110 = tpu.vector_load %arg6[%swap3A] {strides = array<i32>} : memref<82176xf32, #tpu.memory_space<vmem>>, vector<16xf32>,
      tpu.vector_store %arg6[%swap3A], %broadcast_in_dim3A_9 {strides = array<i32>} : memref<82176xf32, #tpu.memory_space<vmem>>, vector<16xf32>,
      %mul3A_111 = arith.constant 128 : i32
      %mul3A_112 = arith.muli %scan3A_105, %mul3A_111 : i32
      %add3A_113 = arith.constant 16 : i32
      %add3A_114 = arith.addi %mul3A_112, %add3A_113 : i32
      %swap3A_115 = arith.index_cast %add3A_114 : i32 to index
      %swap3A_116 = tpu.vector_load %arg6[%swap3A_115] {strides = array<i32>} : memref<82176xf32, #tpu.memory_space<vmem>>, vector<16xf32>,
      tpu.vector_store %arg6[%swap3A_115], %broadcast_in_dim3A_9 {strides = array<i32>} : memref<82176xf32, #tpu.memory_space<vmem>>, vector<16xf32>,
      %mul3A_117 = arith.constant 128 : i32
      %mul3A_118 = arith.muli %scan3A_105, %mul3A_117 : i32
      %add3A_119 = arith.constant 32 : i32
      %add3A_120 = arith.addi %mul3A_118, %add3A_119 : i32
      %swap3A_121 = arith.index_cast %add3A_120 : i32 to index
      %swap3A_122 = tpu.vector_load %arg6[%swap3A_121] {strides = array<i32>} : memref<82176xf32, #tpu.memory_space<vmem>>, vector<16xf32>,
      tpu.vector_store %arg6[%swap3A_121], %broadcast_in_dim3A_9 {strides = array<i32>} : memref<82176xf32, #tpu.memory_space<vmem>>, vector<16xf32>,
      %mul3A_123 = arith.constant 128 : i32
      %mul3A_124 = arith.muli %scan3A_105, %mul3A_123 : i32
      %add3A_125 = arith.constant 48 : i32
      %add3A_126 = arith.addi %mul3A_124, %add3A_125 : i32
      %swap3A_127 = arith.index_cast %add3A_126 : i32 to index
      %swap3A_128 = tpu.vector_load %arg6[%swap3A_127] {strides = array<i32>} : memref<82176xf32, #tpu.memory_space<vmem>>, vector<16xf32>,
      tpu.vector_store %arg6[%swap3A_127], %broadcast_in_dim3A_9 {strides = array<i32>} : memref<82176xf32, #tpu.memory_space<vmem>>, vector<16xf32>,
      %mul3A_129 = arith.constant 128 : i32
      %mul3A_130 = arith.muli %scan3A_105, %mul3A_129 : i32
      %add3A_131 = arith.constant 64 : i32
      %add3A_132 = arith.addi %mul3A_130, %add3A_131 : i32
      %swap3A_133 = arith.index_cast %add3A_132 : i32 to index
      %swap3A_134 = tpu.vector_load %arg6[%swap3A_133] {strides = array<i32>} : memref<82176xf32, #tpu.memory_space<vmem>>, vector<16xf32>,
      tpu.vector_store %arg6[%swap3A_133], %broadcast_in_dim3A_9 {strides = array<i32>} : memref<82176xf32, #tpu.memory_space<vmem>>, vector<16xf32>,
      %mul3A_135 = arith.constant 128 : i32
      %mul3A_136 = arith.muli %scan3A_105, %mul3A_135 : i32
      %add3A_137 = arith.constant 80 : i32
      %add3A_138 = arith.addi %mul3A_136, %add3A_137 : i32
      %swap3A_139 = arith.index_cast %add3A_138 : i32 to index
      %swap3A_140 = tpu.vector_load %arg6[%swap3A_139] {strides = array<i32>} : memref<82176xf32, #tpu.memory_space<vmem>>, vector<16xf32>,
      tpu.vector_store %arg6[%swap3A_139], %broadcast_in_dim3A_9 {strides = array<i32>} : memref<82176xf32, #tpu.memory_space<vmem>>, vector<16xf32>,
      %mul3A_141 = arith.constant 128 : i32
      %mul3A_142 = arith.muli %scan3A_105, %mul3A_141 : i32
      %add3A_143 = arith.constant 96 : i32
      %add3A_144 = arith.addi %mul3A_142, %add3A_143 : i32
      %swap3A_145 = arith.index_cast %add3A_144 : i32 to index
      %swap3A_146 = tpu.vector_load %arg6[%swap3A_145] {strides = array<i32>} : memref<82176xf32, #tpu.memory_space<vmem>>, vector<16xf32>,
      tpu.vector_store %arg6[%swap3A_145], %broadcast_in_dim3A_9 {strides = array<i32>} : memref<82176xf32, #tpu.memory_space<vmem>>, vector<16xf32>,
      %mul3A_147 = arith.constant 128 : i32
      %mul3A_148 = arith.muli %scan3A_105, %mul3A_147 : i32
      %add3A_149 = arith.constant 112 : i32
      %add3A_150 = arith.addi %mul3A_148, %add3A_149 : i32
      %swap3A_151 = arith.index_cast %add3A_150 : i32 to index
      %swap3A_152 = tpu.vector_load %arg6[%swap3A_151] {strides = array<i32>} : memref<82176xf32, #tpu.memory_space<vmem>>, vector<16xf32>,
      tpu.vector_store %arg6[%swap3A_151], %broadcast_in_dim3A_9 {strides = array<i32>} : memref<82176xf32, #tpu.memory_space<vmem>>, vector<16xf32>,
    }
    %scan3A_38 = arith.constant 642 : i32
    %scan3A_39 = arith.constant 0 : i32
    %scan3A_40 = arith.constant 0 : i32
    %scan3A_41 = arith.constant 625 : i32
    %scan3A_42 = arith.addi %scan3A_40, %scan3A_41 : i32
    %scan3A_43 = arith.constant 1 : i32
    scf.for %scan3A_105 = %scan3A_40 to %scan3A_42 step %scan3A_43  : i32 {
      %mul3A_106 = arith.constant 16 : i32
      %mul3A_107 = arith.muli %scan3A_105, %mul3A_106 : i32
      %get3A = arith.index_cast %mul3A_107 : i32 to index
      %get3A_108 = tpu.vector_load %arg4[%get3A] {strides = array<i32>} : memref<10000xi32, #tpu.memory_space<vmem>>, vector<16xi32>,
      %ge3A = arith.constant 5120 : i32
      %ge3A_109 = vector.broadcast %ge3A : i32 to vector<16xi32>
      %ge3A_110 = arith.cmpi sge, %get3A_108, %ge3A_109 : vector<16xi32>
      %lt3A = arith.constant 10240 : i32
      %lt3A_111 = vector.broadcast %lt3A : i32 to vector<16xi32>
      %lt3A_112 = arith.cmpi slt, %get3A_108, %lt3A_111 : vector<16xi32>
      %and3A = arith.andi %ge3A_110, %lt3A_112 : vector<16xi1>
      %mul3A_113 = arith.constant 5136 : i32
      %mul3A_114 = vector.broadcast %mul3A_113 : i32 to vector<16xi32>
      %mul3A_115 = arith.muli %iota3A, %mul3A_114 : vector<16xi32>
      %sub3A = arith.constant 5120 : i32
      %sub3A_116 = vector.broadcast %sub3A : i32 to vector<16xi32>
      %sub3A_117 = arith.subi %get3A_108, %sub3A_116 : vector<16xi32>
      %jit3A = arith.constant 5120 : i32
      %broadcast_in_dim3A_118 = vector.broadcast %jit3A : i32 to vector<16xi32>
      %select_n3A = arith.select %and3A, %sub3A_117, %broadcast_in_dim3A_118 : vector<16xi1>, vector<16xi32>
      %add3A_119 = arith.addi %mul3A_115, %select_n3A : vector<16xi32>
      %gather3A = tpu.vector_load_idx %arg6[%add3A_119] : memref<82176xf32, #tpu.memory_space<vmem>>[vector<16xi32>], vector<16xf32>,
      %add3A_120 = arith.addf %gather3A, %broadcast_in_dim3A_7 : vector<16xf32>
      tpu.vector_store_idx %arg6[%add3A_119], %add3A_120 : memref<82176xf32, #tpu.memory_space<vmem>>[vector<16xi32>], vector<16xf32>,
    }
    %scan3A_44 = arith.constant 625 : i32
    %scan3A_45 = arith.constant 0 : i32
    %scan3A_46 = arith.constant 0 : i32
    %scan3A_47 = arith.constant 320 : i32
    %scan3A_48 = arith.addi %scan3A_46, %scan3A_47 : i32
    %scan3A_49 = arith.constant 1 : i32
    scf.for %scan3A_105 = %scan3A_46 to %scan3A_48 step %scan3A_49  : i32 {
      %mul3A_106 = arith.constant 16 : i32
      %mul3A_107 = arith.muli %scan3A_105, %mul3A_106 : i32
      %add3A_108 = arith.constant 0 : i32
      %add3A_109 = arith.addi %add3A_108, %mul3A_107 : i32
      %get3A = arith.index_cast %add3A_109 : i32 to index
      %get3A_110 = tpu.vector_load %arg6[%get3A] {strides = array<i32>} : memref<82176xf32, #tpu.memory_space<vmem>>, vector<16xf32>,
      %mul3A_111 = arith.constant 16 : i32
      %mul3A_112 = arith.muli %scan3A_105, %mul3A_111 : i32
      %add3A_113 = arith.constant 5136 : i32
      %add3A_114 = arith.addi %add3A_113, %mul3A_112 : i32
      %get3A_115 = arith.index_cast %add3A_114 : i32 to index
      %get3A_116 = tpu.vector_load %arg6[%get3A_115] {strides = array<i32>} : memref<82176xf32, #tpu.memory_space<vmem>>, vector<16xf32>,
      %mul3A_117 = arith.constant 16 : i32
      %mul3A_118 = arith.muli %scan3A_105, %mul3A_117 : i32
      %add3A_119 = arith.constant 10272 : i32
      %add3A_120 = arith.addi %add3A_119, %mul3A_118 : i32
      %get3A_121 = arith.index_cast %add3A_120 : i32 to index
      %get3A_122 = tpu.vector_load %arg6[%get3A_121] {strides = array<i32>} : memref<82176xf32, #tpu.memory_space<vmem>>, vector<16xf32>,
      %mul3A_123 = arith.constant 16 : i32
      %mul3A_124 = arith.muli %scan3A_105, %mul3A_123 : i32
      %add3A_125 = arith.constant 15408 : i32
      %add3A_126 = arith.addi %add3A_125, %mul3A_124 : i32
      %get3A_127 = arith.index_cast %add3A_126 : i32 to index
      %get3A_128 = tpu.vector_load %arg6[%get3A_127] {strides = array<i32>} : memref<82176xf32, #tpu.memory_space<vmem>>, vector<16xf32>,
      %mul3A_129 = arith.constant 16 : i32
      %mul3A_130 = arith.muli %scan3A_105, %mul3A_129 : i32
      %add3A_131 = arith.constant 20544 : i32
      %add3A_132 = arith.addi %add3A_131, %mul3A_130 : i32
      %get3A_133 = arith.index_cast %add3A_132 : i32 to index
      %get3A_134 = tpu.vector_load %arg6[%get3A_133] {strides = array<i32>} : memref<82176xf32, #tpu.memory_space<vmem>>, vector<16xf32>,
      %mul3A_135 = arith.constant 16 : i32
      %mul3A_136 = arith.muli %scan3A_105, %mul3A_135 : i32
      %add3A_137 = arith.constant 25680 : i32
      %add3A_138 = arith.addi %add3A_137, %mul3A_136 : i32
      %get3A_139 = arith.index_cast %add3A_138 : i32 to index
      %get3A_140 = tpu.vector_load %arg6[%get3A_139] {strides = array<i32>} : memref<82176xf32, #tpu.memory_space<vmem>>, vector<16xf32>,
      %mul3A_141 = arith.constant 16 : i32
      %mul3A_142 = arith.muli %scan3A_105, %mul3A_141 : i32
      %add3A_143 = arith.constant 30816 : i32
      %add3A_144 = arith.addi %add3A_143, %mul3A_142 : i32
      %get3A_145 = arith.index_cast %add3A_144 : i32 to index
      %get3A_146 = tpu.vector_load %arg6[%get3A_145] {strides = array<i32>} : memref<82176xf32, #tpu.memory_space<vmem>>, vector<16xf32>,
      %mul3A_147 = arith.constant 16 : i32
      %mul3A_148 = arith.muli %scan3A_105, %mul3A_147 : i32
      %add3A_149 = arith.constant 35952 : i32
      %add3A_150 = arith.addi %add3A_149, %mul3A_148 : i32
      %get3A_151 = arith.index_cast %add3A_150 : i32 to index
      %get3A_152 = tpu.vector_load %arg6[%get3A_151] {strides = array<i32>} : memref<82176xf32, #tpu.memory_space<vmem>>, vector<16xf32>,
      %mul3A_153 = arith.constant 16 : i32
      %mul3A_154 = arith.muli %scan3A_105, %mul3A_153 : i32
      %add3A_155 = arith.constant 41088 : i32
      %add3A_156 = arith.addi %add3A_155, %mul3A_154 : i32
      %get3A_157 = arith.index_cast %add3A_156 : i32 to index
      %get3A_158 = tpu.vector_load %arg6[%get3A_157] {strides = array<i32>} : memref<82176xf32, #tpu.memory_space<vmem>>, vector<16xf32>,
      %mul3A_159 = arith.constant 16 : i32
      %mul3A_160 = arith.muli %scan3A_105, %mul3A_159 : i32
      %add3A_161 = arith.constant 46224 : i32
      %add3A_162 = arith.addi %add3A_161, %mul3A_160 : i32
      %get3A_163 = arith.index_cast %add3A_162 : i32 to index
      %get3A_164 = tpu.vector_load %arg6[%get3A_163] {strides = array<i32>} : memref<82176xf32, #tpu.memory_space<vmem>>, vector<16xf32>,
      %mul3A_165 = arith.constant 16 : i32
      %mul3A_166 = arith.muli %scan3A_105, %mul3A_165 : i32
      %add3A_167 = arith.constant 51360 : i32
      %add3A_168 = arith.addi %add3A_167, %mul3A_166 : i32
      %get3A_169 = arith.index_cast %add3A_168 : i32 to index
      %get3A_170 = tpu.vector_load %arg6[%get3A_169] {strides = array<i32>} : memref<82176xf32, #tpu.memory_space<vmem>>, vector<16xf32>,
      %mul3A_171 = arith.constant 16 : i32
      %mul3A_172 = arith.muli %scan3A_105, %mul3A_171 : i32
      %add3A_173 = arith.constant 56496 : i32
      %add3A_174 = arith.addi %add3A_173, %mul3A_172 : i32
      %get3A_175 = arith.index_cast %add3A_174 : i32 to index
      %get3A_176 = tpu.vector_load %arg6[%get3A_175] {strides = array<i32>} : memref<82176xf32, #tpu.memory_space<vmem>>, vector<16xf32>,
      %mul3A_177 = arith.constant 16 : i32
      %mul3A_178 = arith.muli %scan3A_105, %mul3A_177 : i32
      %add3A_179 = arith.constant 61632 : i32
      %add3A_180 = arith.addi %add3A_179, %mul3A_178 : i32
      %get3A_181 = arith.index_cast %add3A_180 : i32 to index
      %get3A_182 = tpu.vector_load %arg6[%get3A_181] {strides = array<i32>} : memref<82176xf32, #tpu.memory_space<vmem>>, vector<16xf32>,
      %mul3A_183 = arith.constant 16 : i32
      %mul3A_184 = arith.muli %scan3A_105, %mul3A_183 : i32
      %add3A_185 = arith.constant 66768 : i32
      %add3A_186 = arith.addi %add3A_185, %mul3A_184 : i32
      %get3A_187 = arith.index_cast %add3A_186 : i32 to index
      %get3A_188 = tpu.vector_load %arg6[%get3A_187] {strides = array<i32>} : memref<82176xf32, #tpu.memory_space<vmem>>, vector<16xf32>,
      %mul3A_189 = arith.constant 16 : i32
      %mul3A_190 = arith.muli %scan3A_105, %mul3A_189 : i32
      %add3A_191 = arith.constant 71904 : i32
      %add3A_192 = arith.addi %add3A_191, %mul3A_190 : i32
      %get3A_193 = arith.index_cast %add3A_192 : i32 to index
      %get3A_194 = tpu.vector_load %arg6[%get3A_193] {strides = array<i32>} : memref<82176xf32, #tpu.memory_space<vmem>>, vector<16xf32>,
      %mul3A_195 = arith.constant 16 : i32
      %mul3A_196 = arith.muli %scan3A_105, %mul3A_195 : i32
      %add3A_197 = arith.constant 77040 : i32
      %add3A_198 = arith.addi %add3A_197, %mul3A_196 : i32
      %get3A_199 = arith.index_cast %add3A_198 : i32 to index
      %get3A_200 = tpu.vector_load %arg6[%get3A_199] {strides = array<i32>} : memref<82176xf32, #tpu.memory_space<vmem>>, vector<16xf32>,
      %add3A_201 = arith.addf %get3A_110, %get3A_116 : vector<16xf32>
      %add3A_202 = arith.addf %get3A_122, %get3A_128 : vector<16xf32>
      %add3A_203 = arith.addf %get3A_134, %get3A_140 : vector<16xf32>
      %add3A_204 = arith.addf %get3A_146, %get3A_152 : vector<16xf32>
      %add3A_205 = arith.addf %get3A_158, %get3A_164 : vector<16xf32>
      %add3A_206 = arith.addf %get3A_170, %get3A_176 : vector<16xf32>
      %add3A_207 = arith.addf %get3A_182, %get3A_188 : vector<16xf32>
      %add3A_208 = arith.addf %get3A_194, %get3A_200 : vector<16xf32>
      %add3A_209 = arith.addf %add3A_201, %add3A_202 : vector<16xf32>
      %add3A_210 = arith.addf %add3A_203, %add3A_204 : vector<16xf32>
      %add3A_211 = arith.addf %add3A_205, %add3A_206 : vector<16xf32>
      %add3A_212 = arith.addf %add3A_207, %add3A_208 : vector<16xf32>
      %add3A_213 = arith.addf %add3A_209, %add3A_210 : vector<16xf32>
      %add3A_214 = arith.addf %add3A_211, %add3A_212 : vector<16xf32>
      %add3A_215 = arith.addf %add3A_213, %add3A_214 : vector<16xf32>
      %mul3A_216 = arith.constant 16 : i32
      %mul3A_217 = arith.muli %scan3A_105, %mul3A_216 : i32
      %swap3A = arith.index_cast %mul3A_217 : i32 to index
      %swap3A_218 = tpu.vector_load %arg7[%swap3A] {strides = array<i32>} : memref<5120xf32, #tpu.memory_space<vmem>>, vector<16xf32>,
      tpu.vector_store %arg7[%swap3A], %add3A_215 {strides = array<i32>} : memref<5120xf32, #tpu.memory_space<vmem>>, vector<16xf32>,
    }
    %scan3A_50 = arith.constant 320 : i32
    %add3A_51 = arith.constant 0 : i32
    %add3A_52 = arith.addi %add3A_51, %add3A : i32
    %mul3A_53 = arith.constant 10240 : i32
    %mul3A_54 = arith.muli %add3A_52, %mul3A_53 : i32
    %add3A_55 = arith.constant 5120 : i32
    %add3A_56 = arith.addi %mul3A_54, %add3A_55 : i32
    "tpu.region"() ({
      %run_scoped3A = tpu.sem_alloc : memref<!tpu.dma_semaphore, #tpu.memory_space<semaphore_mem>>
      %dma_start3A = tpu.memref_slice %arg3[%add3A_56] : memref<655360xf32, #tpu.memory_space<hbm>> -> memref<5120xf32, #tpu.memory_space<hbm>>
      %dma_start3A_105 = tpu.memref_slice %arg3[%add3A_56] : memref<655360xf32, #tpu.memory_space<hbm>> -> memref<5120xf32, #tpu.memory_space<hbm>>
      tpu.enqueue_dma source(%arg7 : memref<5120xf32, #tpu.memory_space<vmem>>) target(%dma_start3A_105 : memref<5120xf32, #tpu.memory_space<hbm>>) target_semaphore(%run_scoped3A : memref<!tpu.dma_semaphore, #tpu.memory_space<semaphore_mem>>)
      %dma_wait3A = tpu.memref_slice %arg3[%add3A_56] : memref<655360xf32, #tpu.memory_space<hbm>> -> memref<5120xf32, #tpu.memory_space<hbm>>
      %dma_wait3A_106 = tpu.memref_slice %arg3[%add3A_56] : memref<655360xf32, #tpu.memory_space<hbm>> -> memref<5120xf32, #tpu.memory_space<hbm>>
      tpu.wait_dma2 semaphore(%run_scoped3A : memref<!tpu.dma_semaphore, #tpu.memory_space<semaphore_mem>>) src(%arg7 : memref<5120xf32, #tpu.memory_space<vmem>>) dst(%dma_wait3A_106 : memref<5120xf32, #tpu.memory_space<hbm>>)
      tpu.yield
    }) : () -> ()
    %scan3A_57 = arith.constant 0 : i32
    %scan3A_58 = arith.constant 0 : i32
    %scan3A_59 = arith.constant 642 : i32
    %scan3A_60 = arith.addi %scan3A_58, %scan3A_59 : i32
    %scan3A_61 = arith.constant 1 : i32
    scf.for %scan3A_105 = %scan3A_58 to %scan3A_60 step %scan3A_61  : i32 {
      %mul3A_106 = arith.constant 128 : i32
      %mul3A_107 = arith.muli %scan3A_105, %mul3A_106 : i32
      %add3A_108 = arith.constant 0 : i32
      %add3A_109 = arith.addi %mul3A_107, %add3A_108 : i32
      %swap3A = arith.index_cast %add3A_109 : i32 to index
      %swap3A_110 = tpu.vector_load %arg6[%swap3A] {strides = array<i32>} : memref<82176xf32, #tpu.memory_space<vmem>>, vector<16xf32>,
      tpu.vector_store %arg6[%swap3A], %broadcast_in_dim3A_9 {strides = array<i32>} : memref<82176xf32, #tpu.memory_space<vmem>>, vector<16xf32>,
      %mul3A_111 = arith.constant 128 : i32
      %mul3A_112 = arith.muli %scan3A_105, %mul3A_111 : i32
      %add3A_113 = arith.constant 16 : i32
      %add3A_114 = arith.addi %mul3A_112, %add3A_113 : i32
      %swap3A_115 = arith.index_cast %add3A_114 : i32 to index
      %swap3A_116 = tpu.vector_load %arg6[%swap3A_115] {strides = array<i32>} : memref<82176xf32, #tpu.memory_space<vmem>>, vector<16xf32>,
      tpu.vector_store %arg6[%swap3A_115], %broadcast_in_dim3A_9 {strides = array<i32>} : memref<82176xf32, #tpu.memory_space<vmem>>, vector<16xf32>,
      %mul3A_117 = arith.constant 128 : i32
      %mul3A_118 = arith.muli %scan3A_105, %mul3A_117 : i32
      %add3A_119 = arith.constant 32 : i32
      %add3A_120 = arith.addi %mul3A_118, %add3A_119 : i32
      %swap3A_121 = arith.index_cast %add3A_120 : i32 to index
      %swap3A_122 = tpu.vector_load %arg6[%swap3A_121] {strides = array<i32>} : memref<82176xf32, #tpu.memory_space<vmem>>, vector<16xf32>,
      tpu.vector_store %arg6[%swap3A_121], %broadcast_in_dim3A_9 {strides = array<i32>} : memref<82176xf32, #tpu.memory_space<vmem>>, vector<16xf32>,
      %mul3A_123 = arith.constant 128 : i32
      %mul3A_124 = arith.muli %scan3A_105, %mul3A_123 : i32
      %add3A_125 = arith.constant 48 : i32
      %add3A_126 = arith.addi %mul3A_124, %add3A_125 : i32
      %swap3A_127 = arith.index_cast %add3A_126 : i32 to index
      %swap3A_128 = tpu.vector_load %arg6[%swap3A_127] {strides = array<i32>} : memref<82176xf32, #tpu.memory_space<vmem>>, vector<16xf32>,
      tpu.vector_store %arg6[%swap3A_127], %broadcast_in_dim3A_9 {strides = array<i32>} : memref<82176xf32, #tpu.memory_space<vmem>>, vector<16xf32>,
      %mul3A_129 = arith.constant 128 : i32
      %mul3A_130 = arith.muli %scan3A_105, %mul3A_129 : i32
      %add3A_131 = arith.constant 64 : i32
      %add3A_132 = arith.addi %mul3A_130, %add3A_131 : i32
      %swap3A_133 = arith.index_cast %add3A_132 : i32 to index
      %swap3A_134 = tpu.vector_load %arg6[%swap3A_133] {strides = array<i32>} : memref<82176xf32, #tpu.memory_space<vmem>>, vector<16xf32>,
      tpu.vector_store %arg6[%swap3A_133], %broadcast_in_dim3A_9 {strides = array<i32>} : memref<82176xf32, #tpu.memory_space<vmem>>, vector<16xf32>,
      %mul3A_135 = arith.constant 128 : i32
      %mul3A_136 = arith.muli %scan3A_105, %mul3A_135 : i32
      %add3A_137 = arith.constant 80 : i32
      %add3A_138 = arith.addi %mul3A_136, %add3A_137 : i32
      %swap3A_139 = arith.index_cast %add3A_138 : i32 to index
      %swap3A_140 = tpu.vector_load %arg6[%swap3A_139] {strides = array<i32>} : memref<82176xf32, #tpu.memory_space<vmem>>, vector<16xf32>,
      tpu.vector_store %arg6[%swap3A_139], %broadcast_in_dim3A_9 {strides = array<i32>} : memref<82176xf32, #tpu.memory_space<vmem>>, vector<16xf32>,
      %mul3A_141 = arith.constant 128 : i32
      %mul3A_142 = arith.muli %scan3A_105, %mul3A_141 : i32
      %add3A_143 = arith.constant 96 : i32
      %add3A_144 = arith.addi %mul3A_142, %add3A_143 : i32
      %swap3A_145 = arith.index_cast %add3A_144 : i32 to index
      %swap3A_146 = tpu.vector_load %arg6[%swap3A_145] {strides = array<i32>} : memref<82176xf32, #tpu.memory_space<vmem>>, vector<16xf32>,
      tpu.vector_store %arg6[%swap3A_145], %broadcast_in_dim3A_9 {strides = array<i32>} : memref<82176xf32, #tpu.memory_space<vmem>>, vector<16xf32>,
      %mul3A_147 = arith.constant 128 : i32
      %mul3A_148 = arith.muli %scan3A_105, %mul3A_147 : i32
      %add3A_149 = arith.constant 112 : i32
      %add3A_150 = arith.addi %mul3A_148, %add3A_149 : i32
      %swap3A_151 = arith.index_cast %add3A_150 : i32 to index
      %swap3A_152 = tpu.vector_load %arg6[%swap3A_151] {strides = array<i32>} : memref<82176xf32, #tpu.memory_space<vmem>>, vector<16xf32>,
      tpu.vector_store %arg6[%swap3A_151], %broadcast_in_dim3A_9 {strides = array<i32>} : memref<82176xf32, #tpu.memory_space<vmem>>, vector<16xf32>,
    }
    %scan3A_62 = arith.constant 642 : i32
    %scan3A_63 = arith.constant 0 : i32
    %scan3A_64 = arith.constant 0 : i32
    %scan3A_65 = arith.constant 625 : i32
    %scan3A_66 = arith.addi %scan3A_64, %scan3A_65 : i32
    %scan3A_67 = arith.constant 1 : i32
    scf.for %scan3A_105 = %scan3A_64 to %scan3A_66 step %scan3A_67  : i32 {
      %mul3A_106 = arith.constant 16 : i32
      %mul3A_107 = arith.muli %scan3A_105, %mul3A_106 : i32
      %get3A = arith.index_cast %mul3A_107 : i32 to index
      %get3A_108 = tpu.vector_load %arg5[%get3A] {strides = array<i32>} : memref<10000xi32, #tpu.memory_space<vmem>>, vector<16xi32>,
      %ge3A = arith.constant 0 : i32
      %ge3A_109 = vector.broadcast %ge3A : i32 to vector<16xi32>
      %ge3A_110 = arith.cmpi sge, %get3A_108, %ge3A_109 : vector<16xi32>
      %lt3A = arith.constant 5120 : i32
      %lt3A_111 = vector.broadcast %lt3A : i32 to vector<16xi32>
      %lt3A_112 = arith.cmpi slt, %get3A_108, %lt3A_111 : vector<16xi32>
      %and3A = arith.andi %ge3A_110, %lt3A_112 : vector<16xi1>
      %mul3A_113 = arith.constant 5136 : i32
      %mul3A_114 = vector.broadcast %mul3A_113 : i32 to vector<16xi32>
      %mul3A_115 = arith.muli %iota3A, %mul3A_114 : vector<16xi32>
      %sub3A = arith.constant 0 : i32
      %sub3A_116 = vector.broadcast %sub3A : i32 to vector<16xi32>
      %sub3A_117 = arith.subi %get3A_108, %sub3A_116 : vector<16xi32>
      %jit3A = arith.constant 5120 : i32
      %broadcast_in_dim3A_118 = vector.broadcast %jit3A : i32 to vector<16xi32>
      %select_n3A = arith.select %and3A, %sub3A_117, %broadcast_in_dim3A_118 : vector<16xi1>, vector<16xi32>
      %add3A_119 = arith.addi %mul3A_115, %select_n3A : vector<16xi32>
      %gather3A = tpu.vector_load_idx %arg6[%add3A_119] : memref<82176xf32, #tpu.memory_space<vmem>>[vector<16xi32>], vector<16xf32>,
      %add3A_120 = arith.addf %gather3A, %broadcast_in_dim3A_7 : vector<16xf32>
      tpu.vector_store_idx %arg6[%add3A_119], %add3A_120 : memref<82176xf32, #tpu.memory_space<vmem>>[vector<16xi32>], vector<16xf32>,
    }
    %scan3A_68 = arith.constant 625 : i32
    %scan3A_69 = arith.constant 0 : i32
    %scan3A_70 = arith.constant 0 : i32
    %scan3A_71 = arith.constant 320 : i32
    %scan3A_72 = arith.addi %scan3A_70, %scan3A_71 : i32
    %scan3A_73 = arith.constant 1 : i32
    scf.for %scan3A_105 = %scan3A_70 to %scan3A_72 step %scan3A_73  : i32 {
      %mul3A_106 = arith.constant 16 : i32
      %mul3A_107 = arith.muli %scan3A_105, %mul3A_106 : i32
      %add3A_108 = arith.constant 0 : i32
      %add3A_109 = arith.addi %add3A_108, %mul3A_107 : i32
      %get3A = arith.index_cast %add3A_109 : i32 to index
      %get3A_110 = tpu.vector_load %arg6[%get3A] {strides = array<i32>} : memref<82176xf32, #tpu.memory_space<vmem>>, vector<16xf32>,
      %mul3A_111 = arith.constant 16 : i32
      %mul3A_112 = arith.muli %scan3A_105, %mul3A_111 : i32
      %add3A_113 = arith.constant 5136 : i32
      %add3A_114 = arith.addi %add3A_113, %mul3A_112 : i32
      %get3A_115 = arith.index_cast %add3A_114 : i32 to index
      %get3A_116 = tpu.vector_load %arg6[%get3A_115] {strides = array<i32>} : memref<82176xf32, #tpu.memory_space<vmem>>, vector<16xf32>,
      %mul3A_117 = arith.constant 16 : i32
      %mul3A_118 = arith.muli %scan3A_105, %mul3A_117 : i32
      %add3A_119 = arith.constant 10272 : i32
      %add3A_120 = arith.addi %add3A_119, %mul3A_118 : i32
      %get3A_121 = arith.index_cast %add3A_120 : i32 to index
      %get3A_122 = tpu.vector_load %arg6[%get3A_121] {strides = array<i32>} : memref<82176xf32, #tpu.memory_space<vmem>>, vector<16xf32>,
      %mul3A_123 = arith.constant 16 : i32
      %mul3A_124 = arith.muli %scan3A_105, %mul3A_123 : i32
      %add3A_125 = arith.constant 15408 : i32
      %add3A_126 = arith.addi %add3A_125, %mul3A_124 : i32
      %get3A_127 = arith.index_cast %add3A_126 : i32 to index
      %get3A_128 = tpu.vector_load %arg6[%get3A_127] {strides = array<i32>} : memref<82176xf32, #tpu.memory_space<vmem>>, vector<16xf32>,
      %mul3A_129 = arith.constant 16 : i32
      %mul3A_130 = arith.muli %scan3A_105, %mul3A_129 : i32
      %add3A_131 = arith.constant 20544 : i32
      %add3A_132 = arith.addi %add3A_131, %mul3A_130 : i32
      %get3A_133 = arith.index_cast %add3A_132 : i32 to index
      %get3A_134 = tpu.vector_load %arg6[%get3A_133] {strides = array<i32>} : memref<82176xf32, #tpu.memory_space<vmem>>, vector<16xf32>,
      %mul3A_135 = arith.constant 16 : i32
      %mul3A_136 = arith.muli %scan3A_105, %mul3A_135 : i32
      %add3A_137 = arith.constant 25680 : i32
      %add3A_138 = arith.addi %add3A_137, %mul3A_136 : i32
      %get3A_139 = arith.index_cast %add3A_138 : i32 to index
      %get3A_140 = tpu.vector_load %arg6[%get3A_139] {strides = array<i32>} : memref<82176xf32, #tpu.memory_space<vmem>>, vector<16xf32>,
      %mul3A_141 = arith.constant 16 : i32
      %mul3A_142 = arith.muli %scan3A_105, %mul3A_141 : i32
      %add3A_143 = arith.constant 30816 : i32
      %add3A_144 = arith.addi %add3A_143, %mul3A_142 : i32
      %get3A_145 = arith.index_cast %add3A_144 : i32 to index
      %get3A_146 = tpu.vector_load %arg6[%get3A_145] {strides = array<i32>} : memref<82176xf32, #tpu.memory_space<vmem>>, vector<16xf32>,
      %mul3A_147 = arith.constant 16 : i32
      %mul3A_148 = arith.muli %scan3A_105, %mul3A_147 : i32
      %add3A_149 = arith.constant 35952 : i32
      %add3A_150 = arith.addi %add3A_149, %mul3A_148 : i32
      %get3A_151 = arith.index_cast %add3A_150 : i32 to index
      %get3A_152 = tpu.vector_load %arg6[%get3A_151] {strides = array<i32>} : memref<82176xf32, #tpu.memory_space<vmem>>, vector<16xf32>,
      %mul3A_153 = arith.constant 16 : i32
      %mul3A_154 = arith.muli %scan3A_105, %mul3A_153 : i32
      %add3A_155 = arith.constant 41088 : i32
      %add3A_156 = arith.addi %add3A_155, %mul3A_154 : i32
      %get3A_157 = arith.index_cast %add3A_156 : i32 to index
      %get3A_158 = tpu.vector_load %arg6[%get3A_157] {strides = array<i32>} : memref<82176xf32, #tpu.memory_space<vmem>>, vector<16xf32>,
      %mul3A_159 = arith.constant 16 : i32
      %mul3A_160 = arith.muli %scan3A_105, %mul3A_159 : i32
      %add3A_161 = arith.constant 46224 : i32
      %add3A_162 = arith.addi %add3A_161, %mul3A_160 : i32
      %get3A_163 = arith.index_cast %add3A_162 : i32 to index
      %get3A_164 = tpu.vector_load %arg6[%get3A_163] {strides = array<i32>} : memref<82176xf32, #tpu.memory_space<vmem>>, vector<16xf32>,
      %mul3A_165 = arith.constant 16 : i32
      %mul3A_166 = arith.muli %scan3A_105, %mul3A_165 : i32
      %add3A_167 = arith.constant 51360 : i32
      %add3A_168 = arith.addi %add3A_167, %mul3A_166 : i32
      %get3A_169 = arith.index_cast %add3A_168 : i32 to index
      %get3A_170 = tpu.vector_load %arg6[%get3A_169] {strides = array<i32>} : memref<82176xf32, #tpu.memory_space<vmem>>, vector<16xf32>,
      %mul3A_171 = arith.constant 16 : i32
      %mul3A_172 = arith.muli %scan3A_105, %mul3A_171 : i32
      %add3A_173 = arith.constant 56496 : i32
      %add3A_174 = arith.addi %add3A_173, %mul3A_172 : i32
      %get3A_175 = arith.index_cast %add3A_174 : i32 to index
      %get3A_176 = tpu.vector_load %arg6[%get3A_175] {strides = array<i32>} : memref<82176xf32, #tpu.memory_space<vmem>>, vector<16xf32>,
      %mul3A_177 = arith.constant 16 : i32
      %mul3A_178 = arith.muli %scan3A_105, %mul3A_177 : i32
      %add3A_179 = arith.constant 61632 : i32
      %add3A_180 = arith.addi %add3A_179, %mul3A_178 : i32
      %get3A_181 = arith.index_cast %add3A_180 : i32 to index
      %get3A_182 = tpu.vector_load %arg6[%get3A_181] {strides = array<i32>} : memref<82176xf32, #tpu.memory_space<vmem>>, vector<16xf32>,
      %mul3A_183 = arith.constant 16 : i32
      %mul3A_184 = arith.muli %scan3A_105, %mul3A_183 : i32
      %add3A_185 = arith.constant 66768 : i32
      %add3A_186 = arith.addi %add3A_185, %mul3A_184 : i32
      %get3A_187 = arith.index_cast %add3A_186 : i32 to index
      %get3A_188 = tpu.vector_load %arg6[%get3A_187] {strides = array<i32>} : memref<82176xf32, #tpu.memory_space<vmem>>, vector<16xf32>,
      %mul3A_189 = arith.constant 16 : i32
      %mul3A_190 = arith.muli %scan3A_105, %mul3A_189 : i32
      %add3A_191 = arith.constant 71904 : i32
      %add3A_192 = arith.addi %add3A_191, %mul3A_190 : i32
      %get3A_193 = arith.index_cast %add3A_192 : i32 to index
      %get3A_194 = tpu.vector_load %arg6[%get3A_193] {strides = array<i32>} : memref<82176xf32, #tpu.memory_space<vmem>>, vector<16xf32>,
      %mul3A_195 = arith.constant 16 : i32
      %mul3A_196 = arith.muli %scan3A_105, %mul3A_195 : i32
      %add3A_197 = arith.constant 77040 : i32
      %add3A_198 = arith.addi %add3A_197, %mul3A_196 : i32
      %get3A_199 = arith.index_cast %add3A_198 : i32 to index
      %get3A_200 = tpu.vector_load %arg6[%get3A_199] {strides = array<i32>} : memref<82176xf32, #tpu.memory_space<vmem>>, vector<16xf32>,
      %add3A_201 = arith.addf %get3A_110, %get3A_116 : vector<16xf32>
      %add3A_202 = arith.addf %get3A_122, %get3A_128 : vector<16xf32>
      %add3A_203 = arith.addf %get3A_134, %get3A_140 : vector<16xf32>
      %add3A_204 = arith.addf %get3A_146, %get3A_152 : vector<16xf32>
      %add3A_205 = arith.addf %get3A_158, %get3A_164 : vector<16xf32>
      %add3A_206 = arith.addf %get3A_170, %get3A_176 : vector<16xf32>
      %add3A_207 = arith.addf %get3A_182, %get3A_188 : vector<16xf32>
      %add3A_208 = arith.addf %get3A_194, %get3A_200 : vector<16xf32>
      %add3A_209 = arith.addf %add3A_201, %add3A_202 : vector<16xf32>
      %add3A_210 = arith.addf %add3A_203, %add3A_204 : vector<16xf32>
      %add3A_211 = arith.addf %add3A_205, %add3A_206 : vector<16xf32>
      %add3A_212 = arith.addf %add3A_207, %add3A_208 : vector<16xf32>
      %add3A_213 = arith.addf %add3A_209, %add3A_210 : vector<16xf32>
      %add3A_214 = arith.addf %add3A_211, %add3A_212 : vector<16xf32>
      %add3A_215 = arith.addf %add3A_213, %add3A_214 : vector<16xf32>
      %mul3A_216 = arith.constant 16 : i32
      %mul3A_217 = arith.muli %scan3A_105, %mul3A_216 : i32
      %swap3A = arith.index_cast %mul3A_217 : i32 to index
      %swap3A_218 = tpu.vector_load %arg7[%swap3A] {strides = array<i32>} : memref<5120xf32, #tpu.memory_space<vmem>>, vector<16xf32>,
      tpu.vector_store %arg7[%swap3A], %add3A_215 {strides = array<i32>} : memref<5120xf32, #tpu.memory_space<vmem>>, vector<16xf32>,
    }
    %scan3A_74 = arith.constant 320 : i32
    %add3A_75 = arith.constant 32 : i32
    %add3A_76 = arith.addi %add3A_75, %add3A : i32
    %mul3A_77 = arith.constant 10240 : i32
    %mul3A_78 = arith.muli %add3A_76, %mul3A_77 : i32
    %add3A_79 = arith.constant 0 : i32
    %add3A_80 = arith.addi %mul3A_78, %add3A_79 : i32
    "tpu.region"() ({
      %run_scoped3A = tpu.sem_alloc : memref<!tpu.dma_semaphore, #tpu.memory_space<semaphore_mem>>
      %dma_start3A = tpu.memref_slice %arg3[%add3A_80] : memref<655360xf32, #tpu.memory_space<hbm>> -> memref<5120xf32, #tpu.memory_space<hbm>>
      %dma_start3A_105 = tpu.memref_slice %arg3[%add3A_80] : memref<655360xf32, #tpu.memory_space<hbm>> -> memref<5120xf32, #tpu.memory_space<hbm>>
      tpu.enqueue_dma source(%arg7 : memref<5120xf32, #tpu.memory_space<vmem>>) target(%dma_start3A_105 : memref<5120xf32, #tpu.memory_space<hbm>>) target_semaphore(%run_scoped3A : memref<!tpu.dma_semaphore, #tpu.memory_space<semaphore_mem>>)
      %dma_wait3A = tpu.memref_slice %arg3[%add3A_80] : memref<655360xf32, #tpu.memory_space<hbm>> -> memref<5120xf32, #tpu.memory_space<hbm>>
      %dma_wait3A_106 = tpu.memref_slice %arg3[%add3A_80] : memref<655360xf32, #tpu.memory_space<hbm>> -> memref<5120xf32, #tpu.memory_space<hbm>>
      tpu.wait_dma2 semaphore(%run_scoped3A : memref<!tpu.dma_semaphore, #tpu.memory_space<semaphore_mem>>) src(%arg7 : memref<5120xf32, #tpu.memory_space<vmem>>) dst(%dma_wait3A_106 : memref<5120xf32, #tpu.memory_space<hbm>>)
      tpu.yield
    }) : () -> ()
    %scan3A_81 = arith.constant 0 : i32
    %scan3A_82 = arith.constant 0 : i32
    %scan3A_83 = arith.constant 642 : i32
    %scan3A_84 = arith.addi %scan3A_82, %scan3A_83 : i32
    %scan3A_85 = arith.constant 1 : i32
    scf.for %scan3A_105 = %scan3A_82 to %scan3A_84 step %scan3A_85  : i32 {
      %mul3A_106 = arith.constant 128 : i32
      %mul3A_107 = arith.muli %scan3A_105, %mul3A_106 : i32
      %add3A_108 = arith.constant 0 : i32
      %add3A_109 = arith.addi %mul3A_107, %add3A_108 : i32
      %swap3A = arith.index_cast %add3A_109 : i32 to index
      %swap3A_110 = tpu.vector_load %arg6[%swap3A] {strides = array<i32>} : memref<82176xf32, #tpu.memory_space<vmem>>, vector<16xf32>,
      tpu.vector_store %arg6[%swap3A], %broadcast_in_dim3A_9 {strides = array<i32>} : memref<82176xf32, #tpu.memory_space<vmem>>, vector<16xf32>,
      %mul3A_111 = arith.constant 128 : i32
      %mul3A_112 = arith.muli %scan3A_105, %mul3A_111 : i32
      %add3A_113 = arith.constant 16 : i32
      %add3A_114 = arith.addi %mul3A_112, %add3A_113 : i32
      %swap3A_115 = arith.index_cast %add3A_114 : i32 to index
      %swap3A_116 = tpu.vector_load %arg6[%swap3A_115] {strides = array<i32>} : memref<82176xf32, #tpu.memory_space<vmem>>, vector<16xf32>,
      tpu.vector_store %arg6[%swap3A_115], %broadcast_in_dim3A_9 {strides = array<i32>} : memref<82176xf32, #tpu.memory_space<vmem>>, vector<16xf32>,
      %mul3A_117 = arith.constant 128 : i32
      %mul3A_118 = arith.muli %scan3A_105, %mul3A_117 : i32
      %add3A_119 = arith.constant 32 : i32
      %add3A_120 = arith.addi %mul3A_118, %add3A_119 : i32
      %swap3A_121 = arith.index_cast %add3A_120 : i32 to index
      %swap3A_122 = tpu.vector_load %arg6[%swap3A_121] {strides = array<i32>} : memref<82176xf32, #tpu.memory_space<vmem>>, vector<16xf32>,
      tpu.vector_store %arg6[%swap3A_121], %broadcast_in_dim3A_9 {strides = array<i32>} : memref<82176xf32, #tpu.memory_space<vmem>>, vector<16xf32>,
      %mul3A_123 = arith.constant 128 : i32
      %mul3A_124 = arith.muli %scan3A_105, %mul3A_123 : i32
      %add3A_125 = arith.constant 48 : i32
      %add3A_126 = arith.addi %mul3A_124, %add3A_125 : i32
      %swap3A_127 = arith.index_cast %add3A_126 : i32 to index
      %swap3A_128 = tpu.vector_load %arg6[%swap3A_127] {strides = array<i32>} : memref<82176xf32, #tpu.memory_space<vmem>>, vector<16xf32>,
      tpu.vector_store %arg6[%swap3A_127], %broadcast_in_dim3A_9 {strides = array<i32>} : memref<82176xf32, #tpu.memory_space<vmem>>, vector<16xf32>,
      %mul3A_129 = arith.constant 128 : i32
      %mul3A_130 = arith.muli %scan3A_105, %mul3A_129 : i32
      %add3A_131 = arith.constant 64 : i32
      %add3A_132 = arith.addi %mul3A_130, %add3A_131 : i32
      %swap3A_133 = arith.index_cast %add3A_132 : i32 to index
      %swap3A_134 = tpu.vector_load %arg6[%swap3A_133] {strides = array<i32>} : memref<82176xf32, #tpu.memory_space<vmem>>, vector<16xf32>,
      tpu.vector_store %arg6[%swap3A_133], %broadcast_in_dim3A_9 {strides = array<i32>} : memref<82176xf32, #tpu.memory_space<vmem>>, vector<16xf32>,
      %mul3A_135 = arith.constant 128 : i32
      %mul3A_136 = arith.muli %scan3A_105, %mul3A_135 : i32
      %add3A_137 = arith.constant 80 : i32
      %add3A_138 = arith.addi %mul3A_136, %add3A_137 : i32
      %swap3A_139 = arith.index_cast %add3A_138 : i32 to index
      %swap3A_140 = tpu.vector_load %arg6[%swap3A_139] {strides = array<i32>} : memref<82176xf32, #tpu.memory_space<vmem>>, vector<16xf32>,
      tpu.vector_store %arg6[%swap3A_139], %broadcast_in_dim3A_9 {strides = array<i32>} : memref<82176xf32, #tpu.memory_space<vmem>>, vector<16xf32>,
      %mul3A_141 = arith.constant 128 : i32
      %mul3A_142 = arith.muli %scan3A_105, %mul3A_141 : i32
      %add3A_143 = arith.constant 96 : i32
      %add3A_144 = arith.addi %mul3A_142, %add3A_143 : i32
      %swap3A_145 = arith.index_cast %add3A_144 : i32 to index
      %swap3A_146 = tpu.vector_load %arg6[%swap3A_145] {strides = array<i32>} : memref<82176xf32, #tpu.memory_space<vmem>>, vector<16xf32>,
      tpu.vector_store %arg6[%swap3A_145], %broadcast_in_dim3A_9 {strides = array<i32>} : memref<82176xf32, #tpu.memory_space<vmem>>, vector<16xf32>,
      %mul3A_147 = arith.constant 128 : i32
      %mul3A_148 = arith.muli %scan3A_105, %mul3A_147 : i32
      %add3A_149 = arith.constant 112 : i32
      %add3A_150 = arith.addi %mul3A_148, %add3A_149 : i32
      %swap3A_151 = arith.index_cast %add3A_150 : i32 to index
      %swap3A_152 = tpu.vector_load %arg6[%swap3A_151] {strides = array<i32>} : memref<82176xf32, #tpu.memory_space<vmem>>, vector<16xf32>,
      tpu.vector_store %arg6[%swap3A_151], %broadcast_in_dim3A_9 {strides = array<i32>} : memref<82176xf32, #tpu.memory_space<vmem>>, vector<16xf32>,
    }
    %scan3A_86 = arith.constant 642 : i32
    %scan3A_87 = arith.constant 0 : i32
    %scan3A_88 = arith.constant 0 : i32
    %scan3A_89 = arith.constant 625 : i32
    %scan3A_90 = arith.addi %scan3A_88, %scan3A_89 : i32
    %scan3A_91 = arith.constant 1 : i32
    scf.for %scan3A_105 = %scan3A_88 to %scan3A_90 step %scan3A_91  : i32 {
      %mul3A_106 = arith.constant 16 : i32
      %mul3A_107 = arith.muli %scan3A_105, %mul3A_106 : i32
      %get3A = arith.index_cast %mul3A_107 : i32 to index
      %get3A_108 = tpu.vector_load %arg5[%get3A] {strides = array<i32>} : memref<10000xi32, #tpu.memory_space<vmem>>, vector<16xi32>,
      %ge3A = arith.constant 5120 : i32
      %ge3A_109 = vector.broadcast %ge3A : i32 to vector<16xi32>
      %ge3A_110 = arith.cmpi sge, %get3A_108, %ge3A_109 : vector<16xi32>
      %lt3A = arith.constant 10240 : i32
      %lt3A_111 = vector.broadcast %lt3A : i32 to vector<16xi32>
      %lt3A_112 = arith.cmpi slt, %get3A_108, %lt3A_111 : vector<16xi32>
      %and3A = arith.andi %ge3A_110, %lt3A_112 : vector<16xi1>
      %mul3A_113 = arith.constant 5136 : i32
      %mul3A_114 = vector.broadcast %mul3A_113 : i32 to vector<16xi32>
      %mul3A_115 = arith.muli %iota3A, %mul3A_114 : vector<16xi32>
      %sub3A = arith.constant 5120 : i32
      %sub3A_116 = vector.broadcast %sub3A : i32 to vector<16xi32>
      %sub3A_117 = arith.subi %get3A_108, %sub3A_116 : vector<16xi32>
      %jit3A = arith.constant 5120 : i32
      %broadcast_in_dim3A_118 = vector.broadcast %jit3A : i32 to vector<16xi32>
      %select_n3A = arith.select %and3A, %sub3A_117, %broadcast_in_dim3A_118 : vector<16xi1>, vector<16xi32>
      %add3A_119 = arith.addi %mul3A_115, %select_n3A : vector<16xi32>
      %gather3A = tpu.vector_load_idx %arg6[%add3A_119] : memref<82176xf32, #tpu.memory_space<vmem>>[vector<16xi32>], vector<16xf32>,
      %add3A_120 = arith.addf %gather3A, %broadcast_in_dim3A_7 : vector<16xf32>
      tpu.vector_store_idx %arg6[%add3A_119], %add3A_120 : memref<82176xf32, #tpu.memory_space<vmem>>[vector<16xi32>], vector<16xf32>,
    }
    %scan3A_92 = arith.constant 625 : i32
    %scan3A_93 = arith.constant 0 : i32
    %scan3A_94 = arith.constant 0 : i32
    %scan3A_95 = arith.constant 320 : i32
    %scan3A_96 = arith.addi %scan3A_94, %scan3A_95 : i32
    %scan3A_97 = arith.constant 1 : i32
    scf.for %scan3A_105 = %scan3A_94 to %scan3A_96 step %scan3A_97  : i32 {
      %mul3A_106 = arith.constant 16 : i32
      %mul3A_107 = arith.muli %scan3A_105, %mul3A_106 : i32
      %add3A_108 = arith.constant 0 : i32
      %add3A_109 = arith.addi %add3A_108, %mul3A_107 : i32
      %get3A = arith.index_cast %add3A_109 : i32 to index
      %get3A_110 = tpu.vector_load %arg6[%get3A] {strides = array<i32>} : memref<82176xf32, #tpu.memory_space<vmem>>, vector<16xf32>,
      %mul3A_111 = arith.constant 16 : i32
      %mul3A_112 = arith.muli %scan3A_105, %mul3A_111 : i32
      %add3A_113 = arith.constant 5136 : i32
      %add3A_114 = arith.addi %add3A_113, %mul3A_112 : i32
      %get3A_115 = arith.index_cast %add3A_114 : i32 to index
      %get3A_116 = tpu.vector_load %arg6[%get3A_115] {strides = array<i32>} : memref<82176xf32, #tpu.memory_space<vmem>>, vector<16xf32>,
      %mul3A_117 = arith.constant 16 : i32
      %mul3A_118 = arith.muli %scan3A_105, %mul3A_117 : i32
      %add3A_119 = arith.constant 10272 : i32
      %add3A_120 = arith.addi %add3A_119, %mul3A_118 : i32
      %get3A_121 = arith.index_cast %add3A_120 : i32 to index
      %get3A_122 = tpu.vector_load %arg6[%get3A_121] {strides = array<i32>} : memref<82176xf32, #tpu.memory_space<vmem>>, vector<16xf32>,
      %mul3A_123 = arith.constant 16 : i32
      %mul3A_124 = arith.muli %scan3A_105, %mul3A_123 : i32
      %add3A_125 = arith.constant 15408 : i32
      %add3A_126 = arith.addi %add3A_125, %mul3A_124 : i32
      %get3A_127 = arith.index_cast %add3A_126 : i32 to index
      %get3A_128 = tpu.vector_load %arg6[%get3A_127] {strides = array<i32>} : memref<82176xf32, #tpu.memory_space<vmem>>, vector<16xf32>,
      %mul3A_129 = arith.constant 16 : i32
      %mul3A_130 = arith.muli %scan3A_105, %mul3A_129 : i32
      %add3A_131 = arith.constant 20544 : i32
      %add3A_132 = arith.addi %add3A_131, %mul3A_130 : i32
      %get3A_133 = arith.index_cast %add3A_132 : i32 to index
      %get3A_134 = tpu.vector_load %arg6[%get3A_133] {strides = array<i32>} : memref<82176xf32, #tpu.memory_space<vmem>>, vector<16xf32>,
      %mul3A_135 = arith.constant 16 : i32
      %mul3A_136 = arith.muli %scan3A_105, %mul3A_135 : i32
      %add3A_137 = arith.constant 25680 : i32
      %add3A_138 = arith.addi %add3A_137, %mul3A_136 : i32
      %get3A_139 = arith.index_cast %add3A_138 : i32 to index
      %get3A_140 = tpu.vector_load %arg6[%get3A_139] {strides = array<i32>} : memref<82176xf32, #tpu.memory_space<vmem>>, vector<16xf32>,
      %mul3A_141 = arith.constant 16 : i32
      %mul3A_142 = arith.muli %scan3A_105, %mul3A_141 : i32
      %add3A_143 = arith.constant 30816 : i32
      %add3A_144 = arith.addi %add3A_143, %mul3A_142 : i32
      %get3A_145 = arith.index_cast %add3A_144 : i32 to index
      %get3A_146 = tpu.vector_load %arg6[%get3A_145] {strides = array<i32>} : memref<82176xf32, #tpu.memory_space<vmem>>, vector<16xf32>,
      %mul3A_147 = arith.constant 16 : i32
      %mul3A_148 = arith.muli %scan3A_105, %mul3A_147 : i32
      %add3A_149 = arith.constant 35952 : i32
      %add3A_150 = arith.addi %add3A_149, %mul3A_148 : i32
      %get3A_151 = arith.index_cast %add3A_150 : i32 to index
      %get3A_152 = tpu.vector_load %arg6[%get3A_151] {strides = array<i32>} : memref<82176xf32, #tpu.memory_space<vmem>>, vector<16xf32>,
      %mul3A_153 = arith.constant 16 : i32
      %mul3A_154 = arith.muli %scan3A_105, %mul3A_153 : i32
      %add3A_155 = arith.constant 41088 : i32
      %add3A_156 = arith.addi %add3A_155, %mul3A_154 : i32
      %get3A_157 = arith.index_cast %add3A_156 : i32 to index
      %get3A_158 = tpu.vector_load %arg6[%get3A_157] {strides = array<i32>} : memref<82176xf32, #tpu.memory_space<vmem>>, vector<16xf32>,
      %mul3A_159 = arith.constant 16 : i32
      %mul3A_160 = arith.muli %scan3A_105, %mul3A_159 : i32
      %add3A_161 = arith.constant 46224 : i32
      %add3A_162 = arith.addi %add3A_161, %mul3A_160 : i32
      %get3A_163 = arith.index_cast %add3A_162 : i32 to index
      %get3A_164 = tpu.vector_load %arg6[%get3A_163] {strides = array<i32>} : memref<82176xf32, #tpu.memory_space<vmem>>, vector<16xf32>,
      %mul3A_165 = arith.constant 16 : i32
      %mul3A_166 = arith.muli %scan3A_105, %mul3A_165 : i32
      %add3A_167 = arith.constant 51360 : i32
      %add3A_168 = arith.addi %add3A_167, %mul3A_166 : i32
      %get3A_169 = arith.index_cast %add3A_168 : i32 to index
      %get3A_170 = tpu.vector_load %arg6[%get3A_169] {strides = array<i32>} : memref<82176xf32, #tpu.memory_space<vmem>>, vector<16xf32>,
      %mul3A_171 = arith.constant 16 : i32
      %mul3A_172 = arith.muli %scan3A_105, %mul3A_171 : i32
      %add3A_173 = arith.constant 56496 : i32
      %add3A_174 = arith.addi %add3A_173, %mul3A_172 : i32
      %get3A_175 = arith.index_cast %add3A_174 : i32 to index
      %get3A_176 = tpu.vector_load %arg6[%get3A_175] {strides = array<i32>} : memref<82176xf32, #tpu.memory_space<vmem>>, vector<16xf32>,
      %mul3A_177 = arith.constant 16 : i32
      %mul3A_178 = arith.muli %scan3A_105, %mul3A_177 : i32
      %add3A_179 = arith.constant 61632 : i32
      %add3A_180 = arith.addi %add3A_179, %mul3A_178 : i32
      %get3A_181 = arith.index_cast %add3A_180 : i32 to index
      %get3A_182 = tpu.vector_load %arg6[%get3A_181] {strides = array<i32>} : memref<82176xf32, #tpu.memory_space<vmem>>, vector<16xf32>,
      %mul3A_183 = arith.constant 16 : i32
      %mul3A_184 = arith.muli %scan3A_105, %mul3A_183 : i32
      %add3A_185 = arith.constant 66768 : i32
      %add3A_186 = arith.addi %add3A_185, %mul3A_184 : i32
      %get3A_187 = arith.index_cast %add3A_186 : i32 to index
      %get3A_188 = tpu.vector_load %arg6[%get3A_187] {strides = array<i32>} : memref<82176xf32, #tpu.memory_space<vmem>>, vector<16xf32>,
      %mul3A_189 = arith.constant 16 : i32
      %mul3A_190 = arith.muli %scan3A_105, %mul3A_189 : i32
      %add3A_191 = arith.constant 71904 : i32
      %add3A_192 = arith.addi %add3A_191, %mul3A_190 : i32
      %get3A_193 = arith.index_cast %add3A_192 : i32 to index
      %get3A_194 = tpu.vector_load %arg6[%get3A_193] {strides = array<i32>} : memref<82176xf32, #tpu.memory_space<vmem>>, vector<16xf32>,
      %mul3A_195 = arith.constant 16 : i32
      %mul3A_196 = arith.muli %scan3A_105, %mul3A_195 : i32
      %add3A_197 = arith.constant 77040 : i32
      %add3A_198 = arith.addi %add3A_197, %mul3A_196 : i32
      %get3A_199 = arith.index_cast %add3A_198 : i32 to index
      %get3A_200 = tpu.vector_load %arg6[%get3A_199] {strides = array<i32>} : memref<82176xf32, #tpu.memory_space<vmem>>, vector<16xf32>,
      %add3A_201 = arith.addf %get3A_110, %get3A_116 : vector<16xf32>
      %add3A_202 = arith.addf %get3A_122, %get3A_128 : vector<16xf32>
      %add3A_203 = arith.addf %get3A_134, %get3A_140 : vector<16xf32>
      %add3A_204 = arith.addf %get3A_146, %get3A_152 : vector<16xf32>
      %add3A_205 = arith.addf %get3A_158, %get3A_164 : vector<16xf32>
      %add3A_206 = arith.addf %get3A_170, %get3A_176 : vector<16xf32>
      %add3A_207 = arith.addf %get3A_182, %get3A_188 : vector<16xf32>
      %add3A_208 = arith.addf %get3A_194, %get3A_200 : vector<16xf32>
      %add3A_209 = arith.addf %add3A_201, %add3A_202 : vector<16xf32>
      %add3A_210 = arith.addf %add3A_203, %add3A_204 : vector<16xf32>
      %add3A_211 = arith.addf %add3A_205, %add3A_206 : vector<16xf32>
      %add3A_212 = arith.addf %add3A_207, %add3A_208 : vector<16xf32>
      %add3A_213 = arith.addf %add3A_209, %add3A_210 : vector<16xf32>
      %add3A_214 = arith.addf %add3A_211, %add3A_212 : vector<16xf32>
      %add3A_215 = arith.addf %add3A_213, %add3A_214 : vector<16xf32>
      %mul3A_216 = arith.constant 16 : i32
      %mul3A_217 = arith.muli %scan3A_105, %mul3A_216 : i32
      %swap3A = arith.index_cast %mul3A_217 : i32 to index
      %swap3A_218 = tpu.vector_load %arg7[%swap3A] {strides = array<i32>} : memref<5120xf32, #tpu.memory_space<vmem>>, vector<16xf32>,
      tpu.vector_store %arg7[%swap3A], %add3A_215 {strides = array<i32>} : memref<5120xf32, #tpu.memory_space<vmem>>, vector<16xf32>,
    }
    %scan3A_98 = arith.constant 320 : i32
    %add3A_99 = arith.constant 32 : i32
    %add3A_100 = arith.addi %add3A_99, %add3A : i32
    %mul3A_101 = arith.constant 10240 : i32
    %mul3A_102 = arith.muli %add3A_100, %mul3A_101 : i32
    %add3A_103 = arith.constant 5120 : i32
    %add3A_104 = arith.addi %mul3A_102, %add3A_103 : i32
    "tpu.region"() ({
      %run_scoped3A = tpu.sem_alloc : memref<!tpu.dma_semaphore, #tpu.memory_space<semaphore_mem>>
      %dma_start3A = tpu.memref_slice %arg3[%add3A_104] : memref<655360xf32, #tpu.memory_space<hbm>> -> memref<5120xf32, #tpu.memory_space<hbm>>
      %dma_start3A_105 = tpu.memref_slice %arg3[%add3A_104] : memref<655360xf32, #tpu.memory_space<hbm>> -> memref<5120xf32, #tpu.memory_space<hbm>>
      tpu.enqueue_dma source(%arg7 : memref<5120xf32, #tpu.memory_space<vmem>>) target(%dma_start3A_105 : memref<5120xf32, #tpu.memory_space<hbm>>) target_semaphore(%run_scoped3A : memref<!tpu.dma_semaphore, #tpu.memory_space<semaphore_mem>>)
      %dma_wait3A = tpu.memref_slice %arg3[%add3A_104] : memref<655360xf32, #tpu.memory_space<hbm>> -> memref<5120xf32, #tpu.memory_space<hbm>>
      %dma_wait3A_106 = tpu.memref_slice %arg3[%add3A_104] : memref<655360xf32, #tpu.memory_space<hbm>> -> memref<5120xf32, #tpu.memory_space<hbm>>
      tpu.wait_dma2 semaphore(%run_scoped3A : memref<!tpu.dma_semaphore, #tpu.memory_space<semaphore_mem>>) src(%arg7 : memref<5120xf32, #tpu.memory_space<vmem>>) dst(%dma_wait3A_106 : memref<5120xf32, #tpu.memory_space<hbm>>)
      tpu.yield
    }) : () -> ()
    return
  }
}

#map = affine_map<(d0, d1) -> (0, 0)>
#map1 = affine_map<(d0, d1) -> (0, 0, 0, 0)>
module attributes {stable_mosaic.version = 14 : i64} {
  func.func @_scat_body(%arg0: i32, %arg1: i32, %arg2: memref<10000x128xf32, #tpu.memory_space<hbm>>, %arg3: memref<32x79x2x128xi32, #tpu.memory_space<hbm>>, %arg4: memref<128x128xf32, #tpu.memory_space<hbm>>, %arg5: memref<20480x128xf32, #tpu.memory_space<hbm>>, %arg6: memref<2x2x128xi32, #tpu.memory_space<vmem>>, %arg7: memref<2x128x128xf32, #tpu.memory_space<vmem>>, %arg8: memref<!tpu.dma_semaphore, #tpu.memory_space<semaphore_mem>>, %arg9: memref<!tpu.dma_semaphore, #tpu.memory_space<semaphore_mem>>, %arg10: memref<!tpu.dma_semaphore, #tpu.memory_space<semaphore_mem>>, %arg11: memref<10240x128xf32, #tpu.memory_space<vmem_shared>>) attributes {dimension_semantics = [#tpu.dimension_semantics<core_parallel>, #tpu.dimension_semantics<subcore_parallel>], iteration_bounds = array<i64: 2, 16>, scalar_prefetch = 0 : i64, scratch_operands = 6 : i64, tpu.core_type = #tpu.core_type<sc_vector_subcore>, window_params = [{transform_indices = #map}, {transform_indices = #map1}, {transform_indices = #map}, {transform_indices = #map}]} {
    %mul3A = arith.constant 2 : i32
    %mul3A_0 = arith.muli %arg1, %mul3A : i32
    %add3A = arith.addi %mul3A_0, %arg0 : i32
    %mul3A_1 = arith.constant 640 : i32
    %mul3A_2 = arith.muli %arg1, %mul3A_1 : i32
    %add3A_3 = arith.constant 0 : i32
    %add3A_4 = arith.addi %mul3A_2, %add3A_3 : i32
    %dma_start3A = arith.constant 0 : i32
    %dma_start3A_5 = tpu.memref_slice %arg11[%add3A_4, %dma_start3A] : memref<10240x128xf32, #tpu.memory_space<vmem_shared>> -> memref<128x128xf32, #tpu.memory_space<vmem_shared>>
    tpu.enqueue_dma source(%arg4 : memref<128x128xf32, #tpu.memory_space<hbm>>) target(%dma_start3A_5 : memref<128x128xf32, #tpu.memory_space<vmem_shared>>) target_semaphore(%arg10 : memref<!tpu.dma_semaphore, #tpu.memory_space<semaphore_mem>>)
    %add3A_6 = arith.constant 128 : i32
    %add3A_7 = arith.addi %mul3A_2, %add3A_6 : i32
    %dma_start3A_8 = arith.constant 0 : i32
    %dma_start3A_9 = tpu.memref_slice %arg11[%add3A_7, %dma_start3A_8] : memref<10240x128xf32, #tpu.memory_space<vmem_shared>> -> memref<128x128xf32, #tpu.memory_space<vmem_shared>>
    tpu.enqueue_dma source(%arg4 : memref<128x128xf32, #tpu.memory_space<hbm>>) target(%dma_start3A_9 : memref<128x128xf32, #tpu.memory_space<vmem_shared>>) target_semaphore(%arg10 : memref<!tpu.dma_semaphore, #tpu.memory_space<semaphore_mem>>)
    %add3A_10 = arith.constant 256 : i32
    %add3A_11 = arith.addi %mul3A_2, %add3A_10 : i32
    %dma_start3A_12 = arith.constant 0 : i32
    %dma_start3A_13 = tpu.memref_slice %arg11[%add3A_11, %dma_start3A_12] : memref<10240x128xf32, #tpu.memory_space<vmem_shared>> -> memref<128x128xf32, #tpu.memory_space<vmem_shared>>
    tpu.enqueue_dma source(%arg4 : memref<128x128xf32, #tpu.memory_space<hbm>>) target(%dma_start3A_13 : memref<128x128xf32, #tpu.memory_space<vmem_shared>>) target_semaphore(%arg10 : memref<!tpu.dma_semaphore, #tpu.memory_space<semaphore_mem>>)
    %add3A_14 = arith.constant 384 : i32
    %add3A_15 = arith.addi %mul3A_2, %add3A_14 : i32
    %dma_start3A_16 = arith.constant 0 : i32
    %dma_start3A_17 = tpu.memref_slice %arg11[%add3A_15, %dma_start3A_16] : memref<10240x128xf32, #tpu.memory_space<vmem_shared>> -> memref<128x128xf32, #tpu.memory_space<vmem_shared>>
    tpu.enqueue_dma source(%arg4 : memref<128x128xf32, #tpu.memory_space<hbm>>) target(%dma_start3A_17 : memref<128x128xf32, #tpu.memory_space<vmem_shared>>) target_semaphore(%arg10 : memref<!tpu.dma_semaphore, #tpu.memory_space<semaphore_mem>>)
    %add3A_18 = arith.constant 512 : i32
    %add3A_19 = arith.addi %mul3A_2, %add3A_18 : i32
    %dma_start3A_20 = arith.constant 0 : i32
    %dma_start3A_21 = tpu.memref_slice %arg11[%add3A_19, %dma_start3A_20] : memref<10240x128xf32, #tpu.memory_space<vmem_shared>> -> memref<128x128xf32, #tpu.memory_space<vmem_shared>>
    tpu.enqueue_dma source(%arg4 : memref<128x128xf32, #tpu.memory_space<hbm>>) target(%dma_start3A_21 : memref<128x128xf32, #tpu.memory_space<vmem_shared>>) target_semaphore(%arg10 : memref<!tpu.dma_semaphore, #tpu.memory_space<semaphore_mem>>)
    %dma_start3A_22 = arith.constant 0 : i32
    %dma_start3A_23 = arith.constant 0 : i32
    %dma_start3A_24 = arith.constant 0 : i32
    %dma_start3A_25 = arith.constant 0 : i32
    %dma_start3A_26 = tpu.memref_slice %arg6[%dma_start3A_23, %dma_start3A_24, %dma_start3A_25] : memref<2x2x128xi32, #tpu.memory_space<vmem>> -> memref<1x2x128xi32, #tpu.memory_space<vmem>>
    %dma_start3A_27 = tpu.memref_squeeze %dma_start3A_26 : memref<1x2x128xi32, #tpu.memory_space<vmem>> -> memref<2x128xi32, #tpu.memory_space<vmem>>
    %dma_start3A_28 = arith.constant 0 : i32
    %dma_start3A_29 = arith.constant 0 : i32
    %dma_start3A_30 = tpu.memref_slice %arg3[%add3A, %dma_start3A_22, %dma_start3A_28, %dma_start3A_29] : memref<32x79x2x128xi32, #tpu.memory_space<hbm>> -> memref<1x1x2x128xi32, #tpu.memory_space<hbm>>
    %dma_start3A_31 = tpu.memref_squeeze %dma_start3A_30 : memref<1x1x2x128xi32, #tpu.memory_space<hbm>> -> memref<2x128xi32, #tpu.memory_space<hbm>>
    %dma_start3A_32 = arith.constant 0 : i32
    %dma_start3A_33 = arith.constant 0 : i32
    %dma_start3A_34 = tpu.memref_slice %arg6[%dma_start3A_23, %dma_start3A_32, %dma_start3A_33] : memref<2x2x128xi32, #tpu.memory_space<vmem>> -> memref<1x2x128xi32, #tpu.memory_space<vmem>>
    %dma_start3A_35 = tpu.memref_squeeze %dma_start3A_34 : memref<1x2x128xi32, #tpu.memory_space<vmem>> -> memref<2x128xi32, #tpu.memory_space<vmem>>
    %dma_start3A_36 = arith.constant 0 : i32
    %dma_start3A_37 = arith.constant 0 : i32
    %dma_start3A_38 = tpu.memref_slice %arg3[%add3A, %dma_start3A_22, %dma_start3A_36, %dma_start3A_37] : memref<32x79x2x128xi32, #tpu.memory_space<hbm>> -> memref<1x1x2x128xi32, #tpu.memory_space<hbm>>
    %dma_start3A_39 = tpu.memref_squeeze %dma_start3A_38 : memref<1x1x2x128xi32, #tpu.memory_space<hbm>> -> memref<2x128xi32, #tpu.memory_space<hbm>>
    tpu.enqueue_dma source(%dma_start3A_39 : memref<2x128xi32, #tpu.memory_space<hbm>>) target(%dma_start3A_35 : memref<2x128xi32, #tpu.memory_space<vmem>>) target_semaphore(%arg8 : memref<!tpu.dma_semaphore, #tpu.memory_space<semaphore_mem>>)
    %dma_wait3A = arith.constant 0 : i32
    %dma_wait3A_40 = arith.constant 0 : i32
    %dma_wait3A_41 = arith.constant 0 : i32
    %dma_wait3A_42 = arith.constant 0 : i32
    %dma_wait3A_43 = tpu.memref_slice %arg6[%dma_wait3A_40, %dma_wait3A_41, %dma_wait3A_42] : memref<2x2x128xi32, #tpu.memory_space<vmem>> -> memref<1x2x128xi32, #tpu.memory_space<vmem>>
    %dma_wait3A_44 = tpu.memref_squeeze %dma_wait3A_43 : memref<1x2x128xi32, #tpu.memory_space<vmem>> -> memref<2x128xi32, #tpu.memory_space<vmem>>
    %dma_wait3A_45 = arith.constant 0 : i32
    %dma_wait3A_46 = arith.constant 0 : i32
    %dma_wait3A_47 = tpu.memref_slice %arg3[%add3A, %dma_wait3A, %dma_wait3A_45, %dma_wait3A_46] : memref<32x79x2x128xi32, #tpu.memory_space<hbm>> -> memref<1x1x2x128xi32, #tpu.memory_space<hbm>>
    %dma_wait3A_48 = tpu.memref_squeeze %dma_wait3A_47 : memref<1x1x2x128xi32, #tpu.memory_space<hbm>> -> memref<2x128xi32, #tpu.memory_space<hbm>>
    %dma_wait3A_49 = arith.constant 0 : i32
    %dma_wait3A_50 = arith.constant 0 : i32
    %dma_wait3A_51 = tpu.memref_slice %arg6[%dma_wait3A_40, %dma_wait3A_49, %dma_wait3A_50] : memref<2x2x128xi32, #tpu.memory_space<vmem>> -> memref<1x2x128xi32, #tpu.memory_space<vmem>>
    %dma_wait3A_52 = tpu.memref_squeeze %dma_wait3A_51 : memref<1x2x128xi32, #tpu.memory_space<vmem>> -> memref<2x128xi32, #tpu.memory_space<vmem>>
    %dma_wait3A_53 = arith.constant 0 : i32
    %dma_wait3A_54 = arith.constant 0 : i32
    %dma_wait3A_55 = tpu.memref_slice %arg3[%add3A, %dma_wait3A, %dma_wait3A_53, %dma_wait3A_54] : memref<32x79x2x128xi32, #tpu.memory_space<hbm>> -> memref<1x1x2x128xi32, #tpu.memory_space<hbm>>
    %dma_wait3A_56 = tpu.memref_squeeze %dma_wait3A_55 : memref<1x1x2x128xi32, #tpu.memory_space<hbm>> -> memref<2x128xi32, #tpu.memory_space<hbm>>
    tpu.wait_dma2 semaphore(%arg8 : memref<!tpu.dma_semaphore, #tpu.memory_space<semaphore_mem>>) src(%dma_wait3A_56 : memref<2x128xi32, #tpu.memory_space<hbm>>) dst(%dma_wait3A_52 : memref<2x128xi32, #tpu.memory_space<vmem>>)
    %dma_start3A_57 = arith.constant 0 : i32
    %dma_start3A_58 = arith.constant 0 : i32
    %dma_start3A_59 = arith.constant 0 : i32
    %dma_start3A_60 = arith.constant 0 : i32
    %dma_start3A_61 = arith.constant 0 : i32
    %dma_start3A_62 = tpu.memref_slice %arg7[%dma_start3A_59, %dma_start3A_60, %dma_start3A_61] : memref<2x128x128xf32, #tpu.memory_space<vmem>> -> memref<1x128x128xf32, #tpu.memory_space<vmem>>
    %dma_start3A_63 = tpu.memref_squeeze %dma_start3A_62 : memref<1x128x128xf32, #tpu.memory_space<vmem>> -> memref<128x128xf32, #tpu.memory_space<vmem>>
    %dma_start3A_64 = arith.constant 0 : i32
    %dma_start3A_65 = tpu.memref_slice %arg6[%dma_start3A_57, %dma_start3A_58, %dma_start3A_64] : memref<2x2x128xi32, #tpu.memory_space<vmem>> -> memref<1x1x128xi32, #tpu.memory_space<vmem>>
    %dma_start3A_66 = tpu.memref_squeeze %dma_start3A_65 : memref<1x1x128xi32, #tpu.memory_space<vmem>> -> memref<128xi32, #tpu.memory_space<vmem>>
    %dma_start3A_67 = arith.constant 0 : i32
    %dma_start3A_68 = arith.constant 0 : i32
    %dma_start3A_69 = tpu.memref_slice %arg2[%dma_start3A_67, %dma_start3A_68] : memref<10000x128xf32, #tpu.memory_space<hbm>> -> memref<10000x128xf32, #tpu.memory_space<hbm>>
    tpu.enqueue_indirect_dma source(%dma_start3A_69 : memref<10000x128xf32, #tpu.memory_space<hbm>>) target(%dma_start3A_63 : memref<128x128xf32, #tpu.memory_space<vmem>>) offsets(%dma_start3A_66 : memref<128xi32, #tpu.memory_space<vmem>>) semaphore(%arg9 : memref<!tpu.dma_semaphore, #tpu.memory_space<semaphore_mem>>)
    %dma_start3A_70 = arith.constant 1 : i32
    %dma_start3A_71 = arith.constant 1 : i32
    %dma_start3A_72 = arith.constant 0 : i32
    %dma_start3A_73 = arith.constant 0 : i32
    %dma_start3A_74 = tpu.memref_slice %arg6[%dma_start3A_71, %dma_start3A_72, %dma_start3A_73] : memref<2x2x128xi32, #tpu.memory_space<vmem>> -> memref<1x2x128xi32, #tpu.memory_space<vmem>>
    %dma_start3A_75 = tpu.memref_squeeze %dma_start3A_74 : memref<1x2x128xi32, #tpu.memory_space<vmem>> -> memref<2x128xi32, #tpu.memory_space<vmem>>
    %dma_start3A_76 = arith.constant 0 : i32
    %dma_start3A_77 = arith.constant 0 : i32
    %dma_start3A_78 = tpu.memref_slice %arg3[%add3A, %dma_start3A_70, %dma_start3A_76, %dma_start3A_77] : memref<32x79x2x128xi32, #tpu.memory_space<hbm>> -> memref<1x1x2x128xi32, #tpu.memory_space<hbm>>
    %dma_start3A_79 = tpu.memref_squeeze %dma_start3A_78 : memref<1x1x2x128xi32, #tpu.memory_space<hbm>> -> memref<2x128xi32, #tpu.memory_space<hbm>>
    %dma_start3A_80 = arith.constant 0 : i32
    %dma_start3A_81 = arith.constant 0 : i32
    %dma_start3A_82 = tpu.memref_slice %arg6[%dma_start3A_71, %dma_start3A_80, %dma_start3A_81] : memref<2x2x128xi32, #tpu.memory_space<vmem>> -> memref<1x2x128xi32, #tpu.memory_space<vmem>>
    %dma_start3A_83 = tpu.memref_squeeze %dma_start3A_82 : memref<1x2x128xi32, #tpu.memory_space<vmem>> -> memref<2x128xi32, #tpu.memory_space<vmem>>
    %dma_start3A_84 = arith.constant 0 : i32
    %dma_start3A_85 = arith.constant 0 : i32
    %dma_start3A_86 = tpu.memref_slice %arg3[%add3A, %dma_start3A_70, %dma_start3A_84, %dma_start3A_85] : memref<32x79x2x128xi32, #tpu.memory_space<hbm>> -> memref<1x1x2x128xi32, #tpu.memory_space<hbm>>
    %dma_start3A_87 = tpu.memref_squeeze %dma_start3A_86 : memref<1x1x2x128xi32, #tpu.memory_space<hbm>> -> memref<2x128xi32, #tpu.memory_space<hbm>>
    tpu.enqueue_dma source(%dma_start3A_87 : memref<2x128xi32, #tpu.memory_space<hbm>>) target(%dma_start3A_83 : memref<2x128xi32, #tpu.memory_space<vmem>>) target_semaphore(%arg8 : memref<!tpu.dma_semaphore, #tpu.memory_space<semaphore_mem>>)
    %add3A_88 = arith.constant 0 : i32
    %add3A_89 = arith.addi %mul3A_2, %add3A_88 : i32
    %dma_wait3A_90 = arith.constant 0 : i32
    %dma_wait3A_91 = tpu.memref_slice %arg11[%add3A_89, %dma_wait3A_90] : memref<10240x128xf32, #tpu.memory_space<vmem_shared>> -> memref<128x128xf32, #tpu.memory_space<vmem_shared>>
    tpu.wait_dma2 semaphore(%arg10 : memref<!tpu.dma_semaphore, #tpu.memory_space<semaphore_mem>>) src(%arg4 : memref<128x128xf32, #tpu.memory_space<hbm>>) dst(%dma_wait3A_91 : memref<128x128xf32, #tpu.memory_space<vmem_shared>>)
    %add3A_92 = arith.constant 128 : i32
    %add3A_93 = arith.addi %mul3A_2, %add3A_92 : i32
    %dma_wait3A_94 = arith.constant 0 : i32
    %dma_wait3A_95 = tpu.memref_slice %arg11[%add3A_93, %dma_wait3A_94] : memref<10240x128xf32, #tpu.memory_space<vmem_shared>> -> memref<128x128xf32, #tpu.memory_space<vmem_shared>>
    tpu.wait_dma2 semaphore(%arg10 : memref<!tpu.dma_semaphore, #tpu.memory_space<semaphore_mem>>) src(%arg4 : memref<128x128xf32, #tpu.memory_space<hbm>>) dst(%dma_wait3A_95 : memref<128x128xf32, #tpu.memory_space<vmem_shared>>)
    %add3A_96 = arith.constant 256 : i32
    %add3A_97 = arith.addi %mul3A_2, %add3A_96 : i32
    %dma_wait3A_98 = arith.constant 0 : i32
    %dma_wait3A_99 = tpu.memref_slice %arg11[%add3A_97, %dma_wait3A_98] : memref<10240x128xf32, #tpu.memory_space<vmem_shared>> -> memref<128x128xf32, #tpu.memory_space<vmem_shared>>
    tpu.wait_dma2 semaphore(%arg10 : memref<!tpu.dma_semaphore, #tpu.memory_space<semaphore_mem>>) src(%arg4 : memref<128x128xf32, #tpu.memory_space<hbm>>) dst(%dma_wait3A_99 : memref<128x128xf32, #tpu.memory_space<vmem_shared>>)
    %add3A_100 = arith.constant 384 : i32
    %add3A_101 = arith.addi %mul3A_2, %add3A_100 : i32
    %dma_wait3A_102 = arith.constant 0 : i32
    %dma_wait3A_103 = tpu.memref_slice %arg11[%add3A_101, %dma_wait3A_102] : memref<10240x128xf32, #tpu.memory_space<vmem_shared>> -> memref<128x128xf32, #tpu.memory_space<vmem_shared>>
    tpu.wait_dma2 semaphore(%arg10 : memref<!tpu.dma_semaphore, #tpu.memory_space<semaphore_mem>>) src(%arg4 : memref<128x128xf32, #tpu.memory_space<hbm>>) dst(%dma_wait3A_103 : memref<128x128xf32, #tpu.memory_space<vmem_shared>>)
    %add3A_104 = arith.constant 512 : i32
    %add3A_105 = arith.addi %mul3A_2, %add3A_104 : i32
    %dma_wait3A_106 = arith.constant 0 : i32
    %dma_wait3A_107 = tpu.memref_slice %arg11[%add3A_105, %dma_wait3A_106] : memref<10240x128xf32, #tpu.memory_space<vmem_shared>> -> memref<128x128xf32, #tpu.memory_space<vmem_shared>>
    tpu.wait_dma2 semaphore(%arg10 : memref<!tpu.dma_semaphore, #tpu.memory_space<semaphore_mem>>) src(%arg4 : memref<128x128xf32, #tpu.memory_space<hbm>>) dst(%dma_wait3A_107 : memref<128x128xf32, #tpu.memory_space<vmem_shared>>)
    %barrier3A = arith.constant 0 : index
    tpu.barrier barrier_id(%barrier3A)
    %scan3A = arith.constant 0 : i32
    %scan3A_108 = arith.constant 0 : i32
    %scan3A_109 = arith.constant 79 : i32
    %scan3A_110 = arith.addi %scan3A_108, %scan3A_109 : i32
    %scan3A_111 = arith.constant 1 : i32
    scf.for %scan3A_117 = %scan3A_108 to %scan3A_110 step %scan3A_111  : i32 {
      %rem3A = arith.constant 2 : i32
      %rem3A_118 = arith.remsi %scan3A_117, %rem3A : i32
      %add3A_119 = arith.constant 1 : i32
      %add3A_120 = arith.addi %scan3A_117, %add3A_119 : i32
      %rem3A_121 = arith.constant 2 : i32
      %rem3A_122 = arith.remsi %add3A_120, %rem3A_121 : i32
      %add3A_123 = arith.constant 1 : i32
      %add3A_124 = arith.addi %scan3A_117, %add3A_123 : i32
      %lt3A = arith.constant 79 : i32
      %lt3A_125 = arith.cmpi slt, %add3A_124, %lt3A : i32
      %convert_element_type3A = arith.extui %lt3A_125 : i1 to i32
      %cond3A = arith.constant 0 : i32
      %cond3A_126 = arith.cmpi ne, %convert_element_type3A, %cond3A : i32
      scf.if %cond3A_126 {
        %add3A_145 = arith.constant 1 : i32
        %add3A_146 = arith.addi %scan3A_117, %add3A_145 : i32
        %dma_wait3A_147 = arith.constant 0 : i32
        %dma_wait3A_148 = arith.constant 0 : i32
        %dma_wait3A_149 = tpu.memref_slice %arg6[%rem3A_122, %dma_wait3A_147, %dma_wait3A_148] : memref<2x2x128xi32, #tpu.memory_space<vmem>> -> memref<1x2x128xi32, #tpu.memory_space<vmem>>
        %dma_wait3A_150 = tpu.memref_squeeze %dma_wait3A_149 : memref<1x2x128xi32, #tpu.memory_space<vmem>> -> memref<2x128xi32, #tpu.memory_space<vmem>>
        %dma_wait3A_151 = arith.constant 0 : i32
        %dma_wait3A_152 = arith.constant 0 : i32
        %dma_wait3A_153 = tpu.memref_slice %arg3[%add3A, %add3A_146, %dma_wait3A_151, %dma_wait3A_152] : memref<32x79x2x128xi32, #tpu.memory_space<hbm>> -> memref<1x1x2x128xi32, #tpu.memory_space<hbm>>
        %dma_wait3A_154 = tpu.memref_squeeze %dma_wait3A_153 : memref<1x1x2x128xi32, #tpu.memory_space<hbm>> -> memref<2x128xi32, #tpu.memory_space<hbm>>
        %dma_wait3A_155 = arith.constant 0 : i32
        %dma_wait3A_156 = arith.constant 0 : i32
        %dma_wait3A_157 = tpu.memref_slice %arg6[%rem3A_122, %dma_wait3A_155, %dma_wait3A_156] : memref<2x2x128xi32, #tpu.memory_space<vmem>> -> memref<1x2x128xi32, #tpu.memory_space<vmem>>
        %dma_wait3A_158 = tpu.memref_squeeze %dma_wait3A_157 : memref<1x2x128xi32, #tpu.memory_space<vmem>> -> memref<2x128xi32, #tpu.memory_space<vmem>>
        %dma_wait3A_159 = arith.constant 0 : i32
        %dma_wait3A_160 = arith.constant 0 : i32
        %dma_wait3A_161 = tpu.memref_slice %arg3[%add3A, %add3A_146, %dma_wait3A_159, %dma_wait3A_160] : memref<32x79x2x128xi32, #tpu.memory_space<hbm>> -> memref<1x1x2x128xi32, #tpu.memory_space<hbm>>
        %dma_wait3A_162 = tpu.memref_squeeze %dma_wait3A_161 : memref<1x1x2x128xi32, #tpu.memory_space<hbm>> -> memref<2x128xi32, #tpu.memory_space<hbm>>
        tpu.wait_dma2 semaphore(%arg8 : memref<!tpu.dma_semaphore, #tpu.memory_space<semaphore_mem>>) src(%dma_wait3A_162 : memref<2x128xi32, #tpu.memory_space<hbm>>) dst(%dma_wait3A_158 : memref<2x128xi32, #tpu.memory_space<vmem>>)
        %dma_start3A_163 = arith.constant 0 : i32
        %dma_start3A_164 = arith.constant 0 : i32
        %dma_start3A_165 = arith.constant 0 : i32
        %dma_start3A_166 = tpu.memref_slice %arg7[%rem3A_122, %dma_start3A_164, %dma_start3A_165] : memref<2x128x128xf32, #tpu.memory_space<vmem>> -> memref<1x128x128xf32, #tpu.memory_space<vmem>>
        %dma_start3A_167 = tpu.memref_squeeze %dma_start3A_166 : memref<1x128x128xf32, #tpu.memory_space<vmem>> -> memref<128x128xf32, #tpu.memory_space<vmem>>
        %dma_start3A_168 = arith.constant 0 : i32
        %dma_start3A_169 = tpu.memref_slice %arg6[%rem3A_122, %dma_start3A_163, %dma_start3A_168] : memref<2x2x128xi32, #tpu.memory_space<vmem>> -> memref<1x1x128xi32, #tpu.memory_space<vmem>>
        %dma_start3A_170 = tpu.memref_squeeze %dma_start3A_169 : memref<1x1x128xi32, #tpu.memory_space<vmem>> -> memref<128xi32, #tpu.memory_space<vmem>>
        %dma_start3A_171 = arith.constant 0 : i32
        %dma_start3A_172 = arith.constant 0 : i32
        %dma_start3A_173 = tpu.memref_slice %arg2[%dma_start3A_171, %dma_start3A_172] : memref<10000x128xf32, #tpu.memory_space<hbm>> -> memref<10000x128xf32, #tpu.memory_space<hbm>>
        tpu.enqueue_indirect_dma source(%dma_start3A_173 : memref<10000x128xf32, #tpu.memory_space<hbm>>) target(%dma_start3A_167 : memref<128x128xf32, #tpu.memory_space<vmem>>) offsets(%dma_start3A_170 : memref<128xi32, #tpu.memory_space<vmem>>) semaphore(%arg9 : memref<!tpu.dma_semaphore, #tpu.memory_space<semaphore_mem>>)
      } else {
      }
      %dma_wait3A_127 = arith.constant 0 : i32
      %dma_wait3A_128 = arith.constant 0 : i32
      %dma_wait3A_129 = arith.constant 0 : i32
      %dma_wait3A_130 = tpu.memref_slice %arg7[%rem3A_118, %dma_wait3A_128, %dma_wait3A_129] : memref<2x128x128xf32, #tpu.memory_space<vmem>> -> memref<1x128x128xf32, #tpu.memory_space<vmem>>
      %dma_wait3A_131 = tpu.memref_squeeze %dma_wait3A_130 : memref<1x128x128xf32, #tpu.memory_space<vmem>> -> memref<128x128xf32, #tpu.memory_space<vmem>>
      %dma_wait3A_132 = arith.constant 0 : i32
      %dma_wait3A_133 = tpu.memref_slice %arg6[%rem3A_118, %dma_wait3A_127, %dma_wait3A_132] : memref<2x2x128xi32, #tpu.memory_space<vmem>> -> memref<1x1x128xi32, #tpu.memory_space<vmem>>
      %dma_wait3A_134 = tpu.memref_squeeze %dma_wait3A_133 : memref<1x1x128xi32, #tpu.memory_space<vmem>> -> memref<128xi32, #tpu.memory_space<vmem>>
      %dma_wait3A_135 = arith.constant 0 : i32
      %dma_wait3A_136 = arith.constant 0 : i32
      %dma_wait3A_137 = tpu.memref_slice %arg2[%dma_wait3A_135, %dma_wait3A_136] : memref<10000x128xf32, #tpu.memory_space<hbm>> -> memref<10000x128xf32, #tpu.memory_space<hbm>>
      tpu.wait_indirect_dma semaphore(%arg9 : memref<!tpu.dma_semaphore, #tpu.memory_space<semaphore_mem>>) src(%dma_wait3A_137 : memref<10000x128xf32, #tpu.memory_space<hbm>>) dst(%dma_wait3A_131 : memref<128x128xf32, #tpu.memory_space<vmem>>)
      %run_scoped3A = arith.constant 1 : i32
      "tpu.region"() ({
        %run_scoped3A_145 = tpu.sem_alloc : memref<!tpu.dma_semaphore, #tpu.memory_space<semaphore_mem>>
        %dma_start3A_146 = arith.constant 0 : i32
        %dma_start3A_147 = arith.constant 0 : i32
        %dma_start3A_148 = tpu.memref_slice %arg7[%rem3A_118, %dma_start3A_146, %dma_start3A_147] : memref<2x128x128xf32, #tpu.memory_space<vmem>> -> memref<1x128x128xf32, #tpu.memory_space<vmem>>
        %dma_start3A_149 = tpu.memref_squeeze %dma_start3A_148 : memref<1x128x128xf32, #tpu.memory_space<vmem>> -> memref<128x128xf32, #tpu.memory_space<vmem>>
        %dma_start3A_150 = arith.constant 0 : i32
        %dma_start3A_151 = tpu.memref_slice %arg6[%rem3A_118, %run_scoped3A, %dma_start3A_150] : memref<2x2x128xi32, #tpu.memory_space<vmem>> -> memref<1x1x128xi32, #tpu.memory_space<vmem>>
        %dma_start3A_152 = tpu.memref_squeeze %dma_start3A_151 : memref<1x1x128xi32, #tpu.memory_space<vmem>> -> memref<128xi32, #tpu.memory_space<vmem>>
        %dma_start3A_153 = arith.constant 0 : i32
        %dma_start3A_154 = arith.constant 0 : i32
        %dma_start3A_155 = tpu.memref_slice %arg11[%dma_start3A_153, %dma_start3A_154] : memref<10240x128xf32, #tpu.memory_space<vmem_shared>> -> memref<10240x128xf32, #tpu.memory_space<vmem_shared>>
        tpu.enqueue_indirect_dma source(%dma_start3A_149 : memref<128x128xf32, #tpu.memory_space<vmem>>) target(%dma_start3A_155 : memref<10240x128xf32, #tpu.memory_space<vmem_shared>>) offsets(%dma_start3A_152 : memref<128xi32, #tpu.memory_space<vmem>>) semaphore(%run_scoped3A_145 : memref<!tpu.dma_semaphore, #tpu.memory_space<semaphore_mem>>) {add = true}
        %dma_wait3A_156 = arith.constant 0 : i32
        %dma_wait3A_157 = arith.constant 0 : i32
        %dma_wait3A_158 = tpu.memref_slice %arg7[%rem3A_118, %dma_wait3A_156, %dma_wait3A_157] : memref<2x128x128xf32, #tpu.memory_space<vmem>> -> memref<1x128x128xf32, #tpu.memory_space<vmem>>
        %dma_wait3A_159 = tpu.memref_squeeze %dma_wait3A_158 : memref<1x128x128xf32, #tpu.memory_space<vmem>> -> memref<128x128xf32, #tpu.memory_space<vmem>>
        %dma_wait3A_160 = arith.constant 0 : i32
        %dma_wait3A_161 = tpu.memref_slice %arg6[%rem3A_118, %run_scoped3A, %dma_wait3A_160] : memref<2x2x128xi32, #tpu.memory_space<vmem>> -> memref<1x1x128xi32, #tpu.memory_space<vmem>>
        %dma_wait3A_162 = tpu.memref_squeeze %dma_wait3A_161 : memref<1x1x128xi32, #tpu.memory_space<vmem>> -> memref<128xi32, #tpu.memory_space<vmem>>
        %dma_wait3A_163 = arith.constant 0 : i32
        %dma_wait3A_164 = arith.constant 0 : i32
        %dma_wait3A_165 = tpu.memref_slice %arg11[%dma_wait3A_163, %dma_wait3A_164] : memref<10240x128xf32, #tpu.memory_space<vmem_shared>> -> memref<10240x128xf32, #tpu.memory_space<vmem_shared>>
        tpu.wait_indirect_dma semaphore(%run_scoped3A_145 : memref<!tpu.dma_semaphore, #tpu.memory_space<semaphore_mem>>) src(%dma_wait3A_159 : memref<128x128xf32, #tpu.memory_space<vmem>>) dst(%dma_wait3A_165 : memref<10240x128xf32, #tpu.memory_space<vmem_shared>>)
        tpu.yield
      }) : () -> ()
      %add3A_138 = arith.constant 2 : i32
      %add3A_139 = arith.addi %scan3A_117, %add3A_138 : i32
      %lt3A_140 = arith.constant 79 : i32
      %lt3A_141 = arith.cmpi slt, %add3A_139, %lt3A_140 : i32
      %convert_element_type3A_142 = arith.extui %lt3A_141 : i1 to i32
      %cond3A_143 = arith.constant 0 : i32
      %cond3A_144 = arith.cmpi ne, %convert_element_type3A_142, %cond3A_143 : i32
      scf.if %cond3A_144 {
        %add3A_145 = arith.constant 2 : i32
        %add3A_146 = arith.addi %scan3A_117, %add3A_145 : i32
        %dma_start3A_147 = arith.constant 0 : i32
        %dma_start3A_148 = arith.constant 0 : i32
        %dma_start3A_149 = tpu.memref_slice %arg6[%rem3A_118, %dma_start3A_147, %dma_start3A_148] : memref<2x2x128xi32, #tpu.memory_space<vmem>> -> memref<1x2x128xi32, #tpu.memory_space<vmem>>
        %dma_start3A_150 = tpu.memref_squeeze %dma_start3A_149 : memref<1x2x128xi32, #tpu.memory_space<vmem>> -> memref<2x128xi32, #tpu.memory_space<vmem>>
        %dma_start3A_151 = arith.constant 0 : i32
        %dma_start3A_152 = arith.constant 0 : i32
        %dma_start3A_153 = tpu.memref_slice %arg3[%add3A, %add3A_146, %dma_start3A_151, %dma_start3A_152] : memref<32x79x2x128xi32, #tpu.memory_space<hbm>> -> memref<1x1x2x128xi32, #tpu.memory_space<hbm>>
        %dma_start3A_154 = tpu.memref_squeeze %dma_start3A_153 : memref<1x1x2x128xi32, #tpu.memory_space<hbm>> -> memref<2x128xi32, #tpu.memory_space<hbm>>
        %dma_start3A_155 = arith.constant 0 : i32
        %dma_start3A_156 = arith.constant 0 : i32
        %dma_start3A_157 = tpu.memref_slice %arg6[%rem3A_118, %dma_start3A_155, %dma_start3A_156] : memref<2x2x128xi32, #tpu.memory_space<vmem>> -> memref<1x2x128xi32, #tpu.memory_space<vmem>>
        %dma_start3A_158 = tpu.memref_squeeze %dma_start3A_157 : memref<1x2x128xi32, #tpu.memory_space<vmem>> -> memref<2x128xi32, #tpu.memory_space<vmem>>
        %dma_start3A_159 = arith.constant 0 : i32
        %dma_start3A_160 = arith.constant 0 : i32
        %dma_start3A_161 = tpu.memref_slice %arg3[%add3A, %add3A_146, %dma_start3A_159, %dma_start3A_160] : memref<32x79x2x128xi32, #tpu.memory_space<hbm>> -> memref<1x1x2x128xi32, #tpu.memory_space<hbm>>
        %dma_start3A_162 = tpu.memref_squeeze %dma_start3A_161 : memref<1x1x2x128xi32, #tpu.memory_space<hbm>> -> memref<2x128xi32, #tpu.memory_space<hbm>>
        tpu.enqueue_dma source(%dma_start3A_162 : memref<2x128xi32, #tpu.memory_space<hbm>>) target(%dma_start3A_158 : memref<2x128xi32, #tpu.memory_space<vmem>>) target_semaphore(%arg8 : memref<!tpu.dma_semaphore, #tpu.memory_space<semaphore_mem>>)
      } else {
      }
    }
    %scan3A_112 = arith.constant 79 : i32
    %barrier3A_113 = arith.constant 0 : index
    tpu.barrier barrier_id(%barrier3A_113)
    %mul3A_114 = arith.constant 10240 : i32
    %mul3A_115 = arith.muli %arg0, %mul3A_114 : i32
    %add3A_116 = arith.addi %mul3A_115, %mul3A_2 : i32
    "tpu.region"() ({
      %run_scoped3A = tpu.sem_alloc : memref<!tpu.dma_semaphore, #tpu.memory_space<semaphore_mem>>
      %dma_start3A_117 = arith.constant 0 : i32
      %dma_start3A_118 = tpu.memref_slice %arg5[%add3A_116, %dma_start3A_117] : memref<20480x128xf32, #tpu.memory_space<hbm>> -> memref<640x128xf32, #tpu.memory_space<hbm>>
      %dma_start3A_119 = arith.constant 0 : i32
      %dma_start3A_120 = tpu.memref_slice %arg11[%mul3A_2, %dma_start3A_119] : memref<10240x128xf32, #tpu.memory_space<vmem_shared>> -> memref<640x128xf32, #tpu.memory_space<vmem_shared>>
      tpu.enqueue_dma source(%dma_start3A_120 : memref<640x128xf32, #tpu.memory_space<vmem_shared>>) target(%dma_start3A_118 : memref<640x128xf32, #tpu.memory_space<hbm>>) target_semaphore(%run_scoped3A : memref<!tpu.dma_semaphore, #tpu.memory_space<semaphore_mem>>)
      %dma_wait3A_121 = arith.constant 0 : i32
      %dma_wait3A_122 = tpu.memref_slice %arg5[%add3A_116, %dma_wait3A_121] : memref<20480x128xf32, #tpu.memory_space<hbm>> -> memref<640x128xf32, #tpu.memory_space<hbm>>
      %dma_wait3A_123 = arith.constant 0 : i32
      %dma_wait3A_124 = tpu.memref_slice %arg11[%mul3A_2, %dma_wait3A_123] : memref<10240x128xf32, #tpu.memory_space<vmem_shared>> -> memref<640x128xf32, #tpu.memory_space<vmem_shared>>
      tpu.wait_dma2 semaphore(%run_scoped3A : memref<!tpu.dma_semaphore, #tpu.memory_space<semaphore_mem>>) src(%dma_wait3A_124 : memref<640x128xf32, #tpu.memory_space<vmem_shared>>) dst(%dma_wait3A_122 : memref<640x128xf32, #tpu.memory_space<hbm>>)
      tpu.yield
    }) : () -> ()
    return
  }
}

#map = affine_map<(d0, d1) -> (0, 0)>
#map1 = affine_map<(d0, d1) -> (0, 0, 0, 0)>
module attributes {stable_mosaic.version = 14 : i64} {
  func.func @_scat_body(%arg0: i32, %arg1: i32, %arg2: memref<10000x128xf32, #tpu.memory_space<hbm>>, %arg3: memref<32x79x2x128xi32, #tpu.memory_space<hbm>>, %arg4: memref<128x128xf32, #tpu.memory_space<hbm>>, %arg5: memref<20480x128xf32, #tpu.memory_space<hbm>>, %arg6: memref<2x2x128xi32, #tpu.memory_space<vmem>>, %arg7: memref<2x128x128xf32, #tpu.memory_space<vmem>>, %arg8: memref<!tpu.dma_semaphore, #tpu.memory_space<semaphore_mem>>, %arg9: memref<!tpu.dma_semaphore, #tpu.memory_space<semaphore_mem>>, %arg10: memref<!tpu.dma_semaphore, #tpu.memory_space<semaphore_mem>>, %arg11: memref<10240x128xf32, #tpu.memory_space<vmem_shared>>) attributes {dimension_semantics = [#tpu.dimension_semantics<core_parallel>, #tpu.dimension_semantics<subcore_parallel>], iteration_bounds = array<i64: 2, 16>, scalar_prefetch = 0 : i64, scratch_operands = 6 : i64, tpu.core_type = #tpu.core_type<sc_vector_subcore>, window_params = [{transform_indices = #map}, {transform_indices = #map1}, {transform_indices = #map}, {transform_indices = #map}]} {
    %mul3A = arith.constant 2 : i32
    %mul3A_0 = arith.muli %arg1, %mul3A : i32
    %add3A = arith.addi %mul3A_0, %arg0 : i32
    %mul3A_1 = arith.constant 640 : i32
    %mul3A_2 = arith.muli %arg1, %mul3A_1 : i32
    %add3A_3 = arith.constant 0 : i32
    %add3A_4 = arith.addi %mul3A_2, %add3A_3 : i32
    %dma_start3A = arith.constant 0 : i32
    %dma_start3A_5 = tpu.memref_slice %arg11[%add3A_4, %dma_start3A] : memref<10240x128xf32, #tpu.memory_space<vmem_shared>> -> memref<128x128xf32, #tpu.memory_space<vmem_shared>>
    tpu.enqueue_dma source(%arg4 : memref<128x128xf32, #tpu.memory_space<hbm>>) target(%dma_start3A_5 : memref<128x128xf32, #tpu.memory_space<vmem_shared>>) target_semaphore(%arg10 : memref<!tpu.dma_semaphore, #tpu.memory_space<semaphore_mem>>)
    %add3A_6 = arith.constant 128 : i32
    %add3A_7 = arith.addi %mul3A_2, %add3A_6 : i32
    %dma_start3A_8 = arith.constant 0 : i32
    %dma_start3A_9 = tpu.memref_slice %arg11[%add3A_7, %dma_start3A_8] : memref<10240x128xf32, #tpu.memory_space<vmem_shared>> -> memref<128x128xf32, #tpu.memory_space<vmem_shared>>
    tpu.enqueue_dma source(%arg4 : memref<128x128xf32, #tpu.memory_space<hbm>>) target(%dma_start3A_9 : memref<128x128xf32, #tpu.memory_space<vmem_shared>>) target_semaphore(%arg10 : memref<!tpu.dma_semaphore, #tpu.memory_space<semaphore_mem>>)
    %add3A_10 = arith.constant 256 : i32
    %add3A_11 = arith.addi %mul3A_2, %add3A_10 : i32
    %dma_start3A_12 = arith.constant 0 : i32
    %dma_start3A_13 = tpu.memref_slice %arg11[%add3A_11, %dma_start3A_12] : memref<10240x128xf32, #tpu.memory_space<vmem_shared>> -> memref<128x128xf32, #tpu.memory_space<vmem_shared>>
    tpu.enqueue_dma source(%arg4 : memref<128x128xf32, #tpu.memory_space<hbm>>) target(%dma_start3A_13 : memref<128x128xf32, #tpu.memory_space<vmem_shared>>) target_semaphore(%arg10 : memref<!tpu.dma_semaphore, #tpu.memory_space<semaphore_mem>>)
    %add3A_14 = arith.constant 384 : i32
    %add3A_15 = arith.addi %mul3A_2, %add3A_14 : i32
    %dma_start3A_16 = arith.constant 0 : i32
    %dma_start3A_17 = tpu.memref_slice %arg11[%add3A_15, %dma_start3A_16] : memref<10240x128xf32, #tpu.memory_space<vmem_shared>> -> memref<128x128xf32, #tpu.memory_space<vmem_shared>>
    tpu.enqueue_dma source(%arg4 : memref<128x128xf32, #tpu.memory_space<hbm>>) target(%dma_start3A_17 : memref<128x128xf32, #tpu.memory_space<vmem_shared>>) target_semaphore(%arg10 : memref<!tpu.dma_semaphore, #tpu.memory_space<semaphore_mem>>)
    %add3A_18 = arith.constant 512 : i32
    %add3A_19 = arith.addi %mul3A_2, %add3A_18 : i32
    %dma_start3A_20 = arith.constant 0 : i32
    %dma_start3A_21 = tpu.memref_slice %arg11[%add3A_19, %dma_start3A_20] : memref<10240x128xf32, #tpu.memory_space<vmem_shared>> -> memref<128x128xf32, #tpu.memory_space<vmem_shared>>
    tpu.enqueue_dma source(%arg4 : memref<128x128xf32, #tpu.memory_space<hbm>>) target(%dma_start3A_21 : memref<128x128xf32, #tpu.memory_space<vmem_shared>>) target_semaphore(%arg10 : memref<!tpu.dma_semaphore, #tpu.memory_space<semaphore_mem>>)
    %dma_start3A_22 = arith.constant 0 : i32
    %dma_start3A_23 = arith.constant 0 : i32
    %dma_start3A_24 = arith.constant 0 : i32
    %dma_start3A_25 = arith.constant 0 : i32
    %dma_start3A_26 = tpu.memref_slice %arg6[%dma_start3A_23, %dma_start3A_24, %dma_start3A_25] : memref<2x2x128xi32, #tpu.memory_space<vmem>> -> memref<1x2x128xi32, #tpu.memory_space<vmem>>
    %dma_start3A_27 = tpu.memref_squeeze %dma_start3A_26 : memref<1x2x128xi32, #tpu.memory_space<vmem>> -> memref<2x128xi32, #tpu.memory_space<vmem>>
    %dma_start3A_28 = arith.constant 0 : i32
    %dma_start3A_29 = arith.constant 0 : i32
    %dma_start3A_30 = tpu.memref_slice %arg3[%add3A, %dma_start3A_22, %dma_start3A_28, %dma_start3A_29] : memref<32x79x2x128xi32, #tpu.memory_space<hbm>> -> memref<1x1x2x128xi32, #tpu.memory_space<hbm>>
    %dma_start3A_31 = tpu.memref_squeeze %dma_start3A_30 : memref<1x1x2x128xi32, #tpu.memory_space<hbm>> -> memref<2x128xi32, #tpu.memory_space<hbm>>
    %dma_start3A_32 = arith.constant 0 : i32
    %dma_start3A_33 = arith.constant 0 : i32
    %dma_start3A_34 = tpu.memref_slice %arg6[%dma_start3A_23, %dma_start3A_32, %dma_start3A_33] : memref<2x2x128xi32, #tpu.memory_space<vmem>> -> memref<1x2x128xi32, #tpu.memory_space<vmem>>
    %dma_start3A_35 = tpu.memref_squeeze %dma_start3A_34 : memref<1x2x128xi32, #tpu.memory_space<vmem>> -> memref<2x128xi32, #tpu.memory_space<vmem>>
    %dma_start3A_36 = arith.constant 0 : i32
    %dma_start3A_37 = arith.constant 0 : i32
    %dma_start3A_38 = tpu.memref_slice %arg3[%add3A, %dma_start3A_22, %dma_start3A_36, %dma_start3A_37] : memref<32x79x2x128xi32, #tpu.memory_space<hbm>> -> memref<1x1x2x128xi32, #tpu.memory_space<hbm>>
    %dma_start3A_39 = tpu.memref_squeeze %dma_start3A_38 : memref<1x1x2x128xi32, #tpu.memory_space<hbm>> -> memref<2x128xi32, #tpu.memory_space<hbm>>
    tpu.enqueue_dma source(%dma_start3A_39 : memref<2x128xi32, #tpu.memory_space<hbm>>) target(%dma_start3A_35 : memref<2x128xi32, #tpu.memory_space<vmem>>) target_semaphore(%arg8 : memref<!tpu.dma_semaphore, #tpu.memory_space<semaphore_mem>>)
    %dma_wait3A = arith.constant 0 : i32
    %dma_wait3A_40 = arith.constant 0 : i32
    %dma_wait3A_41 = arith.constant 0 : i32
    %dma_wait3A_42 = arith.constant 0 : i32
    %dma_wait3A_43 = tpu.memref_slice %arg6[%dma_wait3A_40, %dma_wait3A_41, %dma_wait3A_42] : memref<2x2x128xi32, #tpu.memory_space<vmem>> -> memref<1x2x128xi32, #tpu.memory_space<vmem>>
    %dma_wait3A_44 = tpu.memref_squeeze %dma_wait3A_43 : memref<1x2x128xi32, #tpu.memory_space<vmem>> -> memref<2x128xi32, #tpu.memory_space<vmem>>
    %dma_wait3A_45 = arith.constant 0 : i32
    %dma_wait3A_46 = arith.constant 0 : i32
    %dma_wait3A_47 = tpu.memref_slice %arg3[%add3A, %dma_wait3A, %dma_wait3A_45, %dma_wait3A_46] : memref<32x79x2x128xi32, #tpu.memory_space<hbm>> -> memref<1x1x2x128xi32, #tpu.memory_space<hbm>>
    %dma_wait3A_48 = tpu.memref_squeeze %dma_wait3A_47 : memref<1x1x2x128xi32, #tpu.memory_space<hbm>> -> memref<2x128xi32, #tpu.memory_space<hbm>>
    %dma_wait3A_49 = arith.constant 0 : i32
    %dma_wait3A_50 = arith.constant 0 : i32
    %dma_wait3A_51 = tpu.memref_slice %arg6[%dma_wait3A_40, %dma_wait3A_49, %dma_wait3A_50] : memref<2x2x128xi32, #tpu.memory_space<vmem>> -> memref<1x2x128xi32, #tpu.memory_space<vmem>>
    %dma_wait3A_52 = tpu.memref_squeeze %dma_wait3A_51 : memref<1x2x128xi32, #tpu.memory_space<vmem>> -> memref<2x128xi32, #tpu.memory_space<vmem>>
    %dma_wait3A_53 = arith.constant 0 : i32
    %dma_wait3A_54 = arith.constant 0 : i32
    %dma_wait3A_55 = tpu.memref_slice %arg3[%add3A, %dma_wait3A, %dma_wait3A_53, %dma_wait3A_54] : memref<32x79x2x128xi32, #tpu.memory_space<hbm>> -> memref<1x1x2x128xi32, #tpu.memory_space<hbm>>
    %dma_wait3A_56 = tpu.memref_squeeze %dma_wait3A_55 : memref<1x1x2x128xi32, #tpu.memory_space<hbm>> -> memref<2x128xi32, #tpu.memory_space<hbm>>
    tpu.wait_dma2 semaphore(%arg8 : memref<!tpu.dma_semaphore, #tpu.memory_space<semaphore_mem>>) src(%dma_wait3A_56 : memref<2x128xi32, #tpu.memory_space<hbm>>) dst(%dma_wait3A_52 : memref<2x128xi32, #tpu.memory_space<vmem>>)
    %dma_start3A_57 = arith.constant 0 : i32
    %dma_start3A_58 = arith.constant 0 : i32
    %dma_start3A_59 = arith.constant 0 : i32
    %dma_start3A_60 = arith.constant 0 : i32
    %dma_start3A_61 = arith.constant 0 : i32
    %dma_start3A_62 = tpu.memref_slice %arg7[%dma_start3A_59, %dma_start3A_60, %dma_start3A_61] : memref<2x128x128xf32, #tpu.memory_space<vmem>> -> memref<1x128x128xf32, #tpu.memory_space<vmem>>
    %dma_start3A_63 = tpu.memref_squeeze %dma_start3A_62 : memref<1x128x128xf32, #tpu.memory_space<vmem>> -> memref<128x128xf32, #tpu.memory_space<vmem>>
    %dma_start3A_64 = arith.constant 0 : i32
    %dma_start3A_65 = tpu.memref_slice %arg6[%dma_start3A_57, %dma_start3A_58, %dma_start3A_64] : memref<2x2x128xi32, #tpu.memory_space<vmem>> -> memref<1x1x128xi32, #tpu.memory_space<vmem>>
    %dma_start3A_66 = tpu.memref_squeeze %dma_start3A_65 : memref<1x1x128xi32, #tpu.memory_space<vmem>> -> memref<128xi32, #tpu.memory_space<vmem>>
    %dma_start3A_67 = arith.constant 0 : i32
    %dma_start3A_68 = arith.constant 0 : i32
    %dma_start3A_69 = tpu.memref_slice %arg2[%dma_start3A_67, %dma_start3A_68] : memref<10000x128xf32, #tpu.memory_space<hbm>> -> memref<10000x128xf32, #tpu.memory_space<hbm>>
    tpu.enqueue_indirect_dma source(%dma_start3A_69 : memref<10000x128xf32, #tpu.memory_space<hbm>>) target(%dma_start3A_63 : memref<128x128xf32, #tpu.memory_space<vmem>>) offsets(%dma_start3A_66 : memref<128xi32, #tpu.memory_space<vmem>>) semaphore(%arg9 : memref<!tpu.dma_semaphore, #tpu.memory_space<semaphore_mem>>)
    %dma_start3A_70 = arith.constant 1 : i32
    %dma_start3A_71 = arith.constant 1 : i32
    %dma_start3A_72 = arith.constant 0 : i32
    %dma_start3A_73 = arith.constant 0 : i32
    %dma_start3A_74 = tpu.memref_slice %arg6[%dma_start3A_71, %dma_start3A_72, %dma_start3A_73] : memref<2x2x128xi32, #tpu.memory_space<vmem>> -> memref<1x2x128xi32, #tpu.memory_space<vmem>>
    %dma_start3A_75 = tpu.memref_squeeze %dma_start3A_74 : memref<1x2x128xi32, #tpu.memory_space<vmem>> -> memref<2x128xi32, #tpu.memory_space<vmem>>
    %dma_start3A_76 = arith.constant 0 : i32
    %dma_start3A_77 = arith.constant 0 : i32
    %dma_start3A_78 = tpu.memref_slice %arg3[%add3A, %dma_start3A_70, %dma_start3A_76, %dma_start3A_77] : memref<32x79x2x128xi32, #tpu.memory_space<hbm>> -> memref<1x1x2x128xi32, #tpu.memory_space<hbm>>
    %dma_start3A_79 = tpu.memref_squeeze %dma_start3A_78 : memref<1x1x2x128xi32, #tpu.memory_space<hbm>> -> memref<2x128xi32, #tpu.memory_space<hbm>>
    %dma_start3A_80 = arith.constant 0 : i32
    %dma_start3A_81 = arith.constant 0 : i32
    %dma_start3A_82 = tpu.memref_slice %arg6[%dma_start3A_71, %dma_start3A_80, %dma_start3A_81] : memref<2x2x128xi32, #tpu.memory_space<vmem>> -> memref<1x2x128xi32, #tpu.memory_space<vmem>>
    %dma_start3A_83 = tpu.memref_squeeze %dma_start3A_82 : memref<1x2x128xi32, #tpu.memory_space<vmem>> -> memref<2x128xi32, #tpu.memory_space<vmem>>
    %dma_start3A_84 = arith.constant 0 : i32
    %dma_start3A_85 = arith.constant 0 : i32
    %dma_start3A_86 = tpu.memref_slice %arg3[%add3A, %dma_start3A_70, %dma_start3A_84, %dma_start3A_85] : memref<32x79x2x128xi32, #tpu.memory_space<hbm>> -> memref<1x1x2x128xi32, #tpu.memory_space<hbm>>
    %dma_start3A_87 = tpu.memref_squeeze %dma_start3A_86 : memref<1x1x2x128xi32, #tpu.memory_space<hbm>> -> memref<2x128xi32, #tpu.memory_space<hbm>>
    tpu.enqueue_dma source(%dma_start3A_87 : memref<2x128xi32, #tpu.memory_space<hbm>>) target(%dma_start3A_83 : memref<2x128xi32, #tpu.memory_space<vmem>>) target_semaphore(%arg8 : memref<!tpu.dma_semaphore, #tpu.memory_space<semaphore_mem>>)
    %add3A_88 = arith.constant 0 : i32
    %add3A_89 = arith.addi %mul3A_2, %add3A_88 : i32
    %dma_wait3A_90 = arith.constant 0 : i32
    %dma_wait3A_91 = tpu.memref_slice %arg11[%add3A_89, %dma_wait3A_90] : memref<10240x128xf32, #tpu.memory_space<vmem_shared>> -> memref<128x128xf32, #tpu.memory_space<vmem_shared>>
    tpu.wait_dma2 semaphore(%arg10 : memref<!tpu.dma_semaphore, #tpu.memory_space<semaphore_mem>>) src(%arg4 : memref<128x128xf32, #tpu.memory_space<hbm>>) dst(%dma_wait3A_91 : memref<128x128xf32, #tpu.memory_space<vmem_shared>>)
    %add3A_92 = arith.constant 128 : i32
    %add3A_93 = arith.addi %mul3A_2, %add3A_92 : i32
    %dma_wait3A_94 = arith.constant 0 : i32
    %dma_wait3A_95 = tpu.memref_slice %arg11[%add3A_93, %dma_wait3A_94] : memref<10240x128xf32, #tpu.memory_space<vmem_shared>> -> memref<128x128xf32, #tpu.memory_space<vmem_shared>>
    tpu.wait_dma2 semaphore(%arg10 : memref<!tpu.dma_semaphore, #tpu.memory_space<semaphore_mem>>) src(%arg4 : memref<128x128xf32, #tpu.memory_space<hbm>>) dst(%dma_wait3A_95 : memref<128x128xf32, #tpu.memory_space<vmem_shared>>)
    %add3A_96 = arith.constant 256 : i32
    %add3A_97 = arith.addi %mul3A_2, %add3A_96 : i32
    %dma_wait3A_98 = arith.constant 0 : i32
    %dma_wait3A_99 = tpu.memref_slice %arg11[%add3A_97, %dma_wait3A_98] : memref<10240x128xf32, #tpu.memory_space<vmem_shared>> -> memref<128x128xf32, #tpu.memory_space<vmem_shared>>
    tpu.wait_dma2 semaphore(%arg10 : memref<!tpu.dma_semaphore, #tpu.memory_space<semaphore_mem>>) src(%arg4 : memref<128x128xf32, #tpu.memory_space<hbm>>) dst(%dma_wait3A_99 : memref<128x128xf32, #tpu.memory_space<vmem_shared>>)
    %add3A_100 = arith.constant 384 : i32
    %add3A_101 = arith.addi %mul3A_2, %add3A_100 : i32
    %dma_wait3A_102 = arith.constant 0 : i32
    %dma_wait3A_103 = tpu.memref_slice %arg11[%add3A_101, %dma_wait3A_102] : memref<10240x128xf32, #tpu.memory_space<vmem_shared>> -> memref<128x128xf32, #tpu.memory_space<vmem_shared>>
    tpu.wait_dma2 semaphore(%arg10 : memref<!tpu.dma_semaphore, #tpu.memory_space<semaphore_mem>>) src(%arg4 : memref<128x128xf32, #tpu.memory_space<hbm>>) dst(%dma_wait3A_103 : memref<128x128xf32, #tpu.memory_space<vmem_shared>>)
    %add3A_104 = arith.constant 512 : i32
    %add3A_105 = arith.addi %mul3A_2, %add3A_104 : i32
    %dma_wait3A_106 = arith.constant 0 : i32
    %dma_wait3A_107 = tpu.memref_slice %arg11[%add3A_105, %dma_wait3A_106] : memref<10240x128xf32, #tpu.memory_space<vmem_shared>> -> memref<128x128xf32, #tpu.memory_space<vmem_shared>>
    tpu.wait_dma2 semaphore(%arg10 : memref<!tpu.dma_semaphore, #tpu.memory_space<semaphore_mem>>) src(%arg4 : memref<128x128xf32, #tpu.memory_space<hbm>>) dst(%dma_wait3A_107 : memref<128x128xf32, #tpu.memory_space<vmem_shared>>)
    %barrier3A = arith.constant 0 : index
    tpu.barrier barrier_id(%barrier3A)
    %scan3A = arith.constant 0 : i32
    %scan3A_108 = arith.constant 0 : i32
    %scan3A_109 = arith.constant 79 : i32
    %scan3A_110 = arith.addi %scan3A_108, %scan3A_109 : i32
    %scan3A_111 = arith.constant 1 : i32
    scf.for %scan3A_117 = %scan3A_108 to %scan3A_110 step %scan3A_111  : i32 {
      %rem3A = arith.constant 2 : i32
      %rem3A_118 = arith.remsi %scan3A_117, %rem3A : i32
      %add3A_119 = arith.constant 1 : i32
      %add3A_120 = arith.addi %scan3A_117, %add3A_119 : i32
      %rem3A_121 = arith.constant 2 : i32
      %rem3A_122 = arith.remsi %add3A_120, %rem3A_121 : i32
      %add3A_123 = arith.constant 1 : i32
      %add3A_124 = arith.addi %scan3A_117, %add3A_123 : i32
      %lt3A = arith.constant 79 : i32
      %lt3A_125 = arith.cmpi slt, %add3A_124, %lt3A : i32
      %convert_element_type3A = arith.extui %lt3A_125 : i1 to i32
      %cond3A = arith.constant 0 : i32
      %cond3A_126 = arith.cmpi ne, %convert_element_type3A, %cond3A : i32
      scf.if %cond3A_126 {
        %add3A_145 = arith.constant 1 : i32
        %add3A_146 = arith.addi %scan3A_117, %add3A_145 : i32
        %dma_wait3A_147 = arith.constant 0 : i32
        %dma_wait3A_148 = arith.constant 0 : i32
        %dma_wait3A_149 = tpu.memref_slice %arg6[%rem3A_122, %dma_wait3A_147, %dma_wait3A_148] : memref<2x2x128xi32, #tpu.memory_space<vmem>> -> memref<1x2x128xi32, #tpu.memory_space<vmem>>
        %dma_wait3A_150 = tpu.memref_squeeze %dma_wait3A_149 : memref<1x2x128xi32, #tpu.memory_space<vmem>> -> memref<2x128xi32, #tpu.memory_space<vmem>>
        %dma_wait3A_151 = arith.constant 0 : i32
        %dma_wait3A_152 = arith.constant 0 : i32
        %dma_wait3A_153 = tpu.memref_slice %arg3[%add3A, %add3A_146, %dma_wait3A_151, %dma_wait3A_152] : memref<32x79x2x128xi32, #tpu.memory_space<hbm>> -> memref<1x1x2x128xi32, #tpu.memory_space<hbm>>
        %dma_wait3A_154 = tpu.memref_squeeze %dma_wait3A_153 : memref<1x1x2x128xi32, #tpu.memory_space<hbm>> -> memref<2x128xi32, #tpu.memory_space<hbm>>
        %dma_wait3A_155 = arith.constant 0 : i32
        %dma_wait3A_156 = arith.constant 0 : i32
        %dma_wait3A_157 = tpu.memref_slice %arg6[%rem3A_122, %dma_wait3A_155, %dma_wait3A_156] : memref<2x2x128xi32, #tpu.memory_space<vmem>> -> memref<1x2x128xi32, #tpu.memory_space<vmem>>
        %dma_wait3A_158 = tpu.memref_squeeze %dma_wait3A_157 : memref<1x2x128xi32, #tpu.memory_space<vmem>> -> memref<2x128xi32, #tpu.memory_space<vmem>>
        %dma_wait3A_159 = arith.constant 0 : i32
        %dma_wait3A_160 = arith.constant 0 : i32
        %dma_wait3A_161 = tpu.memref_slice %arg3[%add3A, %add3A_146, %dma_wait3A_159, %dma_wait3A_160] : memref<32x79x2x128xi32, #tpu.memory_space<hbm>> -> memref<1x1x2x128xi32, #tpu.memory_space<hbm>>
        %dma_wait3A_162 = tpu.memref_squeeze %dma_wait3A_161 : memref<1x1x2x128xi32, #tpu.memory_space<hbm>> -> memref<2x128xi32, #tpu.memory_space<hbm>>
        tpu.wait_dma2 semaphore(%arg8 : memref<!tpu.dma_semaphore, #tpu.memory_space<semaphore_mem>>) src(%dma_wait3A_162 : memref<2x128xi32, #tpu.memory_space<hbm>>) dst(%dma_wait3A_158 : memref<2x128xi32, #tpu.memory_space<vmem>>)
        %dma_start3A_163 = arith.constant 0 : i32
        %dma_start3A_164 = arith.constant 0 : i32
        %dma_start3A_165 = arith.constant 0 : i32
        %dma_start3A_166 = tpu.memref_slice %arg7[%rem3A_122, %dma_start3A_164, %dma_start3A_165] : memref<2x128x128xf32, #tpu.memory_space<vmem>> -> memref<1x128x128xf32, #tpu.memory_space<vmem>>
        %dma_start3A_167 = tpu.memref_squeeze %dma_start3A_166 : memref<1x128x128xf32, #tpu.memory_space<vmem>> -> memref<128x128xf32, #tpu.memory_space<vmem>>
        %dma_start3A_168 = arith.constant 0 : i32
        %dma_start3A_169 = tpu.memref_slice %arg6[%rem3A_122, %dma_start3A_163, %dma_start3A_168] : memref<2x2x128xi32, #tpu.memory_space<vmem>> -> memref<1x1x128xi32, #tpu.memory_space<vmem>>
        %dma_start3A_170 = tpu.memref_squeeze %dma_start3A_169 : memref<1x1x128xi32, #tpu.memory_space<vmem>> -> memref<128xi32, #tpu.memory_space<vmem>>
        %dma_start3A_171 = arith.constant 0 : i32
        %dma_start3A_172 = arith.constant 0 : i32
        %dma_start3A_173 = tpu.memref_slice %arg2[%dma_start3A_171, %dma_start3A_172] : memref<10000x128xf32, #tpu.memory_space<hbm>> -> memref<10000x128xf32, #tpu.memory_space<hbm>>
        tpu.enqueue_indirect_dma source(%dma_start3A_173 : memref<10000x128xf32, #tpu.memory_space<hbm>>) target(%dma_start3A_167 : memref<128x128xf32, #tpu.memory_space<vmem>>) offsets(%dma_start3A_170 : memref<128xi32, #tpu.memory_space<vmem>>) semaphore(%arg9 : memref<!tpu.dma_semaphore, #tpu.memory_space<semaphore_mem>>)
      } else {
      }
      %dma_wait3A_127 = arith.constant 0 : i32
      %dma_wait3A_128 = arith.constant 0 : i32
      %dma_wait3A_129 = arith.constant 0 : i32
      %dma_wait3A_130 = tpu.memref_slice %arg7[%rem3A_118, %dma_wait3A_128, %dma_wait3A_129] : memref<2x128x128xf32, #tpu.memory_space<vmem>> -> memref<1x128x128xf32, #tpu.memory_space<vmem>>
      %dma_wait3A_131 = tpu.memref_squeeze %dma_wait3A_130 : memref<1x128x128xf32, #tpu.memory_space<vmem>> -> memref<128x128xf32, #tpu.memory_space<vmem>>
      %dma_wait3A_132 = arith.constant 0 : i32
      %dma_wait3A_133 = tpu.memref_slice %arg6[%rem3A_118, %dma_wait3A_127, %dma_wait3A_132] : memref<2x2x128xi32, #tpu.memory_space<vmem>> -> memref<1x1x128xi32, #tpu.memory_space<vmem>>
      %dma_wait3A_134 = tpu.memref_squeeze %dma_wait3A_133 : memref<1x1x128xi32, #tpu.memory_space<vmem>> -> memref<128xi32, #tpu.memory_space<vmem>>
      %dma_wait3A_135 = arith.constant 0 : i32
      %dma_wait3A_136 = arith.constant 0 : i32
      %dma_wait3A_137 = tpu.memref_slice %arg2[%dma_wait3A_135, %dma_wait3A_136] : memref<10000x128xf32, #tpu.memory_space<hbm>> -> memref<10000x128xf32, #tpu.memory_space<hbm>>
      tpu.wait_indirect_dma semaphore(%arg9 : memref<!tpu.dma_semaphore, #tpu.memory_space<semaphore_mem>>) src(%dma_wait3A_137 : memref<10000x128xf32, #tpu.memory_space<hbm>>) dst(%dma_wait3A_131 : memref<128x128xf32, #tpu.memory_space<vmem>>)
      %run_scoped3A = arith.constant 1 : i32
      "tpu.region"() ({
        %run_scoped3A_145 = tpu.sem_alloc : memref<!tpu.dma_semaphore, #tpu.memory_space<semaphore_mem>>
        %dma_start3A_146 = arith.constant 0 : i32
        %dma_start3A_147 = arith.constant 0 : i32
        %dma_start3A_148 = tpu.memref_slice %arg7[%rem3A_118, %dma_start3A_146, %dma_start3A_147] : memref<2x128x128xf32, #tpu.memory_space<vmem>> -> memref<1x128x128xf32, #tpu.memory_space<vmem>>
        %dma_start3A_149 = tpu.memref_squeeze %dma_start3A_148 : memref<1x128x128xf32, #tpu.memory_space<vmem>> -> memref<128x128xf32, #tpu.memory_space<vmem>>
        %dma_start3A_150 = arith.constant 0 : i32
        %dma_start3A_151 = tpu.memref_slice %arg6[%rem3A_118, %run_scoped3A, %dma_start3A_150] : memref<2x2x128xi32, #tpu.memory_space<vmem>> -> memref<1x1x128xi32, #tpu.memory_space<vmem>>
        %dma_start3A_152 = tpu.memref_squeeze %dma_start3A_151 : memref<1x1x128xi32, #tpu.memory_space<vmem>> -> memref<128xi32, #tpu.memory_space<vmem>>
        %dma_start3A_153 = arith.constant 0 : i32
        %dma_start3A_154 = arith.constant 0 : i32
        %dma_start3A_155 = tpu.memref_slice %arg11[%dma_start3A_153, %dma_start3A_154] : memref<10240x128xf32, #tpu.memory_space<vmem_shared>> -> memref<10240x128xf32, #tpu.memory_space<vmem_shared>>
        tpu.enqueue_indirect_dma source(%dma_start3A_149 : memref<128x128xf32, #tpu.memory_space<vmem>>) target(%dma_start3A_155 : memref<10240x128xf32, #tpu.memory_space<vmem_shared>>) offsets(%dma_start3A_152 : memref<128xi32, #tpu.memory_space<vmem>>) semaphore(%run_scoped3A_145 : memref<!tpu.dma_semaphore, #tpu.memory_space<semaphore_mem>>) {add = true}
        %dma_wait3A_156 = arith.constant 0 : i32
        %dma_wait3A_157 = arith.constant 0 : i32
        %dma_wait3A_158 = tpu.memref_slice %arg7[%rem3A_118, %dma_wait3A_156, %dma_wait3A_157] : memref<2x128x128xf32, #tpu.memory_space<vmem>> -> memref<1x128x128xf32, #tpu.memory_space<vmem>>
        %dma_wait3A_159 = tpu.memref_squeeze %dma_wait3A_158 : memref<1x128x128xf32, #tpu.memory_space<vmem>> -> memref<128x128xf32, #tpu.memory_space<vmem>>
        %dma_wait3A_160 = arith.constant 0 : i32
        %dma_wait3A_161 = tpu.memref_slice %arg6[%rem3A_118, %run_scoped3A, %dma_wait3A_160] : memref<2x2x128xi32, #tpu.memory_space<vmem>> -> memref<1x1x128xi32, #tpu.memory_space<vmem>>
        %dma_wait3A_162 = tpu.memref_squeeze %dma_wait3A_161 : memref<1x1x128xi32, #tpu.memory_space<vmem>> -> memref<128xi32, #tpu.memory_space<vmem>>
        %dma_wait3A_163 = arith.constant 0 : i32
        %dma_wait3A_164 = arith.constant 0 : i32
        %dma_wait3A_165 = tpu.memref_slice %arg11[%dma_wait3A_163, %dma_wait3A_164] : memref<10240x128xf32, #tpu.memory_space<vmem_shared>> -> memref<10240x128xf32, #tpu.memory_space<vmem_shared>>
        tpu.wait_indirect_dma semaphore(%run_scoped3A_145 : memref<!tpu.dma_semaphore, #tpu.memory_space<semaphore_mem>>) src(%dma_wait3A_159 : memref<128x128xf32, #tpu.memory_space<vmem>>) dst(%dma_wait3A_165 : memref<10240x128xf32, #tpu.memory_space<vmem_shared>>)
        tpu.yield
      }) : () -> ()
      %add3A_138 = arith.constant 2 : i32
      %add3A_139 = arith.addi %scan3A_117, %add3A_138 : i32
      %lt3A_140 = arith.constant 79 : i32
      %lt3A_141 = arith.cmpi slt, %add3A_139, %lt3A_140 : i32
      %convert_element_type3A_142 = arith.extui %lt3A_141 : i1 to i32
      %cond3A_143 = arith.constant 0 : i32
      %cond3A_144 = arith.cmpi ne, %convert_element_type3A_142, %cond3A_143 : i32
      scf.if %cond3A_144 {
        %add3A_145 = arith.constant 2 : i32
        %add3A_146 = arith.addi %scan3A_117, %add3A_145 : i32
        %dma_start3A_147 = arith.constant 0 : i32
        %dma_start3A_148 = arith.constant 0 : i32
        %dma_start3A_149 = tpu.memref_slice %arg6[%rem3A_118, %dma_start3A_147, %dma_start3A_148] : memref<2x2x128xi32, #tpu.memory_space<vmem>> -> memref<1x2x128xi32, #tpu.memory_space<vmem>>
        %dma_start3A_150 = tpu.memref_squeeze %dma_start3A_149 : memref<1x2x128xi32, #tpu.memory_space<vmem>> -> memref<2x128xi32, #tpu.memory_space<vmem>>
        %dma_start3A_151 = arith.constant 0 : i32
        %dma_start3A_152 = arith.constant 0 : i32
        %dma_start3A_153 = tpu.memref_slice %arg3[%add3A, %add3A_146, %dma_start3A_151, %dma_start3A_152] : memref<32x79x2x128xi32, #tpu.memory_space<hbm>> -> memref<1x1x2x128xi32, #tpu.memory_space<hbm>>
        %dma_start3A_154 = tpu.memref_squeeze %dma_start3A_153 : memref<1x1x2x128xi32, #tpu.memory_space<hbm>> -> memref<2x128xi32, #tpu.memory_space<hbm>>
        %dma_start3A_155 = arith.constant 0 : i32
        %dma_start3A_156 = arith.constant 0 : i32
        %dma_start3A_157 = tpu.memref_slice %arg6[%rem3A_118, %dma_start3A_155, %dma_start3A_156] : memref<2x2x128xi32, #tpu.memory_space<vmem>> -> memref<1x2x128xi32, #tpu.memory_space<vmem>>
        %dma_start3A_158 = tpu.memref_squeeze %dma_start3A_157 : memref<1x2x128xi32, #tpu.memory_space<vmem>> -> memref<2x128xi32, #tpu.memory_space<vmem>>
        %dma_start3A_159 = arith.constant 0 : i32
        %dma_start3A_160 = arith.constant 0 : i32
        %dma_start3A_161 = tpu.memref_slice %arg3[%add3A, %add3A_146, %dma_start3A_159, %dma_start3A_160] : memref<32x79x2x128xi32, #tpu.memory_space<hbm>> -> memref<1x1x2x128xi32, #tpu.memory_space<hbm>>
        %dma_start3A_162 = tpu.memref_squeeze %dma_start3A_161 : memref<1x1x2x128xi32, #tpu.memory_space<hbm>> -> memref<2x128xi32, #tpu.memory_space<hbm>>
        tpu.enqueue_dma source(%dma_start3A_162 : memref<2x128xi32, #tpu.memory_space<hbm>>) target(%dma_start3A_158 : memref<2x128xi32, #tpu.memory_space<vmem>>) target_semaphore(%arg8 : memref<!tpu.dma_semaphore, #tpu.memory_space<semaphore_mem>>)
      } else {
      }
    }
    %scan3A_112 = arith.constant 79 : i32
    %barrier3A_113 = arith.constant 0 : index
    tpu.barrier barrier_id(%barrier3A_113)
    %mul3A_114 = arith.constant 10240 : i32
    %mul3A_115 = arith.muli %arg0, %mul3A_114 : i32
    %add3A_116 = arith.addi %mul3A_115, %mul3A_2 : i32
    "tpu.region"() ({
      %run_scoped3A = tpu.sem_alloc : memref<!tpu.dma_semaphore, #tpu.memory_space<semaphore_mem>>
      %dma_start3A_117 = arith.constant 0 : i32
      %dma_start3A_118 = tpu.memref_slice %arg5[%add3A_116, %dma_start3A_117] : memref<20480x128xf32, #tpu.memory_space<hbm>> -> memref<640x128xf32, #tpu.memory_space<hbm>>
      %dma_start3A_119 = arith.constant 0 : i32
      %dma_start3A_120 = tpu.memref_slice %arg11[%mul3A_2, %dma_start3A_119] : memref<10240x128xf32, #tpu.memory_space<vmem_shared>> -> memref<640x128xf32, #tpu.memory_space<vmem_shared>>
      tpu.enqueue_dma source(%dma_start3A_120 : memref<640x128xf32, #tpu.memory_space<vmem_shared>>) target(%dma_start3A_118 : memref<640x128xf32, #tpu.memory_space<hbm>>) target_semaphore(%run_scoped3A : memref<!tpu.dma_semaphore, #tpu.memory_space<semaphore_mem>>)
      %dma_wait3A_121 = arith.constant 0 : i32
      %dma_wait3A_122 = tpu.memref_slice %arg5[%add3A_116, %dma_wait3A_121] : memref<20480x128xf32, #tpu.memory_space<hbm>> -> memref<640x128xf32, #tpu.memory_space<hbm>>
      %dma_wait3A_123 = arith.constant 0 : i32
      %dma_wait3A_124 = tpu.memref_slice %arg11[%mul3A_2, %dma_wait3A_123] : memref<10240x128xf32, #tpu.memory_space<vmem_shared>> -> memref<640x128xf32, #tpu.memory_space<vmem_shared>>
      tpu.wait_dma2 semaphore(%run_scoped3A : memref<!tpu.dma_semaphore, #tpu.memory_space<semaphore_mem>>) src(%dma_wait3A_124 : memref<640x128xf32, #tpu.memory_space<vmem_shared>>) dst(%dma_wait3A_122 : memref<640x128xf32, #tpu.memory_space<hbm>>)
      tpu.yield
    }) : () -> ()
    return
  }
}

#map = affine_map<(d0, d1) -> (0, 0)>
#map1 = affine_map<(d0, d1) -> (0, 0, 0, 0)>
module attributes {stable_mosaic.version = 14 : i64} {
  func.func @_scat_body(%arg0: i32, %arg1: i32, %arg2: memref<10000x128xf32, #tpu.memory_space<hbm>>, %arg3: memref<32x79x2x128xi32, #tpu.memory_space<hbm>>, %arg4: memref<128x128xf32, #tpu.memory_space<hbm>>, %arg5: memref<20480x128xf32, #tpu.memory_space<hbm>>, %arg6: memref<2x2x128xi32, #tpu.memory_space<vmem>>, %arg7: memref<2x128x128xf32, #tpu.memory_space<vmem>>, %arg8: memref<!tpu.dma_semaphore, #tpu.memory_space<semaphore_mem>>, %arg9: memref<!tpu.dma_semaphore, #tpu.memory_space<semaphore_mem>>, %arg10: memref<!tpu.dma_semaphore, #tpu.memory_space<semaphore_mem>>, %arg11: memref<10240x128xf32, #tpu.memory_space<vmem_shared>>) attributes {dimension_semantics = [#tpu.dimension_semantics<core_parallel>, #tpu.dimension_semantics<subcore_parallel>], iteration_bounds = array<i64: 2, 16>, scalar_prefetch = 0 : i64, scratch_operands = 6 : i64, tpu.core_type = #tpu.core_type<sc_vector_subcore>, window_params = [{transform_indices = #map}, {transform_indices = #map1}, {transform_indices = #map}, {transform_indices = #map}]} {
    %mul3A = arith.constant 2 : i32
    %mul3A_0 = arith.muli %arg1, %mul3A : i32
    %add3A = arith.addi %mul3A_0, %arg0 : i32
    %mul3A_1 = arith.constant 640 : i32
    %mul3A_2 = arith.muli %arg1, %mul3A_1 : i32
    %add3A_3 = arith.constant 0 : i32
    %add3A_4 = arith.addi %mul3A_2, %add3A_3 : i32
    %dma_start3A = arith.constant 0 : i32
    %dma_start3A_5 = tpu.memref_slice %arg11[%add3A_4, %dma_start3A] : memref<10240x128xf32, #tpu.memory_space<vmem_shared>> -> memref<128x128xf32, #tpu.memory_space<vmem_shared>>
    tpu.enqueue_dma source(%arg4 : memref<128x128xf32, #tpu.memory_space<hbm>>) target(%dma_start3A_5 : memref<128x128xf32, #tpu.memory_space<vmem_shared>>) target_semaphore(%arg10 : memref<!tpu.dma_semaphore, #tpu.memory_space<semaphore_mem>>)
    %add3A_6 = arith.constant 128 : i32
    %add3A_7 = arith.addi %mul3A_2, %add3A_6 : i32
    %dma_start3A_8 = arith.constant 0 : i32
    %dma_start3A_9 = tpu.memref_slice %arg11[%add3A_7, %dma_start3A_8] : memref<10240x128xf32, #tpu.memory_space<vmem_shared>> -> memref<128x128xf32, #tpu.memory_space<vmem_shared>>
    tpu.enqueue_dma source(%arg4 : memref<128x128xf32, #tpu.memory_space<hbm>>) target(%dma_start3A_9 : memref<128x128xf32, #tpu.memory_space<vmem_shared>>) target_semaphore(%arg10 : memref<!tpu.dma_semaphore, #tpu.memory_space<semaphore_mem>>)
    %add3A_10 = arith.constant 256 : i32
    %add3A_11 = arith.addi %mul3A_2, %add3A_10 : i32
    %dma_start3A_12 = arith.constant 0 : i32
    %dma_start3A_13 = tpu.memref_slice %arg11[%add3A_11, %dma_start3A_12] : memref<10240x128xf32, #tpu.memory_space<vmem_shared>> -> memref<128x128xf32, #tpu.memory_space<vmem_shared>>
    tpu.enqueue_dma source(%arg4 : memref<128x128xf32, #tpu.memory_space<hbm>>) target(%dma_start3A_13 : memref<128x128xf32, #tpu.memory_space<vmem_shared>>) target_semaphore(%arg10 : memref<!tpu.dma_semaphore, #tpu.memory_space<semaphore_mem>>)
    %add3A_14 = arith.constant 384 : i32
    %add3A_15 = arith.addi %mul3A_2, %add3A_14 : i32
    %dma_start3A_16 = arith.constant 0 : i32
    %dma_start3A_17 = tpu.memref_slice %arg11[%add3A_15, %dma_start3A_16] : memref<10240x128xf32, #tpu.memory_space<vmem_shared>> -> memref<128x128xf32, #tpu.memory_space<vmem_shared>>
    tpu.enqueue_dma source(%arg4 : memref<128x128xf32, #tpu.memory_space<hbm>>) target(%dma_start3A_17 : memref<128x128xf32, #tpu.memory_space<vmem_shared>>) target_semaphore(%arg10 : memref<!tpu.dma_semaphore, #tpu.memory_space<semaphore_mem>>)
    %add3A_18 = arith.constant 512 : i32
    %add3A_19 = arith.addi %mul3A_2, %add3A_18 : i32
    %dma_start3A_20 = arith.constant 0 : i32
    %dma_start3A_21 = tpu.memref_slice %arg11[%add3A_19, %dma_start3A_20] : memref<10240x128xf32, #tpu.memory_space<vmem_shared>> -> memref<128x128xf32, #tpu.memory_space<vmem_shared>>
    tpu.enqueue_dma source(%arg4 : memref<128x128xf32, #tpu.memory_space<hbm>>) target(%dma_start3A_21 : memref<128x128xf32, #tpu.memory_space<vmem_shared>>) target_semaphore(%arg10 : memref<!tpu.dma_semaphore, #tpu.memory_space<semaphore_mem>>)
    %dma_start3A_22 = arith.constant 0 : i32
    %dma_start3A_23 = arith.constant 0 : i32
    %dma_start3A_24 = arith.constant 0 : i32
    %dma_start3A_25 = arith.constant 0 : i32
    %dma_start3A_26 = tpu.memref_slice %arg6[%dma_start3A_23, %dma_start3A_24, %dma_start3A_25] : memref<2x2x128xi32, #tpu.memory_space<vmem>> -> memref<1x2x128xi32, #tpu.memory_space<vmem>>
    %dma_start3A_27 = tpu.memref_squeeze %dma_start3A_26 : memref<1x2x128xi32, #tpu.memory_space<vmem>> -> memref<2x128xi32, #tpu.memory_space<vmem>>
    %dma_start3A_28 = arith.constant 0 : i32
    %dma_start3A_29 = arith.constant 0 : i32
    %dma_start3A_30 = tpu.memref_slice %arg3[%add3A, %dma_start3A_22, %dma_start3A_28, %dma_start3A_29] : memref<32x79x2x128xi32, #tpu.memory_space<hbm>> -> memref<1x1x2x128xi32, #tpu.memory_space<hbm>>
    %dma_start3A_31 = tpu.memref_squeeze %dma_start3A_30 : memref<1x1x2x128xi32, #tpu.memory_space<hbm>> -> memref<2x128xi32, #tpu.memory_space<hbm>>
    %dma_start3A_32 = arith.constant 0 : i32
    %dma_start3A_33 = arith.constant 0 : i32
    %dma_start3A_34 = tpu.memref_slice %arg6[%dma_start3A_23, %dma_start3A_32, %dma_start3A_33] : memref<2x2x128xi32, #tpu.memory_space<vmem>> -> memref<1x2x128xi32, #tpu.memory_space<vmem>>
    %dma_start3A_35 = tpu.memref_squeeze %dma_start3A_34 : memref<1x2x128xi32, #tpu.memory_space<vmem>> -> memref<2x128xi32, #tpu.memory_space<vmem>>
    %dma_start3A_36 = arith.constant 0 : i32
    %dma_start3A_37 = arith.constant 0 : i32
    %dma_start3A_38 = tpu.memref_slice %arg3[%add3A, %dma_start3A_22, %dma_start3A_36, %dma_start3A_37] : memref<32x79x2x128xi32, #tpu.memory_space<hbm>> -> memref<1x1x2x128xi32, #tpu.memory_space<hbm>>
    %dma_start3A_39 = tpu.memref_squeeze %dma_start3A_38 : memref<1x1x2x128xi32, #tpu.memory_space<hbm>> -> memref<2x128xi32, #tpu.memory_space<hbm>>
    tpu.enqueue_dma source(%dma_start3A_39 : memref<2x128xi32, #tpu.memory_space<hbm>>) target(%dma_start3A_35 : memref<2x128xi32, #tpu.memory_space<vmem>>) target_semaphore(%arg8 : memref<!tpu.dma_semaphore, #tpu.memory_space<semaphore_mem>>)
    %dma_wait3A = arith.constant 0 : i32
    %dma_wait3A_40 = arith.constant 0 : i32
    %dma_wait3A_41 = arith.constant 0 : i32
    %dma_wait3A_42 = arith.constant 0 : i32
    %dma_wait3A_43 = tpu.memref_slice %arg6[%dma_wait3A_40, %dma_wait3A_41, %dma_wait3A_42] : memref<2x2x128xi32, #tpu.memory_space<vmem>> -> memref<1x2x128xi32, #tpu.memory_space<vmem>>
    %dma_wait3A_44 = tpu.memref_squeeze %dma_wait3A_43 : memref<1x2x128xi32, #tpu.memory_space<vmem>> -> memref<2x128xi32, #tpu.memory_space<vmem>>
    %dma_wait3A_45 = arith.constant 0 : i32
    %dma_wait3A_46 = arith.constant 0 : i32
    %dma_wait3A_47 = tpu.memref_slice %arg3[%add3A, %dma_wait3A, %dma_wait3A_45, %dma_wait3A_46] : memref<32x79x2x128xi32, #tpu.memory_space<hbm>> -> memref<1x1x2x128xi32, #tpu.memory_space<hbm>>
    %dma_wait3A_48 = tpu.memref_squeeze %dma_wait3A_47 : memref<1x1x2x128xi32, #tpu.memory_space<hbm>> -> memref<2x128xi32, #tpu.memory_space<hbm>>
    %dma_wait3A_49 = arith.constant 0 : i32
    %dma_wait3A_50 = arith.constant 0 : i32
    %dma_wait3A_51 = tpu.memref_slice %arg6[%dma_wait3A_40, %dma_wait3A_49, %dma_wait3A_50] : memref<2x2x128xi32, #tpu.memory_space<vmem>> -> memref<1x2x128xi32, #tpu.memory_space<vmem>>
    %dma_wait3A_52 = tpu.memref_squeeze %dma_wait3A_51 : memref<1x2x128xi32, #tpu.memory_space<vmem>> -> memref<2x128xi32, #tpu.memory_space<vmem>>
    %dma_wait3A_53 = arith.constant 0 : i32
    %dma_wait3A_54 = arith.constant 0 : i32
    %dma_wait3A_55 = tpu.memref_slice %arg3[%add3A, %dma_wait3A, %dma_wait3A_53, %dma_wait3A_54] : memref<32x79x2x128xi32, #tpu.memory_space<hbm>> -> memref<1x1x2x128xi32, #tpu.memory_space<hbm>>
    %dma_wait3A_56 = tpu.memref_squeeze %dma_wait3A_55 : memref<1x1x2x128xi32, #tpu.memory_space<hbm>> -> memref<2x128xi32, #tpu.memory_space<hbm>>
    tpu.wait_dma2 semaphore(%arg8 : memref<!tpu.dma_semaphore, #tpu.memory_space<semaphore_mem>>) src(%dma_wait3A_56 : memref<2x128xi32, #tpu.memory_space<hbm>>) dst(%dma_wait3A_52 : memref<2x128xi32, #tpu.memory_space<vmem>>)
    %dma_start3A_57 = arith.constant 0 : i32
    %dma_start3A_58 = arith.constant 0 : i32
    %dma_start3A_59 = arith.constant 0 : i32
    %dma_start3A_60 = arith.constant 0 : i32
    %dma_start3A_61 = arith.constant 0 : i32
    %dma_start3A_62 = tpu.memref_slice %arg7[%dma_start3A_59, %dma_start3A_60, %dma_start3A_61] : memref<2x128x128xf32, #tpu.memory_space<vmem>> -> memref<1x128x128xf32, #tpu.memory_space<vmem>>
    %dma_start3A_63 = tpu.memref_squeeze %dma_start3A_62 : memref<1x128x128xf32, #tpu.memory_space<vmem>> -> memref<128x128xf32, #tpu.memory_space<vmem>>
    %dma_start3A_64 = arith.constant 0 : i32
    %dma_start3A_65 = tpu.memref_slice %arg6[%dma_start3A_57, %dma_start3A_58, %dma_start3A_64] : memref<2x2x128xi32, #tpu.memory_space<vmem>> -> memref<1x1x128xi32, #tpu.memory_space<vmem>>
    %dma_start3A_66 = tpu.memref_squeeze %dma_start3A_65 : memref<1x1x128xi32, #tpu.memory_space<vmem>> -> memref<128xi32, #tpu.memory_space<vmem>>
    %dma_start3A_67 = arith.constant 0 : i32
    %dma_start3A_68 = arith.constant 0 : i32
    %dma_start3A_69 = tpu.memref_slice %arg2[%dma_start3A_67, %dma_start3A_68] : memref<10000x128xf32, #tpu.memory_space<hbm>> -> memref<10000x128xf32, #tpu.memory_space<hbm>>
    tpu.enqueue_indirect_dma source(%dma_start3A_69 : memref<10000x128xf32, #tpu.memory_space<hbm>>) target(%dma_start3A_63 : memref<128x128xf32, #tpu.memory_space<vmem>>) offsets(%dma_start3A_66 : memref<128xi32, #tpu.memory_space<vmem>>) semaphore(%arg9 : memref<!tpu.dma_semaphore, #tpu.memory_space<semaphore_mem>>)
    %dma_start3A_70 = arith.constant 1 : i32
    %dma_start3A_71 = arith.constant 1 : i32
    %dma_start3A_72 = arith.constant 0 : i32
    %dma_start3A_73 = arith.constant 0 : i32
    %dma_start3A_74 = tpu.memref_slice %arg6[%dma_start3A_71, %dma_start3A_72, %dma_start3A_73] : memref<2x2x128xi32, #tpu.memory_space<vmem>> -> memref<1x2x128xi32, #tpu.memory_space<vmem>>
    %dma_start3A_75 = tpu.memref_squeeze %dma_start3A_74 : memref<1x2x128xi32, #tpu.memory_space<vmem>> -> memref<2x128xi32, #tpu.memory_space<vmem>>
    %dma_start3A_76 = arith.constant 0 : i32
    %dma_start3A_77 = arith.constant 0 : i32
    %dma_start3A_78 = tpu.memref_slice %arg3[%add3A, %dma_start3A_70, %dma_start3A_76, %dma_start3A_77] : memref<32x79x2x128xi32, #tpu.memory_space<hbm>> -> memref<1x1x2x128xi32, #tpu.memory_space<hbm>>
    %dma_start3A_79 = tpu.memref_squeeze %dma_start3A_78 : memref<1x1x2x128xi32, #tpu.memory_space<hbm>> -> memref<2x128xi32, #tpu.memory_space<hbm>>
    %dma_start3A_80 = arith.constant 0 : i32
    %dma_start3A_81 = arith.constant 0 : i32
    %dma_start3A_82 = tpu.memref_slice %arg6[%dma_start3A_71, %dma_start3A_80, %dma_start3A_81] : memref<2x2x128xi32, #tpu.memory_space<vmem>> -> memref<1x2x128xi32, #tpu.memory_space<vmem>>
    %dma_start3A_83 = tpu.memref_squeeze %dma_start3A_82 : memref<1x2x128xi32, #tpu.memory_space<vmem>> -> memref<2x128xi32, #tpu.memory_space<vmem>>
    %dma_start3A_84 = arith.constant 0 : i32
    %dma_start3A_85 = arith.constant 0 : i32
    %dma_start3A_86 = tpu.memref_slice %arg3[%add3A, %dma_start3A_70, %dma_start3A_84, %dma_start3A_85] : memref<32x79x2x128xi32, #tpu.memory_space<hbm>> -> memref<1x1x2x128xi32, #tpu.memory_space<hbm>>
    %dma_start3A_87 = tpu.memref_squeeze %dma_start3A_86 : memref<1x1x2x128xi32, #tpu.memory_space<hbm>> -> memref<2x128xi32, #tpu.memory_space<hbm>>
    tpu.enqueue_dma source(%dma_start3A_87 : memref<2x128xi32, #tpu.memory_space<hbm>>) target(%dma_start3A_83 : memref<2x128xi32, #tpu.memory_space<vmem>>) target_semaphore(%arg8 : memref<!tpu.dma_semaphore, #tpu.memory_space<semaphore_mem>>)
    %add3A_88 = arith.constant 0 : i32
    %add3A_89 = arith.addi %mul3A_2, %add3A_88 : i32
    %dma_wait3A_90 = arith.constant 0 : i32
    %dma_wait3A_91 = tpu.memref_slice %arg11[%add3A_89, %dma_wait3A_90] : memref<10240x128xf32, #tpu.memory_space<vmem_shared>> -> memref<128x128xf32, #tpu.memory_space<vmem_shared>>
    tpu.wait_dma2 semaphore(%arg10 : memref<!tpu.dma_semaphore, #tpu.memory_space<semaphore_mem>>) src(%arg4 : memref<128x128xf32, #tpu.memory_space<hbm>>) dst(%dma_wait3A_91 : memref<128x128xf32, #tpu.memory_space<vmem_shared>>)
    %add3A_92 = arith.constant 128 : i32
    %add3A_93 = arith.addi %mul3A_2, %add3A_92 : i32
    %dma_wait3A_94 = arith.constant 0 : i32
    %dma_wait3A_95 = tpu.memref_slice %arg11[%add3A_93, %dma_wait3A_94] : memref<10240x128xf32, #tpu.memory_space<vmem_shared>> -> memref<128x128xf32, #tpu.memory_space<vmem_shared>>
    tpu.wait_dma2 semaphore(%arg10 : memref<!tpu.dma_semaphore, #tpu.memory_space<semaphore_mem>>) src(%arg4 : memref<128x128xf32, #tpu.memory_space<hbm>>) dst(%dma_wait3A_95 : memref<128x128xf32, #tpu.memory_space<vmem_shared>>)
    %add3A_96 = arith.constant 256 : i32
    %add3A_97 = arith.addi %mul3A_2, %add3A_96 : i32
    %dma_wait3A_98 = arith.constant 0 : i32
    %dma_wait3A_99 = tpu.memref_slice %arg11[%add3A_97, %dma_wait3A_98] : memref<10240x128xf32, #tpu.memory_space<vmem_shared>> -> memref<128x128xf32, #tpu.memory_space<vmem_shared>>
    tpu.wait_dma2 semaphore(%arg10 : memref<!tpu.dma_semaphore, #tpu.memory_space<semaphore_mem>>) src(%arg4 : memref<128x128xf32, #tpu.memory_space<hbm>>) dst(%dma_wait3A_99 : memref<128x128xf32, #tpu.memory_space<vmem_shared>>)
    %add3A_100 = arith.constant 384 : i32
    %add3A_101 = arith.addi %mul3A_2, %add3A_100 : i32
    %dma_wait3A_102 = arith.constant 0 : i32
    %dma_wait3A_103 = tpu.memref_slice %arg11[%add3A_101, %dma_wait3A_102] : memref<10240x128xf32, #tpu.memory_space<vmem_shared>> -> memref<128x128xf32, #tpu.memory_space<vmem_shared>>
    tpu.wait_dma2 semaphore(%arg10 : memref<!tpu.dma_semaphore, #tpu.memory_space<semaphore_mem>>) src(%arg4 : memref<128x128xf32, #tpu.memory_space<hbm>>) dst(%dma_wait3A_103 : memref<128x128xf32, #tpu.memory_space<vmem_shared>>)
    %add3A_104 = arith.constant 512 : i32
    %add3A_105 = arith.addi %mul3A_2, %add3A_104 : i32
    %dma_wait3A_106 = arith.constant 0 : i32
    %dma_wait3A_107 = tpu.memref_slice %arg11[%add3A_105, %dma_wait3A_106] : memref<10240x128xf32, #tpu.memory_space<vmem_shared>> -> memref<128x128xf32, #tpu.memory_space<vmem_shared>>
    tpu.wait_dma2 semaphore(%arg10 : memref<!tpu.dma_semaphore, #tpu.memory_space<semaphore_mem>>) src(%arg4 : memref<128x128xf32, #tpu.memory_space<hbm>>) dst(%dma_wait3A_107 : memref<128x128xf32, #tpu.memory_space<vmem_shared>>)
    %barrier3A = arith.constant 0 : index
    tpu.barrier barrier_id(%barrier3A)
    %scan3A = arith.constant 0 : i32
    %scan3A_108 = arith.constant 0 : i32
    %scan3A_109 = arith.constant 79 : i32
    %scan3A_110 = arith.addi %scan3A_108, %scan3A_109 : i32
    %scan3A_111 = arith.constant 1 : i32
    scf.for %scan3A_117 = %scan3A_108 to %scan3A_110 step %scan3A_111  : i32 {
      %rem3A = arith.constant 2 : i32
      %rem3A_118 = arith.remsi %scan3A_117, %rem3A : i32
      %add3A_119 = arith.constant 1 : i32
      %add3A_120 = arith.addi %scan3A_117, %add3A_119 : i32
      %rem3A_121 = arith.constant 2 : i32
      %rem3A_122 = arith.remsi %add3A_120, %rem3A_121 : i32
      %add3A_123 = arith.constant 1 : i32
      %add3A_124 = arith.addi %scan3A_117, %add3A_123 : i32
      %lt3A = arith.constant 79 : i32
      %lt3A_125 = arith.cmpi slt, %add3A_124, %lt3A : i32
      %convert_element_type3A = arith.extui %lt3A_125 : i1 to i32
      %cond3A = arith.constant 0 : i32
      %cond3A_126 = arith.cmpi ne, %convert_element_type3A, %cond3A : i32
      scf.if %cond3A_126 {
        %add3A_145 = arith.constant 1 : i32
        %add3A_146 = arith.addi %scan3A_117, %add3A_145 : i32
        %dma_wait3A_147 = arith.constant 0 : i32
        %dma_wait3A_148 = arith.constant 0 : i32
        %dma_wait3A_149 = tpu.memref_slice %arg6[%rem3A_122, %dma_wait3A_147, %dma_wait3A_148] : memref<2x2x128xi32, #tpu.memory_space<vmem>> -> memref<1x2x128xi32, #tpu.memory_space<vmem>>
        %dma_wait3A_150 = tpu.memref_squeeze %dma_wait3A_149 : memref<1x2x128xi32, #tpu.memory_space<vmem>> -> memref<2x128xi32, #tpu.memory_space<vmem>>
        %dma_wait3A_151 = arith.constant 0 : i32
        %dma_wait3A_152 = arith.constant 0 : i32
        %dma_wait3A_153 = tpu.memref_slice %arg3[%add3A, %add3A_146, %dma_wait3A_151, %dma_wait3A_152] : memref<32x79x2x128xi32, #tpu.memory_space<hbm>> -> memref<1x1x2x128xi32, #tpu.memory_space<hbm>>
        %dma_wait3A_154 = tpu.memref_squeeze %dma_wait3A_153 : memref<1x1x2x128xi32, #tpu.memory_space<hbm>> -> memref<2x128xi32, #tpu.memory_space<hbm>>
        %dma_wait3A_155 = arith.constant 0 : i32
        %dma_wait3A_156 = arith.constant 0 : i32
        %dma_wait3A_157 = tpu.memref_slice %arg6[%rem3A_122, %dma_wait3A_155, %dma_wait3A_156] : memref<2x2x128xi32, #tpu.memory_space<vmem>> -> memref<1x2x128xi32, #tpu.memory_space<vmem>>
        %dma_wait3A_158 = tpu.memref_squeeze %dma_wait3A_157 : memref<1x2x128xi32, #tpu.memory_space<vmem>> -> memref<2x128xi32, #tpu.memory_space<vmem>>
        %dma_wait3A_159 = arith.constant 0 : i32
        %dma_wait3A_160 = arith.constant 0 : i32
        %dma_wait3A_161 = tpu.memref_slice %arg3[%add3A, %add3A_146, %dma_wait3A_159, %dma_wait3A_160] : memref<32x79x2x128xi32, #tpu.memory_space<hbm>> -> memref<1x1x2x128xi32, #tpu.memory_space<hbm>>
        %dma_wait3A_162 = tpu.memref_squeeze %dma_wait3A_161 : memref<1x1x2x128xi32, #tpu.memory_space<hbm>> -> memref<2x128xi32, #tpu.memory_space<hbm>>
        tpu.wait_dma2 semaphore(%arg8 : memref<!tpu.dma_semaphore, #tpu.memory_space<semaphore_mem>>) src(%dma_wait3A_162 : memref<2x128xi32, #tpu.memory_space<hbm>>) dst(%dma_wait3A_158 : memref<2x128xi32, #tpu.memory_space<vmem>>)
        %dma_start3A_163 = arith.constant 0 : i32
        %dma_start3A_164 = arith.constant 0 : i32
        %dma_start3A_165 = arith.constant 0 : i32
        %dma_start3A_166 = tpu.memref_slice %arg7[%rem3A_122, %dma_start3A_164, %dma_start3A_165] : memref<2x128x128xf32, #tpu.memory_space<vmem>> -> memref<1x128x128xf32, #tpu.memory_space<vmem>>
        %dma_start3A_167 = tpu.memref_squeeze %dma_start3A_166 : memref<1x128x128xf32, #tpu.memory_space<vmem>> -> memref<128x128xf32, #tpu.memory_space<vmem>>
        %dma_start3A_168 = arith.constant 0 : i32
        %dma_start3A_169 = tpu.memref_slice %arg6[%rem3A_122, %dma_start3A_163, %dma_start3A_168] : memref<2x2x128xi32, #tpu.memory_space<vmem>> -> memref<1x1x128xi32, #tpu.memory_space<vmem>>
        %dma_start3A_170 = tpu.memref_squeeze %dma_start3A_169 : memref<1x1x128xi32, #tpu.memory_space<vmem>> -> memref<128xi32, #tpu.memory_space<vmem>>
        %dma_start3A_171 = arith.constant 0 : i32
        %dma_start3A_172 = arith.constant 0 : i32
        %dma_start3A_173 = tpu.memref_slice %arg2[%dma_start3A_171, %dma_start3A_172] : memref<10000x128xf32, #tpu.memory_space<hbm>> -> memref<10000x128xf32, #tpu.memory_space<hbm>>
        tpu.enqueue_indirect_dma source(%dma_start3A_173 : memref<10000x128xf32, #tpu.memory_space<hbm>>) target(%dma_start3A_167 : memref<128x128xf32, #tpu.memory_space<vmem>>) offsets(%dma_start3A_170 : memref<128xi32, #tpu.memory_space<vmem>>) semaphore(%arg9 : memref<!tpu.dma_semaphore, #tpu.memory_space<semaphore_mem>>)
      } else {
      }
      %dma_wait3A_127 = arith.constant 0 : i32
      %dma_wait3A_128 = arith.constant 0 : i32
      %dma_wait3A_129 = arith.constant 0 : i32
      %dma_wait3A_130 = tpu.memref_slice %arg7[%rem3A_118, %dma_wait3A_128, %dma_wait3A_129] : memref<2x128x128xf32, #tpu.memory_space<vmem>> -> memref<1x128x128xf32, #tpu.memory_space<vmem>>
      %dma_wait3A_131 = tpu.memref_squeeze %dma_wait3A_130 : memref<1x128x128xf32, #tpu.memory_space<vmem>> -> memref<128x128xf32, #tpu.memory_space<vmem>>
      %dma_wait3A_132 = arith.constant 0 : i32
      %dma_wait3A_133 = tpu.memref_slice %arg6[%rem3A_118, %dma_wait3A_127, %dma_wait3A_132] : memref<2x2x128xi32, #tpu.memory_space<vmem>> -> memref<1x1x128xi32, #tpu.memory_space<vmem>>
      %dma_wait3A_134 = tpu.memref_squeeze %dma_wait3A_133 : memref<1x1x128xi32, #tpu.memory_space<vmem>> -> memref<128xi32, #tpu.memory_space<vmem>>
      %dma_wait3A_135 = arith.constant 0 : i32
      %dma_wait3A_136 = arith.constant 0 : i32
      %dma_wait3A_137 = tpu.memref_slice %arg2[%dma_wait3A_135, %dma_wait3A_136] : memref<10000x128xf32, #tpu.memory_space<hbm>> -> memref<10000x128xf32, #tpu.memory_space<hbm>>
      tpu.wait_indirect_dma semaphore(%arg9 : memref<!tpu.dma_semaphore, #tpu.memory_space<semaphore_mem>>) src(%dma_wait3A_137 : memref<10000x128xf32, #tpu.memory_space<hbm>>) dst(%dma_wait3A_131 : memref<128x128xf32, #tpu.memory_space<vmem>>)
      %run_scoped3A = arith.constant 1 : i32
      "tpu.region"() ({
        %run_scoped3A_145 = tpu.sem_alloc : memref<!tpu.dma_semaphore, #tpu.memory_space<semaphore_mem>>
        %dma_start3A_146 = arith.constant 0 : i32
        %dma_start3A_147 = arith.constant 0 : i32
        %dma_start3A_148 = tpu.memref_slice %arg7[%rem3A_118, %dma_start3A_146, %dma_start3A_147] : memref<2x128x128xf32, #tpu.memory_space<vmem>> -> memref<1x128x128xf32, #tpu.memory_space<vmem>>
        %dma_start3A_149 = tpu.memref_squeeze %dma_start3A_148 : memref<1x128x128xf32, #tpu.memory_space<vmem>> -> memref<128x128xf32, #tpu.memory_space<vmem>>
        %dma_start3A_150 = arith.constant 0 : i32
        %dma_start3A_151 = tpu.memref_slice %arg6[%rem3A_118, %run_scoped3A, %dma_start3A_150] : memref<2x2x128xi32, #tpu.memory_space<vmem>> -> memref<1x1x128xi32, #tpu.memory_space<vmem>>
        %dma_start3A_152 = tpu.memref_squeeze %dma_start3A_151 : memref<1x1x128xi32, #tpu.memory_space<vmem>> -> memref<128xi32, #tpu.memory_space<vmem>>
        %dma_start3A_153 = arith.constant 0 : i32
        %dma_start3A_154 = arith.constant 0 : i32
        %dma_start3A_155 = tpu.memref_slice %arg11[%dma_start3A_153, %dma_start3A_154] : memref<10240x128xf32, #tpu.memory_space<vmem_shared>> -> memref<10240x128xf32, #tpu.memory_space<vmem_shared>>
        tpu.enqueue_indirect_dma source(%dma_start3A_149 : memref<128x128xf32, #tpu.memory_space<vmem>>) target(%dma_start3A_155 : memref<10240x128xf32, #tpu.memory_space<vmem_shared>>) offsets(%dma_start3A_152 : memref<128xi32, #tpu.memory_space<vmem>>) semaphore(%run_scoped3A_145 : memref<!tpu.dma_semaphore, #tpu.memory_space<semaphore_mem>>) {add = true}
        %dma_wait3A_156 = arith.constant 0 : i32
        %dma_wait3A_157 = arith.constant 0 : i32
        %dma_wait3A_158 = tpu.memref_slice %arg7[%rem3A_118, %dma_wait3A_156, %dma_wait3A_157] : memref<2x128x128xf32, #tpu.memory_space<vmem>> -> memref<1x128x128xf32, #tpu.memory_space<vmem>>
        %dma_wait3A_159 = tpu.memref_squeeze %dma_wait3A_158 : memref<1x128x128xf32, #tpu.memory_space<vmem>> -> memref<128x128xf32, #tpu.memory_space<vmem>>
        %dma_wait3A_160 = arith.constant 0 : i32
        %dma_wait3A_161 = tpu.memref_slice %arg6[%rem3A_118, %run_scoped3A, %dma_wait3A_160] : memref<2x2x128xi32, #tpu.memory_space<vmem>> -> memref<1x1x128xi32, #tpu.memory_space<vmem>>
        %dma_wait3A_162 = tpu.memref_squeeze %dma_wait3A_161 : memref<1x1x128xi32, #tpu.memory_space<vmem>> -> memref<128xi32, #tpu.memory_space<vmem>>
        %dma_wait3A_163 = arith.constant 0 : i32
        %dma_wait3A_164 = arith.constant 0 : i32
        %dma_wait3A_165 = tpu.memref_slice %arg11[%dma_wait3A_163, %dma_wait3A_164] : memref<10240x128xf32, #tpu.memory_space<vmem_shared>> -> memref<10240x128xf32, #tpu.memory_space<vmem_shared>>
        tpu.wait_indirect_dma semaphore(%run_scoped3A_145 : memref<!tpu.dma_semaphore, #tpu.memory_space<semaphore_mem>>) src(%dma_wait3A_159 : memref<128x128xf32, #tpu.memory_space<vmem>>) dst(%dma_wait3A_165 : memref<10240x128xf32, #tpu.memory_space<vmem_shared>>)
        tpu.yield
      }) : () -> ()
      %add3A_138 = arith.constant 2 : i32
      %add3A_139 = arith.addi %scan3A_117, %add3A_138 : i32
      %lt3A_140 = arith.constant 79 : i32
      %lt3A_141 = arith.cmpi slt, %add3A_139, %lt3A_140 : i32
      %convert_element_type3A_142 = arith.extui %lt3A_141 : i1 to i32
      %cond3A_143 = arith.constant 0 : i32
      %cond3A_144 = arith.cmpi ne, %convert_element_type3A_142, %cond3A_143 : i32
      scf.if %cond3A_144 {
        %add3A_145 = arith.constant 2 : i32
        %add3A_146 = arith.addi %scan3A_117, %add3A_145 : i32
        %dma_start3A_147 = arith.constant 0 : i32
        %dma_start3A_148 = arith.constant 0 : i32
        %dma_start3A_149 = tpu.memref_slice %arg6[%rem3A_118, %dma_start3A_147, %dma_start3A_148] : memref<2x2x128xi32, #tpu.memory_space<vmem>> -> memref<1x2x128xi32, #tpu.memory_space<vmem>>
        %dma_start3A_150 = tpu.memref_squeeze %dma_start3A_149 : memref<1x2x128xi32, #tpu.memory_space<vmem>> -> memref<2x128xi32, #tpu.memory_space<vmem>>
        %dma_start3A_151 = arith.constant 0 : i32
        %dma_start3A_152 = arith.constant 0 : i32
        %dma_start3A_153 = tpu.memref_slice %arg3[%add3A, %add3A_146, %dma_start3A_151, %dma_start3A_152] : memref<32x79x2x128xi32, #tpu.memory_space<hbm>> -> memref<1x1x2x128xi32, #tpu.memory_space<hbm>>
        %dma_start3A_154 = tpu.memref_squeeze %dma_start3A_153 : memref<1x1x2x128xi32, #tpu.memory_space<hbm>> -> memref<2x128xi32, #tpu.memory_space<hbm>>
        %dma_start3A_155 = arith.constant 0 : i32
        %dma_start3A_156 = arith.constant 0 : i32
        %dma_start3A_157 = tpu.memref_slice %arg6[%rem3A_118, %dma_start3A_155, %dma_start3A_156] : memref<2x2x128xi32, #tpu.memory_space<vmem>> -> memref<1x2x128xi32, #tpu.memory_space<vmem>>
        %dma_start3A_158 = tpu.memref_squeeze %dma_start3A_157 : memref<1x2x128xi32, #tpu.memory_space<vmem>> -> memref<2x128xi32, #tpu.memory_space<vmem>>
        %dma_start3A_159 = arith.constant 0 : i32
        %dma_start3A_160 = arith.constant 0 : i32
        %dma_start3A_161 = tpu.memref_slice %arg3[%add3A, %add3A_146, %dma_start3A_159, %dma_start3A_160] : memref<32x79x2x128xi32, #tpu.memory_space<hbm>> -> memref<1x1x2x128xi32, #tpu.memory_space<hbm>>
        %dma_start3A_162 = tpu.memref_squeeze %dma_start3A_161 : memref<1x1x2x128xi32, #tpu.memory_space<hbm>> -> memref<2x128xi32, #tpu.memory_space<hbm>>
        tpu.enqueue_dma source(%dma_start3A_162 : memref<2x128xi32, #tpu.memory_space<hbm>>) target(%dma_start3A_158 : memref<2x128xi32, #tpu.memory_space<vmem>>) target_semaphore(%arg8 : memref<!tpu.dma_semaphore, #tpu.memory_space<semaphore_mem>>)
      } else {
      }
    }
    %scan3A_112 = arith.constant 79 : i32
    %barrier3A_113 = arith.constant 0 : index
    tpu.barrier barrier_id(%barrier3A_113)
    %mul3A_114 = arith.constant 10240 : i32
    %mul3A_115 = arith.muli %arg0, %mul3A_114 : i32
    %add3A_116 = arith.addi %mul3A_115, %mul3A_2 : i32
    "tpu.region"() ({
      %run_scoped3A = tpu.sem_alloc : memref<!tpu.dma_semaphore, #tpu.memory_space<semaphore_mem>>
      %dma_start3A_117 = arith.constant 0 : i32
      %dma_start3A_118 = tpu.memref_slice %arg5[%add3A_116, %dma_start3A_117] : memref<20480x128xf32, #tpu.memory_space<hbm>> -> memref<640x128xf32, #tpu.memory_space<hbm>>
      %dma_start3A_119 = arith.constant 0 : i32
      %dma_start3A_120 = tpu.memref_slice %arg11[%mul3A_2, %dma_start3A_119] : memref<10240x128xf32, #tpu.memory_space<vmem_shared>> -> memref<640x128xf32, #tpu.memory_space<vmem_shared>>
      tpu.enqueue_dma source(%dma_start3A_120 : memref<640x128xf32, #tpu.memory_space<vmem_shared>>) target(%dma_start3A_118 : memref<640x128xf32, #tpu.memory_space<hbm>>) target_semaphore(%run_scoped3A : memref<!tpu.dma_semaphore, #tpu.memory_space<semaphore_mem>>)
      %dma_wait3A_121 = arith.constant 0 : i32
      %dma_wait3A_122 = tpu.memref_slice %arg5[%add3A_116, %dma_wait3A_121] : memref<20480x128xf32, #tpu.memory_space<hbm>> -> memref<640x128xf32, #tpu.memory_space<hbm>>
      %dma_wait3A_123 = arith.constant 0 : i32
      %dma_wait3A_124 = tpu.memref_slice %arg11[%mul3A_2, %dma_wait3A_123] : memref<10240x128xf32, #tpu.memory_space<vmem_shared>> -> memref<640x128xf32, #tpu.memory_space<vmem_shared>>
      tpu.wait_dma2 semaphore(%run_scoped3A : memref<!tpu.dma_semaphore, #tpu.memory_space<semaphore_mem>>) src(%dma_wait3A_124 : memref<640x128xf32, #tpu.memory_space<vmem_shared>>) dst(%dma_wait3A_122 : memref<640x128xf32, #tpu.memory_space<hbm>>)
      tpu.yield
    }) : () -> ()
    return
  }
}

module attributes {stable_mosaic.version = 14 : i64} {
  func.func @_prep_body(%arg0: memref<10000x128xf32, #tpu.memory_space<vmem>>, %arg1: memref<32x10000xf32, #tpu.memory_space<vmem>>, %arg2: memref<10000x128xf32, #tpu.memory_space<vmem>>) attributes {dimension_semantics = [], scalar_prefetch = 0 : i64, scratch_operands = 0 : i64, tpu.core_type = #tpu.core_type<tc>} {
    %get3A = arith.constant 0 : index
    %get3A_0 = arith.constant 0 : index
    %get3A_1 = vector.load %arg1[%get3A, %get3A_0] : memref<32x10000xf32, #tpu.memory_space<vmem>>, vector<32x10000xf32>
    %reduce_sum3A = arith.constant dense<0.000000e+00> : vector<10000xf32>
    %reduce_sum3A_2 = vector.multi_reduction <add>, %get3A_1, %reduce_sum3A [0] : vector<32x10000xf32> to vector<10000xf32>
    %add3A = arith.constant 1.000000e+00 : f32
    %add3A_3 = vector.broadcast %add3A : f32 to vector<10000xf32>
    %add3A_4 = arith.addf %reduce_sum3A_2, %add3A_3 : vector<10000xf32>
    %rsqrt3A = math.rsqrt %add3A_4 : vector<10000xf32>
    %get3A_5 = arith.constant 0 : index
    %get3A_6 = arith.constant 0 : index
    %get3A_7 = vector.load %arg0[%get3A_5, %get3A_6] : memref<10000x128xf32, #tpu.memory_space<vmem>>, vector<10000x128xf32>
    %broadcast_in_dim3A = vector.shape_cast %rsqrt3A : vector<10000xf32> to vector<10000x1xf32>
    %mul3A = vector.broadcast %broadcast_in_dim3A : vector<10000x1xf32> to vector<10000x128xf32>
    %mul3A_8 = arith.mulf %get3A_7, %mul3A : vector<10000x128xf32>
    %swap3A = arith.constant 0 : index
    %swap3A_9 = arith.constant 0 : index
    %swap3A_10 = vector.load %arg2[%swap3A, %swap3A_9] : memref<10000x128xf32, #tpu.memory_space<vmem>>, vector<10000x128xf32>
    tpu.vector_store %arg2[%swap3A, %swap3A_9], %mul3A_8 {strides = array<i32>} : memref<10000x128xf32, #tpu.memory_space<vmem>>, vector<10000x128xf32>,
    return
  }
}

module attributes {stable_mosaic.version = 14 : i64} {
  func.func @_dense_mid_body(%arg0: memref<2x10240x128xf32, #tpu.memory_space<vmem>>, %arg1: memref<10000x128xf32, #tpu.memory_space<vmem>>, %arg2: memref<32x10000xf32, #tpu.memory_space<vmem>>, %arg3: memref<32x10000xf32, #tpu.memory_space<vmem>>, %arg4: memref<128x128xf32, #tpu.memory_space<vmem>>, %arg5: memref<128xf32, #tpu.memory_space<vmem>>, %arg6: memref<128xf32, #tpu.memory_space<vmem>>, %arg7: memref<128xf32, #tpu.memory_space<vmem>>, %arg8: memref<10000x128xf32, #tpu.memory_space<vmem>>) attributes {dimension_semantics = [], scalar_prefetch = 0 : i64, scratch_operands = 0 : i64, tpu.core_type = #tpu.core_type<tc>} {
    %get3A = arith.constant 0 : index
    %get3A_0 = arith.constant 0 : index
    %get3A_1 = vector.load %arg3[%get3A, %get3A_0] : memref<32x10000xf32, #tpu.memory_space<vmem>>, vector<32x10000xf32>
    %reduce_sum3A = arith.constant dense<0.000000e+00> : vector<10000xf32>
    %reduce_sum3A_2 = vector.multi_reduction <add>, %get3A_1, %reduce_sum3A [0] : vector<32x10000xf32> to vector<10000xf32>
    %add3A = arith.constant 1.000000e+00 : f32
    %add3A_3 = vector.broadcast %add3A : f32 to vector<10000xf32>
    %add3A_4 = arith.addf %reduce_sum3A_2, %add3A_3 : vector<10000xf32>
    %rsqrt3A = math.rsqrt %add3A_4 : vector<10000xf32>
    %get3A_5 = arith.constant 0 : index
    %get3A_6 = arith.constant 0 : index
    %get3A_7 = arith.constant 0 : index
    %get3A_8 = vector.load %arg0[%get3A_5, %get3A_6, %get3A_7] : memref<2x10240x128xf32, #tpu.memory_space<vmem>>, vector<1x10000x128xf32>
    %get3A_9 = vector.shape_cast %get3A_8 : vector<1x10000x128xf32> to vector<10000x128xf32>
    %get3A_10 = arith.constant 1 : index
    %get3A_11 = arith.constant 0 : index
    %get3A_12 = arith.constant 0 : index
    %get3A_13 = vector.load %arg0[%get3A_10, %get3A_11, %get3A_12] : memref<2x10240x128xf32, #tpu.memory_space<vmem>>, vector<1x10000x128xf32>
    %get3A_14 = vector.shape_cast %get3A_13 : vector<1x10000x128xf32> to vector<10000x128xf32>
    %add3A_15 = arith.addf %get3A_9, %get3A_14 : vector<10000x128xf32>
    %get3A_16 = arith.constant 0 : index
    %get3A_17 = arith.constant 0 : index
    %get3A_18 = vector.load %arg1[%get3A_16, %get3A_17] : memref<10000x128xf32, #tpu.memory_space<vmem>>, vector<10000x128xf32>
    %add3A_19 = arith.addf %add3A_15, %get3A_18 : vector<10000x128xf32>
    %broadcast_in_dim3A = vector.shape_cast %rsqrt3A : vector<10000xf32> to vector<10000x1xf32>
    %mul3A = vector.broadcast %broadcast_in_dim3A : vector<10000x1xf32> to vector<10000x128xf32>
    %mul3A_20 = arith.mulf %add3A_19, %mul3A : vector<10000x128xf32>
    %get3A_21 = arith.constant 0 : index
    %get3A_22 = arith.constant 0 : index
    %get3A_23 = vector.load %arg4[%get3A_21, %get3A_22] : memref<128x128xf32, #tpu.memory_space<vmem>>, vector<128x128xf32>
    %dot_general3A = arith.constant dense<0.000000e+00> : vector<10000x128xf32>
    %dot_general3A_24 = tpu.matmul %mul3A_20, %get3A_23, %dot_general3A {dimension_numbers = #tpu.dot_dimension_numbers<[1], [0], [0], [1], [0, 0, 1, 1], [], []>, transpose_lhs_hint = false} : vector<10000x128xf32>, vector<128x128xf32>, vector<10000x128xf32> -> vector<10000x128xf32>
    %get3A_25 = arith.constant 0 : index
    %get3A_26 = vector.load %arg5[%get3A_25] : memref<128xf32, #tpu.memory_space<vmem>>, vector<128xf32>
    %broadcast_in_dim3A_27 = vector.shape_cast %get3A_26 : vector<128xf32> to vector<1x128xf32>
    %add3A_28 = vector.broadcast %broadcast_in_dim3A_27 : vector<1x128xf32> to vector<10000x128xf32>
    %add3A_29 = arith.addf %dot_general3A_24, %add3A_28 : vector<10000x128xf32>
    %max3A = arith.constant 0.000000e+00 : f32
    %max3A_30 = vector.broadcast %max3A : f32 to vector<10000x128xf32>
    %max3A_31 = arith.maximumf %add3A_29, %max3A_30 : vector<10000x128xf32>
    %reduce_sum3A_32 = arith.constant dense<0.000000e+00> : vector<128xf32>
    %reduce_sum3A_33 = vector.multi_reduction <add>, %max3A_31, %reduce_sum3A_32 [0] : vector<10000x128xf32> to vector<128xf32>
    %div3A = arith.constant 1.000000e+04 : f32
    %div3A_34 = vector.broadcast %div3A : f32 to vector<128xf32>
    %div3A_35 = arith.divf %reduce_sum3A_33, %div3A_34 : vector<128xf32>
    %mul3A_36 = arith.mulf %max3A_31, %max3A_31 : vector<10000x128xf32>
    %reduce_sum3A_37 = arith.constant dense<0.000000e+00> : vector<128xf32>
    %reduce_sum3A_38 = vector.multi_reduction <add>, %mul3A_36, %reduce_sum3A_37 [0] : vector<10000x128xf32> to vector<128xf32>
    %div3A_39 = arith.constant 1.000000e+04 : f32
    %div3A_40 = vector.broadcast %div3A_39 : f32 to vector<128xf32>
    %div3A_41 = arith.divf %reduce_sum3A_38, %div3A_40 : vector<128xf32>
    %mul3A_42 = arith.mulf %div3A_35, %div3A_35 : vector<128xf32>
    %sub3A = arith.subf %div3A_41, %mul3A_42 : vector<128xf32>
    %broadcast_in_dim3A_43 = vector.shape_cast %div3A_35 : vector<128xf32> to vector<1x128xf32>
    %sub3A_44 = vector.broadcast %broadcast_in_dim3A_43 : vector<1x128xf32> to vector<10000x128xf32>
    %sub3A_45 = arith.subf %max3A_31, %sub3A_44 : vector<10000x128xf32>
    %add3A_46 = arith.constant 9.99999974E-6 : f32
    %add3A_47 = vector.broadcast %add3A_46 : f32 to vector<128xf32>
    %add3A_48 = arith.addf %sub3A, %add3A_47 : vector<128xf32>
    %rsqrt3A_49 = math.rsqrt %add3A_48 : vector<128xf32>
    %broadcast_in_dim3A_50 = vector.shape_cast %rsqrt3A_49 : vector<128xf32> to vector<1x128xf32>
    %mul3A_51 = vector.broadcast %broadcast_in_dim3A_50 : vector<1x128xf32> to vector<10000x128xf32>
    %mul3A_52 = arith.mulf %sub3A_45, %mul3A_51 : vector<10000x128xf32>
    %get3A_53 = arith.constant 0 : index
    %get3A_54 = vector.load %arg6[%get3A_53] : memref<128xf32, #tpu.memory_space<vmem>>, vector<128xf32>
    %broadcast_in_dim3A_55 = vector.shape_cast %get3A_54 : vector<128xf32> to vector<1x128xf32>
    %mul3A_56 = vector.broadcast %broadcast_in_dim3A_55 : vector<1x128xf32> to vector<10000x128xf32>
    %mul3A_57 = arith.mulf %mul3A_52, %mul3A_56 : vector<10000x128xf32>
    %get3A_58 = arith.constant 0 : index
    %get3A_59 = vector.load %arg7[%get3A_58] : memref<128xf32, #tpu.memory_space<vmem>>, vector<128xf32>
    %broadcast_in_dim3A_60 = vector.shape_cast %get3A_59 : vector<128xf32> to vector<1x128xf32>
    %add3A_61 = vector.broadcast %broadcast_in_dim3A_60 : vector<1x128xf32> to vector<10000x128xf32>
    %add3A_62 = arith.addf %mul3A_57, %add3A_61 : vector<10000x128xf32>
    %get3A_63 = arith.constant 0 : index
    %get3A_64 = arith.constant 0 : index
    %get3A_65 = vector.load %arg2[%get3A_63, %get3A_64] : memref<32x10000xf32, #tpu.memory_space<vmem>>, vector<32x10000xf32>
    %reduce_sum3A_66 = arith.constant dense<0.000000e+00> : vector<10000xf32>
    %reduce_sum3A_67 = vector.multi_reduction <add>, %get3A_65, %reduce_sum3A_66 [0] : vector<32x10000xf32> to vector<10000xf32>
    %add3A_68 = arith.constant 1.000000e+00 : f32
    %add3A_69 = vector.broadcast %add3A_68 : f32 to vector<10000xf32>
    %add3A_70 = arith.addf %reduce_sum3A_67, %add3A_69 : vector<10000xf32>
    %rsqrt3A_71 = math.rsqrt %add3A_70 : vector<10000xf32>
    %broadcast_in_dim3A_72 = vector.shape_cast %rsqrt3A_71 : vector<10000xf32> to vector<10000x1xf32>
    %mul3A_73 = vector.broadcast %broadcast_in_dim3A_72 : vector<10000x1xf32> to vector<10000x128xf32>
    %mul3A_74 = arith.mulf %add3A_62, %mul3A_73 : vector<10000x128xf32>
    %swap3A = arith.constant 0 : index
    %swap3A_75 = arith.constant 0 : index
    %swap3A_76 = vector.load %arg8[%swap3A, %swap3A_75] : memref<10000x128xf32, #tpu.memory_space<vmem>>, vector<10000x128xf32>
    tpu.vector_store %arg8[%swap3A, %swap3A_75], %mul3A_74 {strides = array<i32>} : memref<10000x128xf32, #tpu.memory_space<vmem>>, vector<10000x128xf32>,
    return
  }
}

module attributes {stable_mosaic.version = 14 : i64} {
  func.func @_dense_fin_body(%arg0: memref<2x10240x128xf32, #tpu.memory_space<vmem>>, %arg1: memref<10000x128xf32, #tpu.memory_space<vmem>>, %arg2: memref<32x10000xf32, #tpu.memory_space<vmem>>, %arg3: memref<128x128xf32, #tpu.memory_space<vmem>>, %arg4: memref<128xf32, #tpu.memory_space<vmem>>, %arg5: memref<128xf32, #tpu.memory_space<vmem>>, %arg6: memref<128xf32, #tpu.memory_space<vmem>>, %arg7: memref<10000x128xf32, #tpu.memory_space<vmem>>) attributes {dimension_semantics = [], scalar_prefetch = 0 : i64, scratch_operands = 0 : i64, tpu.core_type = #tpu.core_type<tc>} {
    %get3A = arith.constant 0 : index
    %get3A_0 = arith.constant 0 : index
    %get3A_1 = vector.load %arg2[%get3A, %get3A_0] : memref<32x10000xf32, #tpu.memory_space<vmem>>, vector<32x10000xf32>
    %reduce_sum3A = arith.constant dense<0.000000e+00> : vector<10000xf32>
    %reduce_sum3A_2 = vector.multi_reduction <add>, %get3A_1, %reduce_sum3A [0] : vector<32x10000xf32> to vector<10000xf32>
    %add3A = arith.constant 1.000000e+00 : f32
    %add3A_3 = vector.broadcast %add3A : f32 to vector<10000xf32>
    %add3A_4 = arith.addf %reduce_sum3A_2, %add3A_3 : vector<10000xf32>
    %rsqrt3A = math.rsqrt %add3A_4 : vector<10000xf32>
    %get3A_5 = arith.constant 0 : index
    %get3A_6 = arith.constant 0 : index
    %get3A_7 = arith.constant 0 : index
    %get3A_8 = vector.load %arg0[%get3A_5, %get3A_6, %get3A_7] : memref<2x10240x128xf32, #tpu.memory_space<vmem>>, vector<1x10000x128xf32>
    %get3A_9 = vector.shape_cast %get3A_8 : vector<1x10000x128xf32> to vector<10000x128xf32>
    %get3A_10 = arith.constant 1 : index
    %get3A_11 = arith.constant 0 : index
    %get3A_12 = arith.constant 0 : index
    %get3A_13 = vector.load %arg0[%get3A_10, %get3A_11, %get3A_12] : memref<2x10240x128xf32, #tpu.memory_space<vmem>>, vector<1x10000x128xf32>
    %get3A_14 = vector.shape_cast %get3A_13 : vector<1x10000x128xf32> to vector<10000x128xf32>
    %add3A_15 = arith.addf %get3A_9, %get3A_14 : vector<10000x128xf32>
    %get3A_16 = arith.constant 0 : index
    %get3A_17 = arith.constant 0 : index
    %get3A_18 = vector.load %arg1[%get3A_16, %get3A_17] : memref<10000x128xf32, #tpu.memory_space<vmem>>, vector<10000x128xf32>
    %add3A_19 = arith.addf %add3A_15, %get3A_18 : vector<10000x128xf32>
    %broadcast_in_dim3A = vector.shape_cast %rsqrt3A : vector<10000xf32> to vector<10000x1xf32>
    %mul3A = vector.broadcast %broadcast_in_dim3A : vector<10000x1xf32> to vector<10000x128xf32>
    %mul3A_20 = arith.mulf %add3A_19, %mul3A : vector<10000x128xf32>
    %get3A_21 = arith.constant 0 : index
    %get3A_22 = arith.constant 0 : index
    %get3A_23 = vector.load %arg3[%get3A_21, %get3A_22] : memref<128x128xf32, #tpu.memory_space<vmem>>, vector<128x128xf32>
    %dot_general3A = arith.constant dense<0.000000e+00> : vector<10000x128xf32>
    %dot_general3A_24 = tpu.matmul %mul3A_20, %get3A_23, %dot_general3A {dimension_numbers = #tpu.dot_dimension_numbers<[1], [0], [0], [1], [0, 0, 1, 1], [], []>, transpose_lhs_hint = false} : vector<10000x128xf32>, vector<128x128xf32>, vector<10000x128xf32> -> vector<10000x128xf32>
    %get3A_25 = arith.constant 0 : index
    %get3A_26 = vector.load %arg4[%get3A_25] : memref<128xf32, #tpu.memory_space<vmem>>, vector<128xf32>
    %broadcast_in_dim3A_27 = vector.shape_cast %get3A_26 : vector<128xf32> to vector<1x128xf32>
    %add3A_28 = vector.broadcast %broadcast_in_dim3A_27 : vector<1x128xf32> to vector<10000x128xf32>
    %add3A_29 = arith.addf %dot_general3A_24, %add3A_28 : vector<10000x128xf32>
    %reduce_sum3A_30 = arith.constant dense<0.000000e+00> : vector<10000xf32>
    %reduce_sum3A_31 = vector.multi_reduction <add>, %add3A_29, %reduce_sum3A_30 [1] : vector<10000x128xf32> to vector<10000xf32>
    %broadcast_in_dim3A_32 = vector.shape_cast %reduce_sum3A_31 : vector<10000xf32> to vector<10000x1xf32>
    %div3A = arith.constant 1.280000e+02 : f32
    %div3A_33 = vector.broadcast %div3A : f32 to vector<10000x1xf32>
    %div3A_34 = arith.divf %broadcast_in_dim3A_32, %div3A_33 : vector<10000x1xf32>
    %sub3A = vector.broadcast %div3A_34 : vector<10000x1xf32> to vector<10000x128xf32>
    %sub3A_35 = arith.subf %add3A_29, %sub3A : vector<10000x128xf32>
    %mul3A_36 = arith.mulf %sub3A_35, %sub3A_35 : vector<10000x128xf32>
    %reduce_sum3A_37 = arith.constant dense<0.000000e+00> : vector<10000xf32>
    %reduce_sum3A_38 = vector.multi_reduction <add>, %mul3A_36, %reduce_sum3A_37 [1] : vector<10000x128xf32> to vector<10000xf32>
    %broadcast_in_dim3A_39 = vector.shape_cast %reduce_sum3A_38 : vector<10000xf32> to vector<10000x1xf32>
    %div3A_40 = arith.constant 1.280000e+02 : f32
    %div3A_41 = vector.broadcast %div3A_40 : f32 to vector<10000x1xf32>
    %div3A_42 = arith.divf %broadcast_in_dim3A_39, %div3A_41 : vector<10000x1xf32>
    %add3A_43 = arith.constant 9.99999974E-6 : f32
    %add3A_44 = vector.broadcast %add3A_43 : f32 to vector<10000x1xf32>
    %add3A_45 = arith.addf %div3A_42, %add3A_44 : vector<10000x1xf32>
    %rsqrt3A_46 = math.rsqrt %add3A_45 : vector<10000x1xf32>
    %mul3A_47 = vector.broadcast %rsqrt3A_46 : vector<10000x1xf32> to vector<10000x128xf32>
    %mul3A_48 = arith.mulf %sub3A_35, %mul3A_47 : vector<10000x128xf32>
    %get3A_49 = arith.constant 0 : index
    %get3A_50 = vector.load %arg5[%get3A_49] : memref<128xf32, #tpu.memory_space<vmem>>, vector<128xf32>
    %broadcast_in_dim3A_51 = vector.shape_cast %get3A_50 : vector<128xf32> to vector<1x128xf32>
    %mul3A_52 = vector.broadcast %broadcast_in_dim3A_51 : vector<1x128xf32> to vector<10000x128xf32>
    %mul3A_53 = arith.mulf %mul3A_48, %mul3A_52 : vector<10000x128xf32>
    %get3A_54 = arith.constant 0 : index
    %get3A_55 = vector.load %arg6[%get3A_54] : memref<128xf32, #tpu.memory_space<vmem>>, vector<128xf32>
    %broadcast_in_dim3A_56 = vector.shape_cast %get3A_55 : vector<128xf32> to vector<1x128xf32>
    %add3A_57 = vector.broadcast %broadcast_in_dim3A_56 : vector<1x128xf32> to vector<10000x128xf32>
    %add3A_58 = arith.addf %mul3A_53, %add3A_57 : vector<10000x128xf32>
    %swap3A = arith.constant 0 : index
    %swap3A_59 = arith.constant 0 : index
    %swap3A_60 = vector.load %arg7[%swap3A, %swap3A_59] : memref<10000x128xf32, #tpu.memory_space<vmem>>, vector<10000x128xf32>
    tpu.vector_store %arg7[%swap3A, %swap3A_59], %add3A_58 {strides = array<i32>} : memref<10000x128xf32, #tpu.memory_space<vmem>>, vector<10000x128xf32>,
    return
  }
}

</mosaic_0001>

<sc_bundles>
// kernel: kernel.10.cloned.1.call-start
scs
__scs_entry_jumppad:
0x0: {  	(pc) =	sbr.rel $0x88, $3  }
0x1: {  	(tag) =	ssettag $0x0;
	lr =	simm.s32 $0x1  }
0x2: {  	[smem:$0x3F93] =	sst lr;
	_ =	strace $0xD0000000  }
0x3: {  	_ = 	snop  }
0x4: {  	_ = 	snop  }
0x5: {  	_ = 	snop  }
0x6: {  	_ = 	snop  }
0x7: {  	_ = 	snop  }
__scs_overlays_trampoline_lowered:
0x8: {  	[smem:$0x3FA2] =	sst s0  }
0x9: {  	[smem:$0x3FA3] =	sst s1  }
0xa: {  	[smem:$0x3FA4] =	sst s2  }
0xb: {  	[smem:$0x3FA5] =	sst s3  }
0xc: {  	[smem:$0x3FA6] =	sst s4  }
0xd: {  	[smem:$0x3FA7] =	sst s5  }
0xe: {  	[smem:$0x3FA8] =	sst s6  }
0xf: {  	[smem:$0x3FA9] =	sst s7  }
0x10: {  	[smem:$0x3FAA] =	sst s8  }
0x11: {  	[smem:$0x3FAB] =	sst s9;
	s0 =	simm.s32 @!p0 $0x0  }
0x12: {  	s1 =	sld [smem:$0x3F91];
	s0 =	simm.s32 @p0 $0x1  }
0x13: {  	[smem:$0x3FAC] =	sst s0;
	s0 =	simm.s32 @!p1 $0x0  }
0x14: {  	s2 =	sld [smem:$0x3F90];
	s0 =	simm.s32 @p1 $0x1  }
0x15: {  	[smem:$0x3FAD] =	sst s0;
	s0 =	simm.s32 @!p2 $0x0  }
0x16: {  	s3 =	sld [smem:$0x3FDB];
	s0 =	simm.s32 @p2 $0x1  }
0x17: {  	s4 =	simm.s32 $0x1BF5;
	[smem:$0x3FAF] =	sst s0  }
0x18: {  	s0 =	sld [smem:$0x3F92];
	_ =	swait.ge [sflag:s4], $0x0  }
0x19: {  	s7 =	sld [smem:$0x3F93]  }
0x1a: {  	s8 =	sadd.s32 $0xFFFFE003, lr  }
0x1b: {  	s9 =	sadd.s32 $0xFFFFFEF7, lr;
	s5 =	simm.s32 $0xFFFFFFFF;
	p2 =	slt.u32 s8, $0xFFFFF086  }
0x1c: {  	p1 =	slt.u32 s9, $0xF7A;
	s5 =	simm.s32 @!p2 $0x0  }
0x1d: {  	s5 =	simm.s32 @p1 $0x1;
	p0 =	seq.s32 s7, s2  }
0x1e: {  	s7 =	smul.u32 @!p0 $0xF7A, s2;
	p2 =	seq.s32 @!p0 s5, $0x0  }
0x1f: {  	s9 =	smul.u32 $0xF7A, s1;
	s8 =	simm.s32 @!p0 $0x1BF5;
	p2 =	por !p2, p0  }
0x20: {  	[sflag:s8] =	ssyncset.s32 @!p0 $0xFFFFF086;
	s6 =	sadd.s32 @!p0 s3, s7;
	s7 =	simm.s32 @!p0 $0x108  }
0x21: {  	s3 =	sadd.s32 s3, s9;
	s6 =	sadd.s32 @!p0 $0x88, s6;
	s7 =	simm.s32 @p2 $0x1082  }
0x22: {  	[simem:s7], [sflag:s8] =	dma.local @!p0 [hbm:s6], $0xF7A  }
0x23: {  	s9 =	sor.u32 $0xD0000000, s2;
	s6 =	simm.s32 $0x108;
	_ =	swait.ge @!p0 [sflag:s8], $0x0  }
0x24: {  	s3 =	sadd.s32 $0x88, s3;
	s6 =	simm.s32 @!p1 $0x1082;
	[sflag:s4] =	ssyncset.s32 $0xFFFFF086  }
0x25: {  	[simem:s6], [sflag:s4] =	dma.local [hbm:s3], $0xF7A  }
0x26: {  	[smem:$0x3F93] =	sst s1;
	(tag) =	ssettag s2;
	_ =	strace s9  }
0x27: {  	s1 =	sld [smem:$0x3FA3]  }
0x28: {  	s2 =	sld [smem:$0x3FA4]  }
0x29: {  	s4 =	sld [smem:$0x3FA6]  }
0x2a: {  	p0 =	seq.s32 s5, $0x0;
	s5 =	sld [smem:$0x3FA7]  }
0x2b: {  	s6 =	sld [smem:$0x3FA8]  }
0x2c: {  	s7 =	sld [smem:$0x3FA9]  }
0x2d: {  	s3 =	simm.s32 $0x108;
	s8 =	sld [smem:$0x3FAA]  }
0x2e: {  	s3 =	simm.s32 @!p0 $0x1082;
	s9 =	sld [smem:$0x3FAB]  }
0x2f: {  	lr =	sadd.s32 s0, s3;
	s0 =	sld [smem:$0x3FA2]  }
0x30: {  	s3 =	sld [smem:$0x3FA5]  }
0x31: {  	[smem:$0x3FAE] =	sst s10  }
0x32: {  	s10 =	sld [smem:$0x3FAC];
	_ =	sdelay $0x3  }
0x33: {  	p0 =	seq.s32 s10, $0x1;
	s10 =	sld [smem:$0x3FAE];
	_ =	sdelay $0x3  }
0x34: {  	[smem:$0x3FAE] =	sst s10  }
0x35: {  	s10 =	sld [smem:$0x3FAD];
	_ =	sdelay $0x3  }
0x36: {  	p1 =	seq.s32 s10, $0x1;
	s10 =	sld [smem:$0x3FAE];
	_ =	sdelay $0x3  }
0x37: {  	[smem:$0x3FAE] =	sst s10  }
0x38: {  	s10 =	sld [smem:$0x3FAF]  }
0x39: {  	_ = 	snop;
	(pc) =	sbr.ind lr, $3  }
0x3a: {  	_ = 	snop  }
0x3b: {  	_ = 	snop  }
0x3c: {  	p2 =	seq.s32 s10, $0x1;
	s10 =	sld [smem:$0x3FAE]  }
0x3d: {  	_ =	shalt  }
0x3e: {  	_ =	shalt  }
0x3f: {  	_ =	shalt  }
0x40: {  	_ =	shalt  }
0x41: {  	_ =	shalt  }
0x42: {  	_ =	shalt  }
0x43: {  	_ =	shalt  }
0x44: {  	_ =	shalt  }
0x45: {  	_ =	shalt  }
0x46: {  	_ =	shalt  }
0x47: {  	_ =	shalt  }
0x48: {  	_ =	shalt  }
0x49: {  	_ =	shalt  }
0x4a: {  	_ =	shalt  }
0x4b: {  	_ =	shalt  }
0x4c: {  	_ =	shalt  }
0x4d: {  	_ =	shalt  }
0x4e: {  	_ =	shalt  }
0x4f: {  	_ =	shalt  }
0x50: {  	_ =	shalt  }
0x51: {  	_ =	shalt  }
0x52: {  	_ =	shalt  }
0x53: {  	_ =	shalt  }
0x54: {  	_ =	shalt  }
0x55: {  	_ =	shalt  }
0x56: {  	_ =	shalt  }
0x57: {  	_ =	shalt  }
0x58: {  	_ =	shalt  }
0x59: {  	_ =	shalt  }
0x5a: {  	_ =	shalt  }
0x5b: {  	_ =	shalt  }
0x5c: {  	_ =	shalt  }
0x5d: {  	_ =	shalt  }
0x5e: {  	_ =	shalt  }
0x5f: {  	_ =	shalt  }
0x60: {  	_ =	shalt  }
0x61: {  	_ =	shalt  }
0x62: {  	_ =	shalt  }
0x63: {  	_ =	shalt  }
0x64: {  	_ =	shalt  }
0x65: {  	_ =	shalt  }
0x66: {  	_ =	shalt  }
0x67: {  	_ =	shalt  }
0x68: {  	_ =	shalt  }
0x69: {  	_ =	shalt  }
0x6a: {  	_ =	shalt  }
0x6b: {  	_ =	shalt  }
0x6c: {  	_ =	shalt  }
0x6d: {  	_ =	shalt  }
0x6e: {  	_ =	shalt  }
0x6f: {  	_ =	shalt  }
0x70: {  	_ =	shalt  }
0x71: {  	_ =	shalt  }
0x72: {  	_ =	shalt  }
0x73: {  	_ =	shalt  }
0x74: {  	_ =	shalt  }
0x75: {  	_ =	shalt  }
0x76: {  	_ =	shalt  }
0x77: {  	_ =	shalt  }
0x78: {  	_ =	shalt  }
0x79: {  	_ =	shalt  }
0x7a: {  	_ =	shalt  }
0x7b: {  	_ =	shalt  }
0x7c: {  	_ =	shalt  }
0x7d: {  	_ =	shalt  }
0x7e: {  	_ =	shalt  }
0x7f: {  	_ =	shalt  }
0x80: {  	_ =	shalt  }
0x81: {  	_ =	shalt  }
0x82: {  	_ =	shalt  }
0x83: {  	_ =	shalt  }
0x84: {  	_ =	shalt  }
0x85: {  	_ =	shalt  }
0x86: {  	_ =	shalt  }
0x87: {  	_ =	shalt  }
.Lfunc_end0:
.L_simem_size_0:
called_computation_lowered:
.L_overlay_start_0:
0x88: {  	s2 =	sld [smem:$0x3FD9]  }
0x89: {  	s3 =	sld [smem:$0x3FFE];
	_ =	sdelay $0x1  }
0x8a: {  	s1 =	srdreg.scid  }
0x8b: {  	s0 =	sand.u32 $0x1, s1  }
0x8c: {  	s17 =	sshll.u32 s0, $0xA;
	s2 =	sadd.s32 s3, s2  }
0x8d: {  	s2 =	sadd.s32 s2, s17  }
0x8e: {  	[smem:$0x3FBA] =	sst s2  }
0x8f: {  	_ = 	snop  }
0x90: {  	s2 =	sld [smem:$0x3FD0];
	(tm) =	ssettm $0x1  }
0x91: {  	s18 =	sld [smem:$0x3FFB];
	_ =	sdelay $0x3  }
0x92: {  	_ =	strace s18  }
0x93: {  	s3 =	sld [smem:$0x3FFC];
	_ =	sdelay $0x3  }
0x94: {  	_ =	strace s3  }
0x95: {  	s3 =	sld [smem:$0x3FFD];
	_ =	sdelay $0x3  }
0x96: {  	_ =	strace s3  }
0x97: {  	_ =	strace $0x8FFFFFFF  }
0x98: {  	s19 =	sld [smem:$0x3FDB];
	_ =	sdelay $0x1  }
0x99: {  	s4 =	simm.s32 $_scs_section_size  }
0x9a: {  	s5 =	simm.s32 $_size__tile_overlayer_lowered;
	s6 =	simm.s32 $_tile_overlayer_lowered  }
0x9b: {  	s22 =	simm.s32 $0x1BFF;
	s21 =	sshll.u32 s6, $0x1;
	s3 =	sadd.s32 s4, s19  }
0x9c: {  	s7 =	simm.s32 $0x0;
	s20 =	sshll.u32 s5, $0x1;
	s5 =	sadd.s32 s21, s3  }
0x9d: {  	[timem:s7], [sflag:s22] =	dma.local [hbm:s5], s20  }
0x9e: {  	_ =	swait.ge [sflag:s22], s20  }
0x9f: {  	s4 =	ssub.s32 $0x0, s20;
	[sflag:s22] =	ssyncset.done $0x0  }
0xa0: {  	[sflag:s22] =	ssyncadd.s32 s4;
	_ =	sdelay $0x1  }
0xa1: {  	s23 =	simm.s32 $0x1B8B  }
0xa2: {  	_ =	swait.ge [sflag:s23], $0x1  }
0xa3: {  	[sflag:s23] =	ssyncset.done $0x0  }
0xa4: {  	s25 =	simm.s32 $0x1B8E;
	s24 =	sld [smem:$0x3FFE];
	[sflag:s23] =	ssyncadd.s32 $0xFFFFFFFF  }
0xa5: {  	s26 =	simm.s32 $execute0_lowered;
	[smem:$0x3FD2] =	sst s25  }
0xa6: {  	s5 =	sshll.u32 s26, $0x1;
	_ =	strace $0x80000046;
	[dreg:$0x1] =	wrdreg $0xFFFFFFFF  }
0xa7: {  	s28 =	simm.s32 $_size_execute0_lowered;
	s3 =	sadd.s32 s3, s5;
	[dreg:$0x0] =	wrdreg $0x0  }
0xa8: {  	s5 =	sshll.u32 s28, $0x1;
	[dreg:$0x2] =	wrdreg s3  }
0xa9: {  	[dreg:$0x3] =	wrdreg s5  }
0xaa: {  	[dreg:$0x4] =	wrdreg $0xC0  }
0xab: {  	_ =	task [dreg:s7], $0x5FFFF  }
0xac: {  	[dreg:$0x1] =	wrdreg $0xFFFFFFFF  }
0xad: {  	[dreg:$0x0] =	wrdreg $0x60  }
0xae: {  	[dreg:$0x2] =	wrdreg s24  }
0xaf: {  	[dreg:$0x3] =	wrdreg s2  }
0xb0: {  	[dreg:$0x4] =	wrdreg $0x9  }
0xb1: {  	_ =	task.clear_ibuf [dreg:s7], $0x5FFFF;
	_ =	strace $0x90000046  }
0xb2: {  	s29 =	simm.s32 $0x9;
	_ =	strace $0x80000048  }
0xb3: {  	_ =	swait.ge [sflag:s29], $0x1  }
0xb4: {  	[sflag:s29] =	ssyncadd.s32 $0xFFFFFFFF  }
0xb5: {  	_ =	strace $0x90000048  }
0xb6: {  	_ =	sfence  }
0xb7: {  	s30 =	sld [smem:$0x0];
	_ =	sdelay $0x2  }
0xb8: {  	s31 =	sshll.u32 s1, $0xD;
	s1 =	sshrl.u32 s1, $0x2  }
0xb9: {  	s3 =	sand.u32 $0x4000, s31;
	s1 =	sadd.s32 s1, s30  }
0xba: {  	s0 =	sor.u32 s3, s0;
	s1 =	sshll.u32 s1, $0x11  }
0xbb: {  	s0 =	sor.u32 s1, s0  }
0xbc: {  	s0 =	sadd.s32 $0x8F2B, s0  }
0xbd: {  	[sflag:s0] =	ssyncadd.remote.s32 $0x1  }
0xbe: {  	_ =	sfence.sel $0xFFFF  }
0xbf: {  	[dreg:$0x0] =	wrdreg $0xFFFFFFFF;
	(pc) =	sbr.abs _section_cstart, $3  }
0xc0: {  	[dreg:$0x1] =	wrdreg $0xFFFFFFFF  }
0xc1: {  	_ =	task.clear_ibuf [dreg:s7], $0x2FFFF;
	_ =	strace $0x9FFFFFFF  }
0xc2: {  	(tm) =	ssettm $0x7FFFFFFF  }
0xc3: {  	_ =	shalt  }
tec
execute0_lowered:
.L_overlay_start_1:
0x0: {  	(tag) =	ssettag $0x1  }
0x1: {  	s1 =	srdreg.scid;
	s3 =	rddreg [dreg:$0x0]  }
0x2: {  	s0 =	stileid.u32;
	s5 =	rddreg [dreg:$0x1]  }
0x3: {  	s2 =	simm.s32 $0x0;
	s10 =	simm.s32 $0x1;
	s11 =	simm.s32 $0x2780  }
0x4: {  	s12 =	simm.s32 $0x4F00;
	s4 =	sand.u32 $0x1, s1;
	s31 =	sshll.u32 s0, $0x1  }
0x5: {  	s13 =	simm.s32 $0x19000;
	s14 =	simm.s32 $0x0;
	s6 =	sor.u32 s4, s31  }
0x6: {  	s1 =	rddreg [dreg:$0x2];
	s4 =	ssub.s32 $0x2, s4;
	s7 =	smul.u32 $0x2710, s6  }
0x7: {  	[smem:$0x7FF] =	sst s2;
	s6 =	smul.u32 $0x2800, s6;
	s8 =	sshrl.u32 s4, $0x1  }
0x8: {  	v0 =	vlaneseq.u32;
	_ =	strace $0x80000047;
	s9 =	ssub.s32 s4, s8;
	s7 =	sshrl.u32 s7, $0x3  }
0x9: {  	v0 =	vmul.u32 $0x1410, v0;
	s6 =	sshrl.u32 s6, $0x3;
	s9 =	smax.u32 s9, $0x1;
	s7 =	sadd.s32 s7, s3  }
0xa: {  	s5 =	sadd.s32 s5, s6;
	s3 =	sadd.s32 $0x4200, s7;
	s4 =	sadd.s32 $0xDE40, s7  }
0xb: {  	v1 =	vimm.f32 $0.0e+00;
	v2 =	vadd.s32 $0xFFFFEC00, v0;
	v3 =	vadd.s32 $0x1400, v0;
	s6 =	sadd.s32 $0x280, s5;
	s7 =	sadd.s32 $0xA000, s5;
	s8 =	sadd.s32 $0xA280, s5  }
.LBB2_1:
0xc: {  	[tilespmem:s2], [sflag:$0x1] =	stream.linear.gather [hbm4b:s3+s2], $0x2710, $0x38;
	[tilespmem:$0x1A400] =	vst v63  }
0xd: {  	_ =	swait.ge [sflag:s10], $0x2710  }
0xe: {  	[sflag:s10] =	ssyncset.done $0x0  }
0xf: {  	[sflag:s10] =	ssyncadd.s32 $0xFFFFD8F0  }
0x10: {  	[tilespmem:s11], [sflag:$0x1] =	stream.linear.gather [hbm4b:s4+s2], $0x2710, $0x38;
	[tilespmem:$0x1A400] =	vst v63  }
0x11: {  	_ =	swait.ge [sflag:s10], $0x2710  }
0x12: {  	[sflag:s10] =	ssyncset.done $0x0  }
0x13: {  	s16 =	simm.s32 $0x0;
	s15 =	simm.s32 $0x200;
	[sflag:s10] =	ssyncadd.s32 $0xFFFFD8F0  }
.LBB2_2:
0x14: {  	p0 =	sne.s32 s15, $0x50200;
	[tilespmem:s16+$0x4F70] =	vst v1  }
0x15: {  	[tilespmem:s16+$0x4F00] =	vst v1  }
0x16: {  	[tilespmem:s16+$0x4F10] =	vst v1  }
.Ltmp0:
0x17: {  	[tilespmem:s16+$0x4F20] =	vst v1;
	(pc) =	sbr.rel @p0 .LBB2_2-.Ltmp0, $4  }
0x18: {  	[tilespmem:s16+$0x4F30] =	vst v1  }
0x19: {  	[tilespmem:s16+$0x4F40] =	vst v1  }
0x1a: {  	[tilespmem:s16+$0x4F50] =	vst v1  }
0x1b: {  	[tilespmem:s16+$0x4F60] =	vst v1;
	s16 =	sshra.s32 s15, $0x2;
	s15 =	sadd.s32 $0x200, s15  }
0x1c: {  	[tilespmem:s16+$0x4F70] =	vst v1  }
0x1d: {  	[tilespmem:s16+$0x4F00] =	vst v1  }
0x1e: {  	[tilespmem:s16+$0x4F10] =	vst v1  }
0x1f: {  	[tilespmem:s16+$0x4F20] =	vst v1  }
0x20: {  	[tilespmem:s16+$0x4F30] =	vst v1  }
0x21: {  	[tilespmem:s16+$0x4F40] =	vst v1  }
0x22: {  	[tilespmem:s16+$0x4F50] =	vst v1  }
0x23: {  	s15 =	simm.s32 $0x0;
	[tilespmem:s16+$0x4F60] =	vst v1;
	s17 =	simm.s32 $0x0;
	s16 =	simm.s32 $0x40  }
.LBB2_4:
0x24: {  	p0 =	sne.s32 s16, $0x9C00;
	v4 =	vld [tilespmem:s17+$0x0];
	_ =	sdelay $0x4  }
0x25: {  	v4 =	vmin.u32 v4, $0x1400  }
0x26: {  	v4 =	vadd.s32 v0, v4;
	_ =	sdelay $0x4  }
0x27: {  	v5 =	vld.idx.msk [tilespmem:v4+s12+$0x0], $0xffff;
	_ =	sdelay $0x3  }
.Ltmp1:
0x28: {  	(pc) =	sbr.rel @p0 .LBB2_4-.Ltmp1, $3  }
0x29: {  	_ = 	snop  }
0x2a: {  	v5 =	vadd.f32 $1.000000000e+00, v5;
	_ =	sdelay $0x1  }
0x2b: {  	s17 =	sshra.s32 s16, $0x2;
	s16 =	sadd.s32 $0x40, s16;
	[tilespmem:v4+s12+$0x0] =	vst.idx.msk $0xffff, v5  }
0x2c: {  	v4 =	vld [tilespmem:s17+$0x0];
	_ =	sdelay $0x4  }
0x2d: {  	v4 =	vmin.u32 v4, $0x1400  }
0x2e: {  	v4 =	vadd.s32 v0, v4;
	_ =	sdelay $0x4  }
0x2f: {  	v5 =	vld.idx.msk [tilespmem:v4+s12+$0x0], $0xffff;
	_ =	sdelay $0x4  }
0x30: {  	v5 =	vadd.f32 $1.000000000e+00, v5;
	_ =	sdelay $0x1  }
0x31: {  	s16 =	simm.s32 $0x0;
	[tilespmem:v4+s12+$0x0] =	vst.idx.msk $0xffff, v5  }
0x32: {  	v11 =	vld [tilespmem:s16+$0x4F00]  }
0x33: {  	v4 =	vld [tilespmem:s16+$0x6310]  }
0x34: {  	v5 =	vld [tilespmem:s16+$0x7720]  }
0x35: {  	v6 =	vld [tilespmem:s16+$0x8B30]  }
0x36: {  	v7 =	vld [tilespmem:s16+$0x9F40]  }
0x37: {  	v8 =	vld [tilespmem:s16+$0xB350]  }
0x38: {  	v10 =	vld [tilespmem:s16+$0xC760]  }
0x39: {  	v12 =	vld [tilespmem:s16+$0xDB70]  }
0x3a: {  	v9 =	vld [tilespmem:s16+$0x10390]  }
0x3b: {  	v13 =	vld [tilespmem:s16+$0x117A0]  }
0x3c: {  	v14 =	vld [tilespmem:s16+$0x12BB0]  }
0x3d: {  	v15 =	vld [tilespmem:s16+$0x13FC0]  }
0x3e: {  	v17 =	vld [tilespmem:s16+$0x153D0]  }
0x3f: {  	v16 =	vld [tilespmem:s16+$0x167E0]  }
0x40: {  	s18 =	sand.u32 $0x1FF0, s15;
	s17 =	simm.s32 $0x40;
	v18 =	vld [tilespmem:s16+$0x17BF0]  }
.LBB2_6:
0x41: {  	s19 =	sshra.s32 s17, $0x2;
	p0 =	sne.s32 s17, $0x4FC0;
	v19 =	vld [tilespmem:s18+$0xEF80]  }
0x42: {  	v20 =	vld [tilespmem:s19+$0x4F00]  }
0x43: {  	v11 =	vadd.f32 v4, v11;
	v21 =	vadd.f32 v6, v5;
	v4 =	vld [tilespmem:s19+$0x6310]  }
0x44: {  	v22 =	vadd.f32 v8, v7;
	v10 =	vadd.f32 v12, v10;
	v5 =	vld [tilespmem:s19+$0x7720]  }
0x45: {  	v12 =	vadd.f32 v14, v13;
	v13 =	vadd.f32 v17, v15;
	v6 =	vld [tilespmem:s19+$0x8B30]  }
0x46: {  	v14 =	vadd.f32 v18, v16;
	v7 =	vld [tilespmem:s19+$0x9F40];
	v9 =	vadd.f32 v9, v19  }
0x47: {  	v15 =	vadd.f32 v21, v11;
	v16 =	vadd.f32 v10, v22;
	v8 =	vld [tilespmem:s19+$0xB350];
	v11 =	vmov v20  }
0x48: {  	v13 =	vadd.f32 v14, v13;
	v10 =	vld [tilespmem:s19+$0xC760];
	v17 =	vadd.f32 v12, v9  }
0x49: {  	v12 =	vld [tilespmem:s19+$0xDB70]  }
0x4a: {  	v15 =	vadd.f32 v16, v15;
	v9 =	vld [tilespmem:s19+$0x10390];
	v16 =	vadd.f32 v13, v17  }
0x4b: {  	v13 =	vld [tilespmem:s19+$0x117A0]  }
.Ltmp2:
0x4c: {  	v14 =	vld [tilespmem:s19+$0x12BB0];
	v16 =	vadd.f32 v16, v15;
	(pc) =	sbr.rel @p0 .LBB2_6-.Ltmp2, $4  }
0x4d: {  	v15 =	vld [tilespmem:s19+$0x13FC0]  }
0x4e: {  	v17 =	vld [tilespmem:s19+$0x153D0];
	[tilespmem:s16+$0x19000] =	vst v16;
	s16 =	smov.u32 s19  }
0x4f: {  	s15 =	sadd.s32 $0x10, s15;
	v16 =	vld [tilespmem:s16+$0x167E0]  }
0x50: {  	s17 =	sadd.s32 $0x40, s17;
	s18 =	sand.u32 $0x1FF0, s15;
	v18 =	vld [tilespmem:s16+$0x17BF0]  }
0x51: {  	v19 =	vld [tilespmem:s18+$0xEF80];
	_ =	sdelay $0x1  }
0x52: {  	v4 =	vadd.f32 v4, v11;
	v5 =	vadd.f32 v6, v5  }
0x53: {  	v57 =	vadd.f32 v8, v7;
	v58 =	vadd.f32 v12, v10  }
0x54: {  	v59 =	vadd.f32 v14, v13;
	v60 =	vadd.f32 v17, v15  }
0x55: {  	v61 =	vadd.f32 v18, v16;
	v9 =	vadd.f32 v9, v19  }
0x56: {  	v4 =	vadd.f32 v5, v4;
	v5 =	vadd.f32 v58, v57  }
0x57: {  	v63 =	vadd.f32 v61, v60;
	v62 =	vadd.f32 v59, v9;
	_ =	sdelay $0x1  }
0x58: {  	v4 =	vadd.f32 v5, v4;
	v5 =	vadd.f32 v63, v62;
	_ =	sdelay $0x1  }
0x59: {  	v4 =	vadd.f32 v5, v4;
	_ =	sdelay $0x1  }
0x5a: {  	s15 =	simm.s32 $0x0;
	[tilespmem:s16+$0x19000] =	vst v4  }
0x5b: {  	[hbm4b:s5+s15] =	stream.linear.scatter [tilespmem:s13], [sflag:$0x1], $0x1400, $0x38;
	[tilespmem:$0x1A400] =	vst v63  }
0x5c: {  	_ =	swait.ge [sflag:s10], $0x1400  }
0x5d: {  	[sflag:s10] =	ssyncset.done $0x0  }
0x5e: {  	s17 =	simm.s32 $0x200;
	s16 =	simm.s32 $0x0;
	[sflag:s10] =	ssyncadd.s32 $0xFFFFEC00  }
.LBB2_8:
0x5f: {  	p0 =	sne.s32 s17, $0x50200;
	[tilespmem:s16+$0x4F70] =	vst v1  }
0x60: {  	[tilespmem:s16+$0x4F00] =	vst v1  }
0x61: {  	[tilespmem:s16+$0x4F10] =	vst v1  }
.Ltmp3:
0x62: {  	[tilespmem:s16+$0x4F20] =	vst v1;
	(pc) =	sbr.rel @p0 .LBB2_8-.Ltmp3, $4  }
0x63: {  	[tilespmem:s16+$0x4F30] =	vst v1  }
0x64: {  	[tilespmem:s16+$0x4F40] =	vst v1  }
0x65: {  	[tilespmem:s16+$0x4F50] =	vst v1  }
0x66: {  	[tilespmem:s16+$0x4F60] =	vst v1;
	s16 =	sshra.s32 s17, $0x2;
	s17 =	sadd.s32 $0x200, s17  }
0x67: {  	[tilespmem:s16+$0x4F70] =	vst v1  }
0x68: {  	[tilespmem:s16+$0x4F00] =	vst v1  }
0x69: {  	[tilespmem:s16+$0x4F10] =	vst v1  }
0x6a: {  	[tilespmem:s16+$0x4F20] =	vst v1  }
0x6b: {  	[tilespmem:s16+$0x4F30] =	vst v1  }
0x6c: {  	[tilespmem:s16+$0x4F40] =	vst v1  }
0x6d: {  	[tilespmem:s16+$0x4F50] =	vst v1  }
0x6e: {  	[tilespmem:s16+$0x4F60] =	vst v1  }
.LBB2_10:
0x6f: {  	s16 =	sshra.s32 s15, $0x2  }
0x70: {  	v4 =	vld [tilespmem:s16+$0x0];
	_ =	sdelay $0x4  }
0x71: {  	v5 =	vadd.s32 $0xFFFFEC00, v4  }
0x72: {  	v4 =	vadd.s32 v2, v4;
	vm0 =	vlt.u32 v5, $0x1400  }
0x73: {  	v4 =	vsel vm0, v4, v3;
	_ =	sdelay $0x4  }
0x74: {  	v5 =	vld.idx.msk [tilespmem:v4+s12+$0x0], $0xffff;
	_ =	sdelay $0x1  }
0x75: {  	p0 =	sne.s32 s15, $0x9C00  }
.Ltmp4:
0x76: {  	_ = 	snop;
	(pc) =	sbr.rel @p0 .LBB2_10-.Ltmp4, $3  }
0x77: {  	_ = 	snop  }
0x78: {  	v5 =	vadd.f32 $1.000000000e+00, v5;
	_ =	sdelay $0x1  }
0x79: {  	s15 =	sadd.s32 $0x40, s15;
	[tilespmem:v4+s12+$0x0] =	vst.idx.msk $0xffff, v5  }
0x7a: {  	s15 =	simm.s32 $0x0  }
0x7b: {  	v11 =	vld [tilespmem:s15+$0x4F00]  }
0x7c: {  	v4 =	vld [tilespmem:s15+$0x6310]  }
0x7d: {  	v5 =	vld [tilespmem:s15+$0x7720]  }
0x7e: {  	v6 =	vld [tilespmem:s15+$0x8B30]  }
0x7f: {  	v7 =	vld [tilespmem:s15+$0x9F40]  }
0x80: {  	v8 =	vld [tilespmem:s15+$0xB350]  }
0x81: {  	v10 =	vld [tilespmem:s15+$0xC760]  }
0x82: {  	v12 =	vld [tilespmem:s15+$0xDB70]  }
0x83: {  	v9 =	vld [tilespmem:s15+$0x10390]  }
0x84: {  	v13 =	vld [tilespmem:s15+$0x117A0]  }
0x85: {  	v14 =	vld [tilespmem:s15+$0x12BB0]  }
0x86: {  	v15 =	vld [tilespmem:s15+$0x13FC0]  }
0x87: {  	v16 =	vld [tilespmem:s15+$0x153D0]  }
0x88: {  	s16 =	simm.s32 $0x0;
	v17 =	vld [tilespmem:s15+$0x167E0]  }
0x89: {  	s17 =	simm.s32 $0x40;
	s18 =	sand.u32 $0x1FF0, s16;
	v18 =	vld [tilespmem:s15+$0x17BF0]  }
.LBB2_12:
0x8a: {  	s19 =	sshra.s32 s17, $0x2;
	p0 =	sne.s32 s17, $0x4FC0;
	v19 =	vld [tilespmem:s18+$0xEF80]  }
0x8b: {  	v20 =	vld [tilespmem:s19+$0x4F00]  }
0x8c: {  	v11 =	vadd.f32 v4, v11;
	v21 =	vadd.f32 v6, v5;
	v4 =	vld [tilespmem:s19+$0x6310]  }
0x8d: {  	v22 =	vadd.f32 v8, v7;
	v10 =	vadd.f32 v12, v10;
	v5 =	vld [tilespmem:s19+$0x7720]  }
0x8e: {  	v12 =	vadd.f32 v14, v13;
	v13 =	vadd.f32 v16, v15;
	v6 =	vld [tilespmem:s19+$0x8B30]  }
0x8f: {  	v14 =	vadd.f32 v18, v17;
	v7 =	vld [tilespmem:s19+$0x9F40];
	v9 =	vadd.f32 v9, v19  }
0x90: {  	v15 =	vadd.f32 v21, v11;
	v16 =	vadd.f32 v10, v22;
	v8 =	vld [tilespmem:s19+$0xB350];
	v11 =	vmov v20  }
0x91: {  	v13 =	vadd.f32 v14, v13;
	v10 =	vld [tilespmem:s19+$0xC760];
	v17 =	vadd.f32 v12, v9  }
0x92: {  	v12 =	vld [tilespmem:s19+$0xDB70]  }
0x93: {  	v15 =	vadd.f32 v16, v15;
	v9 =	vld [tilespmem:s19+$0x10390];
	v16 =	vadd.f32 v13, v17  }
0x94: {  	v13 =	vld [tilespmem:s19+$0x117A0]  }
.Ltmp5:
0x95: {  	v14 =	vld [tilespmem:s19+$0x12BB0];
	v17 =	vadd.f32 v16, v15;
	(pc) =	sbr.rel @p0 .LBB2_12-.Ltmp5, $4  }
0x96: {  	v15 =	vld [tilespmem:s19+$0x13FC0]  }
0x97: {  	v16 =	vld [tilespmem:s19+$0x153D0];
	[tilespmem:s15+$0x19000] =	vst v17;
	s15 =	smov.u32 s19  }
0x98: {  	s16 =	sadd.s32 $0x10, s16;
	v17 =	vld [tilespmem:s15+$0x167E0]  }
0x99: {  	s17 =	sadd.s32 $0x40, s17;
	s18 =	sand.u32 $0x1FF0, s16;
	v18 =	vld [tilespmem:s15+$0x17BF0]  }
0x9a: {  	v19 =	vld [tilespmem:s18+$0xEF80];
	_ =	sdelay $0x1  }
0x9b: {  	v4 =	vadd.f32 v4, v11;
	v5 =	vadd.f32 v6, v5  }
0x9c: {  	v57 =	vadd.f32 v8, v7;
	v58 =	vadd.f32 v12, v10  }
0x9d: {  	v59 =	vadd.f32 v14, v13;
	v60 =	vadd.f32 v16, v15  }
0x9e: {  	v61 =	vadd.f32 v18, v17;
	v9 =	vadd.f32 v9, v19  }
0x9f: {  	v4 =	vadd.f32 v5, v4;
	v5 =	vadd.f32 v58, v57  }
0xa0: {  	v63 =	vadd.f32 v61, v60;
	v62 =	vadd.f32 v59, v9;
	_ =	sdelay $0x1  }
0xa1: {  	v4 =	vadd.f32 v5, v4;
	v5 =	vadd.f32 v63, v62;
	_ =	sdelay $0x1  }
0xa2: {  	v4 =	vadd.f32 v5, v4;
	_ =	sdelay $0x1  }
0xa3: {  	[tilespmem:s15+$0x19000] =	vst v4;
	s15 =	simm.s32 $0x0  }
0xa4: {  	[hbm4b:s6+s15] =	stream.linear.scatter [tilespmem:s13], [sflag:$0x1], $0x1400, $0x38;
	[tilespmem:$0x1A400] =	vst v63  }
0xa5: {  	_ =	swait.ge [sflag:s10], $0x1400  }
0xa6: {  	[sflag:s10] =	ssyncset.done $0x0  }
0xa7: {  	s16 =	simm.s32 $0x0;
	s17 =	simm.s32 $0x200;
	[sflag:s10] =	ssyncadd.s32 $0xFFFFEC00  }
.LBB2_14:
0xa8: {  	p0 =	sne.s32 s17, $0x50200;
	[tilespmem:s16+$0x4F70] =	vst v1  }
0xa9: {  	[tilespmem:s16+$0x4F00] =	vst v1  }
0xaa: {  	[tilespmem:s16+$0x4F10] =	vst v1  }
.Ltmp6:
0xab: {  	[tilespmem:s16+$0x4F20] =	vst v1;
	(pc) =	sbr.rel @p0 .LBB2_14-.Ltmp6, $4  }
0xac: {  	[tilespmem:s16+$0x4F30] =	vst v1  }
0xad: {  	[tilespmem:s16+$0x4F40] =	vst v1  }
0xae: {  	[tilespmem:s16+$0x4F50] =	vst v1  }
0xaf: {  	[tilespmem:s16+$0x4F60] =	vst v1;
	s16 =	sshra.s32 s17, $0x2;
	s17 =	sadd.s32 $0x200, s17  }
0xb0: {  	[tilespmem:s16+$0x4F70] =	vst v1  }
0xb1: {  	[tilespmem:s16+$0x4F00] =	vst v1  }
0xb2: {  	[tilespmem:s16+$0x4F10] =	vst v1  }
0xb3: {  	[tilespmem:s16+$0x4F20] =	vst v1  }
0xb4: {  	[tilespmem:s16+$0x4F30] =	vst v1  }
0xb5: {  	[tilespmem:s16+$0x4F40] =	vst v1  }
0xb6: {  	[tilespmem:s16+$0x4F50] =	vst v1  }
0xb7: {  	[tilespmem:s16+$0x4F60] =	vst v1  }
.LBB2_16:
0xb8: {  	s16 =	sshra.s32 s15, $0x2  }
0xb9: {  	v4 =	vld [tilespmem:s16+$0x2780];
	_ =	sdelay $0x4  }
0xba: {  	v4 =	vmin.u32 v4, $0x1400  }
0xbb: {  	v4 =	vadd.s32 v0, v4;
	_ =	sdelay $0x4  }
0xbc: {  	v5 =	vld.idx.msk [tilespmem:v4+s12+$0x0], $0xffff;
	_ =	sdelay $0x1  }
0xbd: {  	p0 =	sne.s32 s15, $0x9C00  }
.Ltmp7:
0xbe: {  	_ = 	snop;
	(pc) =	sbr.rel @p0 .LBB2_16-.Ltmp7, $3  }
0xbf: {  	_ = 	snop  }
0xc0: {  	v5 =	vadd.f32 $1.000000000e+00, v5;
	_ =	sdelay $0x1  }
0xc1: {  	s15 =	sadd.s32 $0x40, s15;
	[tilespmem:v4+s12+$0x0] =	vst.idx.msk $0xffff, v5  }
0xc2: {  	s15 =	simm.s32 $0x0  }
0xc3: {  	v11 =	vld [tilespmem:s15+$0x4F00]  }
0xc4: {  	v4 =	vld [tilespmem:s15+$0x6310]  }
0xc5: {  	v5 =	vld [tilespmem:s15+$0x7720]  }
0xc6: {  	v6 =	vld [tilespmem:s15+$0x8B30]  }
0xc7: {  	v7 =	vld [tilespmem:s15+$0x9F40]  }
0xc8: {  	v8 =	vld [tilespmem:s15+$0xB350]  }
0xc9: {  	v10 =	vld [tilespmem:s15+$0xC760]  }
0xca: {  	v12 =	vld [tilespmem:s15+$0xDB70]  }
0xcb: {  	v9 =	vld [tilespmem:s15+$0x10390]  }
0xcc: {  	v13 =	vld [tilespmem:s15+$0x117A0]  }
0xcd: {  	v14 =	vld [tilespmem:s15+$0x12BB0]  }
0xce: {  	v15 =	vld [tilespmem:s15+$0x13FC0]  }
0xcf: {  	v16 =	vld [tilespmem:s15+$0x153D0]  }
0xd0: {  	s16 =	simm.s32 $0x0;
	v17 =	vld [tilespmem:s15+$0x167E0]  }
0xd1: {  	s17 =	simm.s32 $0x40;
	s18 =	sand.u32 $0x1FF0, s16;
	v18 =	vld [tilespmem:s15+$0x17BF0]  }
.LBB2_18:
0xd2: {  	s19 =	sshra.s32 s17, $0x2;
	p0 =	sne.s32 s17, $0x4FC0;
	v19 =	vld [tilespmem:s18+$0xEF80]  }
0xd3: {  	v20 =	vld [tilespmem:s19+$0x4F00]  }
0xd4: {  	v11 =	vadd.f32 v4, v11;
	v21 =	vadd.f32 v6, v5;
	v4 =	vld [tilespmem:s19+$0x6310]  }
0xd5: {  	v22 =	vadd.f32 v8, v7;
	v10 =	vadd.f32 v12, v10;
	v5 =	vld [tilespmem:s19+$0x7720]  }
0xd6: {  	v12 =	vadd.f32 v14, v13;
	v13 =	vadd.f32 v16, v15;
	v6 =	vld [tilespmem:s19+$0x8B30]  }
0xd7: {  	v14 =	vadd.f32 v18, v17;
	v7 =	vld [tilespmem:s19+$0x9F40];
	v9 =	vadd.f32 v9, v19  }
0xd8: {  	v15 =	vadd.f32 v21, v11;
	v16 =	vadd.f32 v10, v22;
	v8 =	vld [tilespmem:s19+$0xB350];
	v11 =	vmov v20  }
0xd9: {  	v13 =	vadd.f32 v14, v13;
	v10 =	vld [tilespmem:s19+$0xC760];
	v17 =	vadd.f32 v12, v9  }
0xda: {  	v12 =	vld [tilespmem:s19+$0xDB70]  }
0xdb: {  	v15 =	vadd.f32 v16, v15;
	v9 =	vld [tilespmem:s19+$0x10390];
	v16 =	vadd.f32 v13, v17  }
0xdc: {  	v13 =	vld [tilespmem:s19+$0x117A0]  }
.Ltmp8:
0xdd: {  	v14 =	vld [tilespmem:s19+$0x12BB0];
	v17 =	vadd.f32 v16, v15;
	(pc) =	sbr.rel @p0 .LBB2_18-.Ltmp8, $4  }
0xde: {  	v15 =	vld [tilespmem:s19+$0x13FC0]  }
0xdf: {  	v16 =	vld [tilespmem:s19+$0x153D0];
	[tilespmem:s15+$0x19000] =	vst v17;
	s15 =	smov.u32 s19  }
0xe0: {  	s16 =	sadd.s32 $0x10, s16;
	v17 =	vld [tilespmem:s15+$0x167E0]  }
0xe1: {  	s17 =	sadd.s32 $0x40, s17;
	s18 =	sand.u32 $0x1FF0, s16;
	v18 =	vld [tilespmem:s15+$0x17BF0]  }
0xe2: {  	v19 =	vld [tilespmem:s18+$0xEF80];
	_ =	sdelay $0x1  }
0xe3: {  	v4 =	vadd.f32 v4, v11;
	v5 =	vadd.f32 v6, v5  }
0xe4: {  	v57 =	vadd.f32 v8, v7;
	v58 =	vadd.f32 v12, v10  }
0xe5: {  	v59 =	vadd.f32 v14, v13;
	v60 =	vadd.f32 v16, v15  }
0xe6: {  	v61 =	vadd.f32 v18, v17;
	v9 =	vadd.f32 v9, v19  }
0xe7: {  	v4 =	vadd.f32 v5, v4;
	v5 =	vadd.f32 v58, v57  }
0xe8: {  	v63 =	vadd.f32 v61, v60;
	v62 =	vadd.f32 v59, v9;
	_ =	sdelay $0x1  }
0xe9: {  	v4 =	vadd.f32 v5, v4;
	v5 =	vadd.f32 v63, v62;
	_ =	sdelay $0x1  }
0xea: {  	v4 =	vadd.f32 v5, v4;
	_ =	sdelay $0x1  }
0xeb: {  	[tilespmem:s15+$0x19000] =	vst v4;
	s15 =	simm.s32 $0x0  }
0xec: {  	[hbm4b:s7+s15] =	stream.linear.scatter [tilespmem:s13], [sflag:$0x1], $0x1400, $0x38;
	[tilespmem:$0x1A400] =	vst v63  }
0xed: {  	_ =	swait.ge [sflag:s10], $0x1400  }
0xee: {  	[sflag:s10] =	ssyncset.done $0x0  }
0xef: {  	s16 =	simm.s32 $0x0;
	s17 =	simm.s32 $0x200;
	[sflag:s10] =	ssyncadd.s32 $0xFFFFEC00  }
.LBB2_20:
0xf0: {  	p0 =	sne.s32 s17, $0x50200;
	[tilespmem:s16+$0x4F70] =	vst v1  }
0xf1: {  	[tilespmem:s16+$0x4F00] =	vst v1  }
0xf2: {  	[tilespmem:s16+$0x4F10] =	vst v1  }
.Ltmp9:
0xf3: {  	[tilespmem:s16+$0x4F20] =	vst v1;
	(pc) =	sbr.rel @p0 .LBB2_20-.Ltmp9, $4  }
0xf4: {  	[tilespmem:s16+$0x4F30] =	vst v1  }
0xf5: {  	[tilespmem:s16+$0x4F40] =	vst v1  }
0xf6: {  	[tilespmem:s16+$0x4F50] =	vst v1  }
0xf7: {  	[tilespmem:s16+$0x4F60] =	vst v1;
	s16 =	sshra.s32 s17, $0x2;
	s17 =	sadd.s32 $0x200, s17  }
0xf8: {  	[tilespmem:s16+$0x4F70] =	vst v1  }
0xf9: {  	[tilespmem:s16+$0x4F00] =	vst v1  }
0xfa: {  	[tilespmem:s16+$0x4F10] =	vst v1  }
0xfb: {  	[tilespmem:s16+$0x4F20] =	vst v1  }
0xfc: {  	[tilespmem:s16+$0x4F30] =	vst v1  }
0xfd: {  	[tilespmem:s16+$0x4F40] =	vst v1  }
0xfe: {  	[tilespmem:s16+$0x4F50] =	vst v1  }
0xff: {  	[tilespmem:s16+$0x4F60] =	vst v1  }
.LBB2_22:
0x100: {  	s16 =	sshra.s32 s15, $0x2  }
0x101: {  	v4 =	vld [tilespmem:s16+$0x2780];
	_ =	sdelay $0x4  }
0x102: {  	v5 =	vadd.s32 $0xFFFFEC00, v4  }
0x103: {  	v4 =	vadd.s32 v2, v4;
	vm0 =	vlt.u32 v5, $0x1400  }
0x104: {  	v4 =	vsel vm0, v4, v3;
	_ =	sdelay $0x4  }
0x105: {  	v5 =	vld.idx.msk [tilespmem:v4+s12+$0x0], $0xffff;
	_ =	sdelay $0x1  }
0x106: {  	p0 =	sne.s32 s15, $0x9C00  }
.Ltmp10:
0x107: {  	_ = 	snop;
	(pc) =	sbr.rel @p0 .LBB2_22-.Ltmp10, $3  }
0x108: {  	_ = 	snop  }
0x109: {  	v5 =	vadd.f32 $1.000000000e+00, v5;
	_ =	sdelay $0x1  }
0x10a: {  	s15 =	sadd.s32 $0x40, s15;
	[tilespmem:v4+s12+$0x0] =	vst.idx.msk $0xffff, v5  }
0x10b: {  	s15 =	simm.s32 $0x0  }
0x10c: {  	v11 =	vld [tilespmem:s15+$0x4F00]  }
0x10d: {  	v4 =	vld [tilespmem:s15+$0x6310]  }
0x10e: {  	v5 =	vld [tilespmem:s15+$0x7720]  }
0x10f: {  	v6 =	vld [tilespmem:s15+$0x8B30]  }
0x110: {  	v7 =	vld [tilespmem:s15+$0x9F40]  }
0x111: {  	v8 =	vld [tilespmem:s15+$0xB350]  }
0x112: {  	v10 =	vld [tilespmem:s15+$0xC760]  }
0x113: {  	v12 =	vld [tilespmem:s15+$0xDB70]  }
0x114: {  	v9 =	vld [tilespmem:s15+$0x10390]  }
0x115: {  	v13 =	vld [tilespmem:s15+$0x117A0]  }
0x116: {  	v14 =	vld [tilespmem:s15+$0x12BB0]  }
0x117: {  	v15 =	vld [tilespmem:s15+$0x13FC0]  }
0x118: {  	v16 =	vld [tilespmem:s15+$0x153D0]  }
0x119: {  	s16 =	simm.s32 $0x0;
	v17 =	vld [tilespmem:s15+$0x167E0]  }
0x11a: {  	s17 =	simm.s32 $0x40;
	s18 =	sand.u32 $0x1FF0, s16;
	v18 =	vld [tilespmem:s15+$0x17BF0]  }
.LBB2_24:
0x11b: {  	s19 =	sshra.s32 s17, $0x2;
	p0 =	sne.s32 s17, $0x4FC0;
	v19 =	vld [tilespmem:s18+$0xEF80]  }
0x11c: {  	v20 =	vld [tilespmem:s19+$0x4F00]  }
0x11d: {  	v11 =	vadd.f32 v4, v11;
	v21 =	vadd.f32 v6, v5;
	v4 =	vld [tilespmem:s19+$0x6310]  }
0x11e: {  	v22 =	vadd.f32 v8, v7;
	v10 =	vadd.f32 v12, v10;
	v5 =	vld [tilespmem:s19+$0x7720]  }
0x11f: {  	v12 =	vadd.f32 v14, v13;
	v13 =	vadd.f32 v16, v15;
	v6 =	vld [tilespmem:s19+$0x8B30]  }
0x120: {  	v14 =	vadd.f32 v18, v17;
	v7 =	vld [tilespmem:s19+$0x9F40];
	v9 =	vadd.f32 v9, v19  }
0x121: {  	v15 =	vadd.f32 v21, v11;
	v16 =	vadd.f32 v10, v22;
	v8 =	vld [tilespmem:s19+$0xB350];
	v11 =	vmov v20  }
0x122: {  	v13 =	vadd.f32 v14, v13;
	v10 =	vld [tilespmem:s19+$0xC760];
	v17 =	vadd.f32 v12, v9  }
0x123: {  	v12 =	vld [tilespmem:s19+$0xDB70]  }
0x124: {  	v15 =	vadd.f32 v16, v15;
	v9 =	vld [tilespmem:s19+$0x10390];
	v16 =	vadd.f32 v13, v17  }
0x125: {  	v13 =	vld [tilespmem:s19+$0x117A0]  }
.Ltmp11:
0x126: {  	v14 =	vld [tilespmem:s19+$0x12BB0];
	v17 =	vadd.f32 v16, v15;
	(pc) =	sbr.rel @p0 .LBB2_24-.Ltmp11, $4  }
0x127: {  	v15 =	vld [tilespmem:s19+$0x13FC0]  }
0x128: {  	v16 =	vld [tilespmem:s19+$0x153D0];
	[tilespmem:s15+$0x19000] =	vst v17;
	s15 =	smov.u32 s19  }
0x129: {  	s16 =	sadd.s32 $0x10, s16;
	v17 =	vld [tilespmem:s15+$0x167E0]  }
0x12a: {  	s17 =	sadd.s32 $0x40, s17;
	s18 =	sand.u32 $0x1FF0, s16;
	v18 =	vld [tilespmem:s15+$0x17BF0]  }
0x12b: {  	v19 =	vld [tilespmem:s18+$0xEF80];
	_ =	sdelay $0x1  }
0x12c: {  	v4 =	vadd.f32 v4, v11;
	v5 =	vadd.f32 v6, v5  }
0x12d: {  	v57 =	vadd.f32 v8, v7;
	v58 =	vadd.f32 v12, v10  }
0x12e: {  	v59 =	vadd.f32 v14, v13;
	v60 =	vadd.f32 v16, v15  }
0x12f: {  	v61 =	vadd.f32 v18, v17;
	v9 =	vadd.f32 v9, v19  }
0x130: {  	v4 =	vadd.f32 v5, v4;
	v5 =	vadd.f32 v58, v57  }
0x131: {  	v63 =	vadd.f32 v61, v60;
	v62 =	vadd.f32 v59, v9;
	_ =	sdelay $0x1  }
0x132: {  	v4 =	vadd.f32 v5, v4;
	v5 =	vadd.f32 v63, v62;
	_ =	sdelay $0x1  }
0x133: {  	s14 =	sadd.s32 $0x1, s14;
	v4 =	vadd.f32 v5, v4  }
0x134: {  	p0 =	sne.s32 s14, s9  }
.Ltmp12:
0x135: {  	[tilespmem:s15+$0x19000] =	vst v4;
	(pc) =	sbr.rel @p0 .LBB2_1-.Ltmp12, $4  }
0x136: {  	[hbm4b:s8+s2] =	stream.linear.scatter [tilespmem:s13], [sflag:$0x1], $0x1400, $0x38;
	[tilespmem:$0x1A400] =	vst v63  }
0x137: {  	_ =	swait.ge [sflag:s10], $0x1400  }
0x138: {  	[sflag:s10] =	ssyncset.done $0x0  }
0x139: {  	[sflag:s10] =	ssyncadd.s32 $0xFFFFEC00  }
0x13a: {  	_ =	sfence.sel $0x180000  }
0x13b: {  	[bflag:$0x0] =	sbarrier.arrive $0xFFFF  }
0x13c: {  	p0 =	sne.s32 s0, $0x0;
	_ =	strace $0x90000047  }
0x13d: {  	s0 =	sadd.s32 @!p0 $0x100000, s1;
	[bflag:$0x2] =	sbarrier.arrive $0xFFFF  }
0x13e: {  	[sflag:s0] =	ssyncadd.tile.s32 @!p0 $0x1;
	_ =	shalt  }
.Lfunc_end2:
_tile_overlayer_lowered:
.L_overlay_start_2:
0x13f: {  	(tag) =	ssettag $0x2  }
0x140: {  	s0 =	rddreg [dreg:$0x0];
	s2 =	stileid.u32  }
0x141: {  	s1 =	rddreg [dreg:$0x1];
	p0 =	sne.s32 s2, $0x0  }
0x142: {  	s3 =	rddreg [dreg:$0x2];
	[bflag:$0x3] =	sbarrier.arrive $0xFFFF;
	s2 =	simm.s32 @!p0 $0x1C01  }
0x143: {  	[timem:s3], [sflag:s2] =	dma.local @!p0 [hbm:s0], s1  }
0x144: {  	s0 =	simm.s32 @!p0 $0x1  }
0x145: {  	_ =	swait.ge @!p0 [sflag:s0], s1  }
0x146: {  	s1 =	ssub.s32 @!p0 $0x0, s1;
	[sflag:s0] =	ssyncset.done @!p0 $0x0  }
0x147: {  	[sflag:s0] =	ssyncadd.s32 @!p0 s1  }
0x148: {  	[bflag:$0x3] =	sbarrier.arrive $0xFFFF  }
0x149: {  	_ =	shalt  }

// kernel: kernel.13.cloned.1.call-start
scs
__scs_entry_jumppad:
0x0: {  	(pc) =	sbr.rel $0x88, $3  }
0x1: {  	(tag) =	ssettag $0x0;
	lr =	simm.s32 $0x1  }
0x2: {  	[smem:$0x3F93] =	sst lr;
	_ =	strace $0xD0000000  }
0x3: {  	_ = 	snop  }
0x4: {  	_ = 	snop  }
0x5: {  	_ = 	snop  }
0x6: {  	_ = 	snop  }
0x7: {  	_ = 	snop  }
__scs_overlays_trampoline_lowered:
0x8: {  	[smem:$0x3FA2] =	sst s0  }
0x9: {  	[smem:$0x3FA3] =	sst s1  }
0xa: {  	[smem:$0x3FA4] =	sst s2  }
0xb: {  	[smem:$0x3FA5] =	sst s3  }
0xc: {  	[smem:$0x3FA6] =	sst s4  }
0xd: {  	[smem:$0x3FA7] =	sst s5  }
0xe: {  	[smem:$0x3FA8] =	sst s6  }
0xf: {  	[smem:$0x3FA9] =	sst s7  }
0x10: {  	[smem:$0x3FAA] =	sst s8  }
0x11: {  	[smem:$0x3FAB] =	sst s9;
	s0 =	simm.s32 @!p0 $0x0  }
0x12: {  	s1 =	sld [smem:$0x3F91];
	s0 =	simm.s32 @p0 $0x1  }
0x13: {  	[smem:$0x3FAC] =	sst s0;
	s0 =	simm.s32 @!p1 $0x0  }
0x14: {  	s2 =	sld [smem:$0x3F90];
	s0 =	simm.s32 @p1 $0x1  }
0x15: {  	[smem:$0x3FAD] =	sst s0;
	s0 =	simm.s32 @!p2 $0x0  }
0x16: {  	s3 =	sld [smem:$0x3FDB];
	s0 =	simm.s32 @p2 $0x1  }
0x17: {  	s4 =	simm.s32 $0x1BF5;
	[smem:$0x3FAF] =	sst s0  }
0x18: {  	s0 =	sld [smem:$0x3F92];
	_ =	swait.ge [sflag:s4], $0x0  }
0x19: {  	s7 =	sld [smem:$0x3F93]  }
0x1a: {  	s8 =	sadd.s32 $0xFFFFE003, lr  }
0x1b: {  	s9 =	sadd.s32 $0xFFFFFEF7, lr;
	s5 =	simm.s32 $0xFFFFFFFF;
	p2 =	slt.u32 s8, $0xFFFFF086  }
0x1c: {  	p1 =	slt.u32 s9, $0xF7A;
	s5 =	simm.s32 @!p2 $0x0  }
0x1d: {  	s5 =	simm.s32 @p1 $0x1;
	p0 =	seq.s32 s7, s2  }
0x1e: {  	s7 =	smul.u32 @!p0 $0xF7A, s2;
	p2 =	seq.s32 @!p0 s5, $0x0  }
0x1f: {  	s9 =	smul.u32 $0xF7A, s1;
	s8 =	simm.s32 @!p0 $0x1BF5;
	p2 =	por !p2, p0  }
0x20: {  	[sflag:s8] =	ssyncset.s32 @!p0 $0xFFFFF086;
	s6 =	sadd.s32 @!p0 s3, s7;
	s7 =	simm.s32 @!p0 $0x108  }
0x21: {  	s3 =	sadd.s32 s3, s9;
	s6 =	sadd.s32 @!p0 $0x88, s6;
	s7 =	simm.s32 @p2 $0x1082  }
0x22: {  	[simem:s7], [sflag:s8] =	dma.local @!p0 [hbm:s6], $0xF7A  }
0x23: {  	s9 =	sor.u32 $0xD0000000, s2;
	s6 =	simm.s32 $0x108;
	_ =	swait.ge @!p0 [sflag:s8], $0x0  }
0x24: {  	s3 =	sadd.s32 $0x88, s3;
	s6 =	simm.s32 @!p1 $0x1082;
	[sflag:s4] =	ssyncset.s32 $0xFFFFF086  }
0x25: {  	[simem:s6], [sflag:s4] =	dma.local [hbm:s3], $0xF7A  }
0x26: {  	[smem:$0x3F93] =	sst s1;
	(tag) =	ssettag s2;
	_ =	strace s9  }
0x27: {  	s1 =	sld [smem:$0x3FA3]  }
0x28: {  	s2 =	sld [smem:$0x3FA4]  }
0x29: {  	s4 =	sld [smem:$0x3FA6]  }
0x2a: {  	p0 =	seq.s32 s5, $0x0;
	s5 =	sld [smem:$0x3FA7]  }
0x2b: {  	s6 =	sld [smem:$0x3FA8]  }
0x2c: {  	s7 =	sld [smem:$0x3FA9]  }
0x2d: {  	s3 =	simm.s32 $0x108;
	s8 =	sld [smem:$0x3FAA]  }
0x2e: {  	s3 =	simm.s32 @!p0 $0x1082;
	s9 =	sld [smem:$0x3FAB]  }
0x2f: {  	lr =	sadd.s32 s0, s3;
	s0 =	sld [smem:$0x3FA2]  }
0x30: {  	s3 =	sld [smem:$0x3FA5]  }
0x31: {  	[smem:$0x3FAE] =	sst s10  }
0x32: {  	s10 =	sld [smem:$0x3FAC];
	_ =	sdelay $0x3  }
0x33: {  	p0 =	seq.s32 s10, $0x1;
	s10 =	sld [smem:$0x3FAE];
	_ =	sdelay $0x3  }
0x34: {  	[smem:$0x3FAE] =	sst s10  }
0x35: {  	s10 =	sld [smem:$0x3FAD];
	_ =	sdelay $0x3  }
0x36: {  	p1 =	seq.s32 s10, $0x1;
	s10 =	sld [smem:$0x3FAE];
	_ =	sdelay $0x3  }
0x37: {  	[smem:$0x3FAE] =	sst s10  }
0x38: {  	s10 =	sld [smem:$0x3FAF]  }
0x39: {  	_ = 	snop;
	(pc) =	sbr.ind lr, $3  }
0x3a: {  	_ = 	snop  }
0x3b: {  	_ = 	snop  }
0x3c: {  	p2 =	seq.s32 s10, $0x1;
	s10 =	sld [smem:$0x3FAE]  }
0x3d: {  	_ =	shalt  }
0x3e: {  	_ =	shalt  }
0x3f: {  	_ =	shalt  }
0x40: {  	_ =	shalt  }
0x41: {  	_ =	shalt  }
0x42: {  	_ =	shalt  }
0x43: {  	_ =	shalt  }
0x44: {  	_ =	shalt  }
0x45: {  	_ =	shalt  }
0x46: {  	_ =	shalt  }
0x47: {  	_ =	shalt  }
0x48: {  	_ =	shalt  }
0x49: {  	_ =	shalt  }
0x4a: {  	_ =	shalt  }
0x4b: {  	_ =	shalt  }
0x4c: {  	_ =	shalt  }
0x4d: {  	_ =	shalt  }
0x4e: {  	_ =	shalt  }
0x4f: {  	_ =	shalt  }
0x50: {  	_ =	shalt  }
0x51: {  	_ =	shalt  }
0x52: {  	_ =	shalt  }
0x53: {  	_ =	shalt  }
0x54: {  	_ =	shalt  }
0x55: {  	_ =	shalt  }
0x56: {  	_ =	shalt  }
0x57: {  	_ =	shalt  }
0x58: {  	_ =	shalt  }
0x59: {  	_ =	shalt  }
0x5a: {  	_ =	shalt  }
0x5b: {  	_ =	shalt  }
0x5c: {  	_ =	shalt  }
0x5d: {  	_ =	shalt  }
0x5e: {  	_ =	shalt  }
0x5f: {  	_ =	shalt  }
0x60: {  	_ =	shalt  }
0x61: {  	_ =	shalt  }
0x62: {  	_ =	shalt  }
0x63: {  	_ =	shalt  }
0x64: {  	_ =	shalt  }
0x65: {  	_ =	shalt  }
0x66: {  	_ =	shalt  }
0x67: {  	_ =	shalt  }
0x68: {  	_ =	shalt  }
0x69: {  	_ =	shalt  }
0x6a: {  	_ =	shalt  }
0x6b: {  	_ =	shalt  }
0x6c: {  	_ =	shalt  }
0x6d: {  	_ =	shalt  }
0x6e: {  	_ =	shalt  }
0x6f: {  	_ =	shalt  }
0x70: {  	_ =	shalt  }
0x71: {  	_ =	shalt  }
0x72: {  	_ =	shalt  }
0x73: {  	_ =	shalt  }
0x74: {  	_ =	shalt  }
0x75: {  	_ =	shalt  }
0x76: {  	_ =	shalt  }
0x77: {  	_ =	shalt  }
0x78: {  	_ =	shalt  }
0x79: {  	_ =	shalt  }
0x7a: {  	_ =	shalt  }
0x7b: {  	_ =	shalt  }
0x7c: {  	_ =	shalt  }
0x7d: {  	_ =	shalt  }
0x7e: {  	_ =	shalt  }
0x7f: {  	_ =	shalt  }
0x80: {  	_ =	shalt  }
0x81: {  	_ =	shalt  }
0x82: {  	_ =	shalt  }
0x83: {  	_ =	shalt  }
0x84: {  	_ =	shalt  }
0x85: {  	_ =	shalt  }
0x86: {  	_ =	shalt  }
0x87: {  	_ =	shalt  }
.Lfunc_end0:
.L_simem_size_0:
called_computation.1_lowered:
.L_overlay_start_0:
0x88: {  	s2 =	sld [smem:$0x3FD9]  }
0x89: {  	s3 =	sld [smem:$0x3FFE];
	_ =	sdelay $0x1  }
0x8a: {  	s1 =	srdreg.scid  }
0x8b: {  	s0 =	sand.u32 $0x1, s1  }
0x8c: {  	s17 =	sshll.u32 s0, $0xA;
	s2 =	sadd.s32 s3, s2  }
0x8d: {  	s2 =	sadd.s32 s2, s17  }
0x8e: {  	[smem:$0x3FBA] =	sst s2  }
0x8f: {  	_ = 	snop  }
0x90: {  	s2 =	sld [smem:$0x3FD0];
	(tm) =	ssettm $0x1  }
0x91: {  	s18 =	sld [smem:$0x3FFB];
	_ =	sdelay $0x3  }
0x92: {  	_ =	strace s18  }
0x93: {  	s3 =	sld [smem:$0x3FFC];
	_ =	sdelay $0x3  }
0x94: {  	_ =	strace s3  }
0x95: {  	s3 =	sld [smem:$0x3FFD];
	_ =	sdelay $0x3  }
0x96: {  	_ =	strace s3  }
0x97: {  	_ =	strace $0x8FFFFFFF  }
0x98: {  	s19 =	sld [smem:$0x3FDB];
	_ =	sdelay $0x1  }
0x99: {  	s4 =	simm.s32 $_scs_section_size  }
0x9a: {  	s5 =	simm.s32 $_size__tile_overlayer_lowered;
	s6 =	simm.s32 $_tile_overlayer_lowered  }
0x9b: {  	s22 =	simm.s32 $0x1BFF;
	s21 =	sshll.u32 s6, $0x1;
	s3 =	sadd.s32 s4, s19  }
0x9c: {  	s7 =	simm.s32 $0x0;
	s20 =	sshll.u32 s5, $0x1;
	s5 =	sadd.s32 s21, s3  }
0x9d: {  	[timem:s7], [sflag:s22] =	dma.local [hbm:s5], s20  }
0x9e: {  	_ =	swait.ge [sflag:s22], s20  }
0x9f: {  	s4 =	ssub.s32 $0x0, s20;
	[sflag:s22] =	ssyncset.done $0x0  }
0xa0: {  	[sflag:s22] =	ssyncadd.s32 s4;
	_ =	sdelay $0x1  }
0xa1: {  	s23 =	simm.s32 $0x1B8B  }
0xa2: {  	_ =	swait.ge [sflag:s23], $0x1  }
0xa3: {  	[sflag:s23] =	ssyncset.done $0x0  }
0xa4: {  	s25 =	simm.s32 $0x1B8E;
	s24 =	sld [smem:$0x3FFE];
	[sflag:s23] =	ssyncadd.s32 $0xFFFFFFFF  }
0xa5: {  	s26 =	simm.s32 $execute0_lowered;
	[smem:$0x3FD2] =	sst s25  }
0xa6: {  	s5 =	sshll.u32 s26, $0x1;
	_ =	strace $0x80000049;
	[dreg:$0x1] =	wrdreg $0xFFFFFFFF  }
0xa7: {  	s28 =	simm.s32 $_size_execute0_lowered;
	s3 =	sadd.s32 s3, s5;
	[dreg:$0x0] =	wrdreg $0x0  }
0xa8: {  	s5 =	sshll.u32 s28, $0x1;
	[dreg:$0x2] =	wrdreg s3  }
0xa9: {  	[dreg:$0x3] =	wrdreg s5  }
0xaa: {  	[dreg:$0x4] =	wrdreg $0xC0  }
0xab: {  	_ =	task [dreg:s7], $0x5FFFF  }
0xac: {  	[dreg:$0x1] =	wrdreg $0xFFFFFFFF  }
0xad: {  	[dreg:$0x0] =	wrdreg $0x60  }
0xae: {  	[dreg:$0x2] =	wrdreg s2  }
0xaf: {  	[dreg:$0x3] =	wrdreg s24  }
0xb0: {  	[dreg:$0x4] =	wrdreg $0x82000  }
0xb1: {  	[dreg:$0x5] =	wrdreg $0x9  }
0xb2: {  	_ =	task.clear_ibuf [dreg:s7], $0x6FFFF;
	_ =	strace $0x90000049  }
0xb3: {  	s29 =	simm.s32 $0x9;
	_ =	strace $0x8000004B  }
0xb4: {  	_ =	swait.ge [sflag:s29], $0x1  }
0xb5: {  	[sflag:s29] =	ssyncadd.s32 $0xFFFFFFFF  }
0xb6: {  	_ =	strace $0x9000004B  }
0xb7: {  	_ =	sfence  }
0xb8: {  	s30 =	sld [smem:$0x0];
	_ =	sdelay $0x2  }
0xb9: {  	s31 =	sshll.u32 s1, $0xD;
	s1 =	sshrl.u32 s1, $0x2  }
0xba: {  	s3 =	sand.u32 $0x4000, s31;
	s1 =	sadd.s32 s1, s30  }
0xbb: {  	s0 =	sor.u32 s3, s0;
	s1 =	sshll.u32 s1, $0x11  }
0xbc: {  	s0 =	sor.u32 s1, s0  }
0xbd: {  	s0 =	sadd.s32 $0x8F2B, s0  }
0xbe: {  	[sflag:s0] =	ssyncadd.remote.s32 $0x1  }
0xbf: {  	_ =	sfence.sel $0xFFFF  }
0xc0: {  	[dreg:$0x0] =	wrdreg $0xFFFFFFFF;
	(pc) =	sbr.abs _section_cstart, $3  }
0xc1: {  	[dreg:$0x1] =	wrdreg $0xFFFFFFFF  }
0xc2: {  	_ =	task.clear_ibuf [dreg:s7], $0x2FFFF;
	_ =	strace $0x9FFFFFFF  }
0xc3: {  	(tm) =	ssettm $0x7FFFFFFF  }
tec
execute0_lowered:
.L_overlay_start_1:
0x0: {  	(tag) =	ssettag $0x1  }
0x1: {  	s1 =	rddreg [dreg:$0x0]  }
0x2: {  	s0 =	rddreg [dreg:$0x1]  }
0x3: {  	s3 =	rddreg [dreg:$0x2];
	s4 =	simm.s32 $0x0  }
0x4: {  	s2 =	srdreg.scid;
	s11 =	stileid.u32;
	s18 =	simm.s32 $0x80  }
0x5: {  	s19 =	simm.s32 $0x200;
	s21 =	simm.s32 $0x3;
	s6 =	smul.u32 $0x2800, s11  }
0x6: {  	s22 =	simm.s32 $0x1;
	s28 =	simm.s32 $0x0;
	s24 =	smul.u32 $0x50000, s11  }
0x7: {  	[smem:$0x7FF] =	sst s4;
	s2 =	sand.u32 $0x1, s2;
	s29 =	smul.u32 $0x9E00, s11  }
0x8: {  	s12 =	sadd.s32 $0x17C00, s0;
	s8 =	sshll.u32 s11, $0x1;
	s7 =	smul.u32 $0x28000, s2  }
0x9: {  	s23 =	sor.u32 s2, s8;
	s9 =	ssub.s32 $0x2, s2;
	s2 =	smul.u32 $0x4F00, s2  }
0xa: {  	s5 =	sadd.s32 $0x4200, s0;
	_ =	strace $0x8000004A;
	s10 =	smul.u32 $0x4F00, s23  }
0xb: {  	s25 =	sshrl.u32 s9, $0x1;
	s26 =	sshrl.u32 s24, $0x2;
	s23 =	simm.s32 $0x2  }
0xc: {  	s24 =	simm.s32 $0x4;
	s6 =	sadd.s32 s6, s7;
	s13 =	sadd.s32 s26, s3  }
0xd: {  	s30 =	ssub.s32 s9, s25;
	s2 =	sadd.s32 s2, s29;
	s25 =	simm.s32 $0x180  }
0xe: {  	s26 =	simm.s32 $0x4200;
	s0 =	sadd.s32 s6, s0;
	s6 =	sshll.u32 s11, $0x6  }
0xf: {  	s14 =	sadd.s32 $0x4000, s13;
	s15 =	sadd.s32 $0x8000, s13;
	s31 =	sshrl.u32 s10, $0x3  }
0x10: {  	s16 =	sadd.s32 $0xC000, s13;
	s2 =	sadd.s32 $0x200, s2;
	s17 =	sadd.s32 $0x10000, s13  }
0x11: {  	s11 =	smax.u32 s30, $0x1;
	s13 =	sshrl.u32 s13, $0x3;
	s7 =	sor.u32 $0x1C03, s6  }
0x12: {  	s8 =	sadd.s32 s12, s31;
	s2 =	sshrl.u32 s2, $0x3;
	s10 =	sadd.s32 $0x2B800, s0  }
0x13: {  	s14 =	sshrl.u32 s14, $0x3;
	s15 =	sshrl.u32 s15, $0x3;
	s16 =	sshrl.u32 s16, $0x3  }
0x14: {  	s17 =	sshrl.u32 s17, $0x3;
	s9 =	sadd.s32 $0x20, s8;
	s12 =	sadd.s32 s2, s12  }
.LBB2_1:
0x15: {  	[spmem:s13], [sflag:s7] =	dma.local [hbm:s5], $0x800  }
0x16: {  	[spmem:s14], [sflag:s7] =	dma.local [hbm:s5], $0x800  }
0x17: {  	[spmem:s15], [sflag:s7] =	dma.local [hbm:s5], $0x800  }
0x18: {  	[spmem:s16], [sflag:s7] =	dma.local [hbm:s5], $0x800  }
0x19: {  	[spmem:s17], [sflag:s7] =	dma.local [hbm:s5], $0x800  }
0x1a: {  	[tilespmem:s4], [sflag:$0x1] =	stream.linear.gather [hbm4b:s8+s4], $0x100, $0x38;
	[tilespmem:$0x1C200] =	vst v63  }
0x1b: {  	_ =	swait.ge [sflag:s22], $0x100  }
0x1c: {  	[sflag:s22] =	ssyncset.done $0x0  }
0x1d: {  	[sflag:s22] =	ssyncadd.s32 $0xFFFFFF00  }
0x1e: {  	[tilespmem:s19], [sflag:$0x2] =	stream.indirect.gather [hbm4b:s1+s18], $0x80, s4, s18, $0xb8;
	[tilespmem:$0x1C200] =	vst v63  }
0x1f: {  	s0 =	simm.s32 $0x100  }
0x20: {  	[tilespmem:s0], [sflag:$0x1] =	stream.linear.gather [hbm4b:s9+s4], $0x100, $0x38;
	[tilespmem:$0x1C200] =	vst v63  }
0x21: {  	_ =	swait.ge [sflag:s21], $0x800  }
0x22: {  	[sflag:s21] =	ssyncset.done $0x0  }
0x23: {  	[sflag:s21] =	ssyncadd.s32 $0xFFFFF800  }
0x24: {  	_ =	swait.ge [sflag:s21], $0x800  }
0x25: {  	[sflag:s21] =	ssyncset.done $0x0  }
0x26: {  	[sflag:s21] =	ssyncadd.s32 $0xFFFFF800  }
0x27: {  	_ =	swait.ge [sflag:s21], $0x800  }
0x28: {  	[sflag:s21] =	ssyncset.done $0x0  }
0x29: {  	[sflag:s21] =	ssyncadd.s32 $0xFFFFF800  }
0x2a: {  	_ =	swait.ge [sflag:s21], $0x800  }
0x2b: {  	[sflag:s21] =	ssyncset.done $0x0  }
0x2c: {  	[sflag:s21] =	ssyncadd.s32 $0xFFFFF800  }
0x2d: {  	_ =	swait.ge [sflag:s21], $0x800  }
0x2e: {  	[sflag:s21] =	ssyncset.done $0x0  }
0x2f: {  	[sflag:s21] =	ssyncadd.s32 $0xFFFFF800  }
0x30: {  	[bflag:$0x0] =	sbarrier.arrive $0xFFFF  }
0x31: {  	s20 =	sand.u32 $0x1, s22;
	_ =	swait.ge [sflag:s22], $0x100  }
0x32: {  	s29 =	simm.s32 $0x0;
	s2 =	sshll.u32 s20, $0xE;
	[sflag:s22] =	ssyncset.done $0x0  }
0x33: {  	s2 =	sor.u32 $0x200, s2;
	s0 =	sshll.u32 s20, $0x8;
	[sflag:s22] =	ssyncadd.s32 $0xFFFFFF00  }
0x34: {  	[tilespmem:s2], [sflag:$0x2] =	stream.indirect.gather [hbm4b:s1+s18], $0x80, s0, s18, $0xb8;
	[tilespmem:$0x1C200] =	vst v63  }
0x35: {  	s2 =	sand.u32 $0x1, s29;
	_ =	swait.ge [sflag:s23], $0x4000  }
0x36: {  	s20 =	sshll.u32 s2, $0xE;
	s0 =	sshll.u32 s2, $0x8;
	[sflag:s23] =	ssyncset.done $0x0  }
0x37: {  	s2 =	sor.u32 $0x200, s20;
	s29 =	sor.u32 $0x80, s0;
	[sflag:s23] =	ssyncadd.s32 $0xFFFFC000  }
0x38: {  	[spmem:s3] =	stream.indirect.scatter.add.f32 [tilespmem:s2], [sflag:$0x4], $0x80, s29, s18, $0xb8;
	[tilespmem:$0x1C200] =	vst v63  }
0x39: {  	_ =	swait.ge [sflag:s24], $0x4000  }
0x3a: {  	s30 =	sadd.s32 $0x20, s12;
	[sflag:s24] =	ssyncset.done $0x0  }
0x3b: {  	s31 =	smov.u32 s12;
	s29 =	simm.s32 $0x2;
	[sflag:s24] =	ssyncadd.s32 $0xFFFFC000  }
.LBB2_2:
0x3c: {  	[tilespmem:s0], [sflag:$0x1] =	stream.linear.gather [hbm4b:s31+s4], $0x100, $0x38;
	[tilespmem:$0x1C200] =	vst v63  }
0x3d: {  	s0 =	smov.u32 s29;
	s31 =	smov.u32 s30  }
0x3e: {  	p0 =	sne.s32 s29, $0x4D;
	s29 =	sadd.s32 $0x1, s29;
	_ =	swait.ge [sflag:s22], $0x100  }
0x3f: {  	s2 =	sand.u32 $0x1, s0;
	s0 =	sadd.s32 $0xFFFFFFFF, s0;
	[sflag:s22] =	ssyncset.done $0x0  }
0x40: {  	s20 =	sshll.u32 s2, $0xE;
	s2 =	sshll.u32 s2, $0x8;
	[sflag:s22] =	ssyncadd.s32 $0xFFFFFF00  }
0x41: {  	s0 =	sand.u32 $0x1, s0;
	s20 =	sor.u32 $0x200, s20  }
0x42: {  	[tilespmem:s20], [sflag:$0x2] =	stream.indirect.gather [hbm4b:s1+s18], $0x80, s2, s18, $0xb8;
	[tilespmem:$0x1C200] =	vst v63  }
0x43: {  	s2 =	sshll.u32 s0, $0xE;
	_ =	swait.ge [sflag:s23], $0x4000  }
0x44: {  	s0 =	sshll.u32 s0, $0x8;
	s2 =	sor.u32 $0x200, s2;
	[sflag:s23] =	ssyncset.done $0x0  }
.Ltmp0:
0x45: {  	s20 =	sor.u32 $0x80, s0;
	[sflag:s23] =	ssyncadd.s32 $0xFFFFC000;
	(pc) =	sbr.rel @p0 .LBB2_2-.Ltmp0, $4  }
0x46: {  	[spmem:s3] =	stream.indirect.scatter.add.f32 [tilespmem:s2], [sflag:$0x4], $0x80, s20, s18, $0xb8;
	[tilespmem:$0x1C200] =	vst v63  }
0x47: {  	_ =	swait.ge [sflag:s24], $0x4000  }
0x48: {  	[sflag:s24] =	ssyncset.done $0x0  }
0x49: {  	s30 =	sadd.s32 $0x20, s30;
	[sflag:s24] =	ssyncadd.s32 $0xFFFFC000  }
0x4a: {  	[tilespmem:s0], [sflag:$0x1] =	stream.linear.gather [hbm4b:s31+s4], $0x100, $0x38;
	[tilespmem:$0x1C200] =	vst v63  }
0x4b: {  	_ =	swait.ge [sflag:s22], $0x100  }
0x4c: {  	[sflag:s22] =	ssyncset.done $0x0  }
0x4d: {  	[sflag:s22] =	ssyncadd.s32 $0xFFFFFF00  }
0x4e: {  	[tilespmem:s2], [sflag:$0x2] =	stream.indirect.gather [hbm4b:s1+s18], $0x80, s0, s18, $0xb8;
	[tilespmem:$0x1C200] =	vst v63  }
0x4f: {  	_ =	swait.ge [sflag:s23], $0x4000  }
0x50: {  	[sflag:s23] =	ssyncset.done $0x0  }
0x51: {  	[sflag:s23] =	ssyncadd.s32 $0xFFFFC000  }
0x52: {  	[spmem:s3] =	stream.indirect.scatter.add.f32 [tilespmem:s26], [sflag:$0x4], $0x80, s25, s18, $0xb8;
	[tilespmem:$0x1C200] =	vst v63  }
0x53: {  	_ =	swait.ge [sflag:s24], $0x4000  }
0x54: {  	[sflag:s24] =	ssyncset.done $0x0  }
0x55: {  	[sflag:s24] =	ssyncadd.s32 $0xFFFFC000  }
0x56: {  	_ =	swait.ge [sflag:s23], $0x4000  }
0x57: {  	[sflag:s23] =	ssyncset.done $0x0  }
0x58: {  	[sflag:s23] =	ssyncadd.s32 $0xFFFFC000  }
0x59: {  	[spmem:s3] =	stream.indirect.scatter.add.f32 [tilespmem:s19], [sflag:$0x4], $0x80, s18, s18, $0xb8;
	[tilespmem:$0x1C200] =	vst v63  }
0x5a: {  	_ =	swait.ge [sflag:s24], $0x4000  }
0x5b: {  	s28 =	sadd.s32 $0x1, s28;
	[sflag:s24] =	ssyncset.done $0x0  }
0x5c: {  	p0 =	sne.s32 s28, s11;
	[sflag:s24] =	ssyncadd.s32 $0xFFFFC000  }
.Ltmp1:
0x5d: {  	s31 =	sor.u32 $0x1C04, s6;
	[bflag:$0x0] =	sbarrier.arrive $0xFFFF;
	(pc) =	sbr.rel @p0 .LBB2_1-.Ltmp1, $4  }
0x5e: {  	[hbm:s10], [sflag:s31] =	dma.local [spmem:s13], $0x2800  }
0x5f: {  	_ =	swait.ge [sflag:s24], $0x2800  }
0x60: {  	[sflag:s24] =	ssyncset.done $0x0  }
0x61: {  	[sflag:s24] =	ssyncadd.s32 $0xFFFFD800  }
0x62: {  	_ =	sfence.sel $0x180000  }
0x63: {  	[bflag:$0x0] =	sbarrier.arrive $0xFFFF  }
0x64: {  	_ =	strace $0x9000004A  }
0x65: {  	s0 =	stileid.u32;
	[bflag:$0x2] =	sbarrier.arrive $0xFFFF  }
0x66: {  	p0 =	sne.s32 s0, $0x0;
	s0 =	rddreg [dreg:$0x3]  }
0x67: {  	s0 =	sadd.s32 @!p0 $0x100000, s0  }
0x68: {  	[sflag:s0] =	ssyncadd.tile.s32 @!p0 $0x1;
	_ =	shalt  }
.Lfunc_end2:
_tile_overlayer_lowered:
.L_overlay_start_2:
0x69: {  	(tag) =	ssettag $0x2  }
0x6a: {  	s0 =	rddreg [dreg:$0x0];
	s2 =	stileid.u32  }
0x6b: {  	s1 =	rddreg [dreg:$0x1];
	p0 =	sne.s32 s2, $0x0  }
0x6c: {  	s3 =	rddreg [dreg:$0x2];
	[bflag:$0x3] =	sbarrier.arrive $0xFFFF;
	s2 =	simm.s32 @!p0 $0x1C04  }
0x6d: {  	[timem:s3], [sflag:s2] =	dma.local @!p0 [hbm:s0], s1  }
0x6e: {  	s0 =	simm.s32 @!p0 $0x4  }
0x6f: {  	_ =	swait.ge @!p0 [sflag:s0], s1  }
0x70: {  	s1 =	ssub.s32 @!p0 $0x0, s1;
	[sflag:s0] =	ssyncset.done @!p0 $0x0  }
0x71: {  	[sflag:s0] =	ssyncadd.s32 @!p0 s1  }
0x72: {  	[bflag:$0x3] =	sbarrier.arrive $0xFFFF  }
0x73: {  	_ =	shalt  }

// kernel: kernel.16.cloned.1.call-start
scs
__scs_entry_jumppad:
0x0: {  	(pc) =	sbr.rel $0x88, $3  }
0x1: {  	(tag) =	ssettag $0x0;
	lr =	simm.s32 $0x1  }
0x2: {  	[smem:$0x3F93] =	sst lr;
	_ =	strace $0xD0000000  }
0x3: {  	_ = 	snop  }
0x4: {  	_ = 	snop  }
0x5: {  	_ = 	snop  }
0x6: {  	_ = 	snop  }
0x7: {  	_ = 	snop  }
__scs_overlays_trampoline_lowered:
0x8: {  	[smem:$0x3FA2] =	sst s0  }
0x9: {  	[smem:$0x3FA3] =	sst s1  }
0xa: {  	[smem:$0x3FA4] =	sst s2  }
0xb: {  	[smem:$0x3FA5] =	sst s3  }
0xc: {  	[smem:$0x3FA6] =	sst s4  }
0xd: {  	[smem:$0x3FA7] =	sst s5  }
0xe: {  	[smem:$0x3FA8] =	sst s6  }
0xf: {  	[smem:$0x3FA9] =	sst s7  }
0x10: {  	[smem:$0x3FAA] =	sst s8  }
0x11: {  	[smem:$0x3FAB] =	sst s9;
	s0 =	simm.s32 @!p0 $0x0  }
0x12: {  	s1 =	sld [smem:$0x3F91];
	s0 =	simm.s32 @p0 $0x1  }
0x13: {  	[smem:$0x3FAC] =	sst s0;
	s0 =	simm.s32 @!p1 $0x0  }
0x14: {  	s2 =	sld [smem:$0x3F90];
	s0 =	simm.s32 @p1 $0x1  }
0x15: {  	[smem:$0x3FAD] =	sst s0;
	s0 =	simm.s32 @!p2 $0x0  }
0x16: {  	s3 =	sld [smem:$0x3FDB];
	s0 =	simm.s32 @p2 $0x1  }
0x17: {  	s4 =	simm.s32 $0x1BF5;
	[smem:$0x3FAF] =	sst s0  }
0x18: {  	s0 =	sld [smem:$0x3F92];
	_ =	swait.ge [sflag:s4], $0x0  }
0x19: {  	s7 =	sld [smem:$0x3F93]  }
0x1a: {  	s8 =	sadd.s32 $0xFFFFE003, lr  }
0x1b: {  	s9 =	sadd.s32 $0xFFFFFEF7, lr;
	s5 =	simm.s32 $0xFFFFFFFF;
	p2 =	slt.u32 s8, $0xFFFFF086  }
0x1c: {  	p1 =	slt.u32 s9, $0xF7A;
	s5 =	simm.s32 @!p2 $0x0  }
0x1d: {  	s5 =	simm.s32 @p1 $0x1;
	p0 =	seq.s32 s7, s2  }
0x1e: {  	s7 =	smul.u32 @!p0 $0xF7A, s2;
	p2 =	seq.s32 @!p0 s5, $0x0  }
0x1f: {  	s9 =	smul.u32 $0xF7A, s1;
	s8 =	simm.s32 @!p0 $0x1BF5;
	p2 =	por !p2, p0  }
0x20: {  	[sflag:s8] =	ssyncset.s32 @!p0 $0xFFFFF086;
	s6 =	sadd.s32 @!p0 s3, s7;
	s7 =	simm.s32 @!p0 $0x108  }
0x21: {  	s3 =	sadd.s32 s3, s9;
	s6 =	sadd.s32 @!p0 $0x88, s6;
	s7 =	simm.s32 @p2 $0x1082  }
0x22: {  	[simem:s7], [sflag:s8] =	dma.local @!p0 [hbm:s6], $0xF7A  }
0x23: {  	s9 =	sor.u32 $0xD0000000, s2;
	s6 =	simm.s32 $0x108;
	_ =	swait.ge @!p0 [sflag:s8], $0x0  }
0x24: {  	s3 =	sadd.s32 $0x88, s3;
	s6 =	simm.s32 @!p1 $0x1082;
	[sflag:s4] =	ssyncset.s32 $0xFFFFF086  }
0x25: {  	[simem:s6], [sflag:s4] =	dma.local [hbm:s3], $0xF7A  }
0x26: {  	[smem:$0x3F93] =	sst s1;
	(tag) =	ssettag s2;
	_ =	strace s9  }
0x27: {  	s1 =	sld [smem:$0x3FA3]  }
0x28: {  	s2 =	sld [smem:$0x3FA4]  }
0x29: {  	s4 =	sld [smem:$0x3FA6]  }
0x2a: {  	p0 =	seq.s32 s5, $0x0;
	s5 =	sld [smem:$0x3FA7]  }
0x2b: {  	s6 =	sld [smem:$0x3FA8]  }
0x2c: {  	s7 =	sld [smem:$0x3FA9]  }
0x2d: {  	s3 =	simm.s32 $0x108;
	s8 =	sld [smem:$0x3FAA]  }
0x2e: {  	s3 =	simm.s32 @!p0 $0x1082;
	s9 =	sld [smem:$0x3FAB]  }
0x2f: {  	lr =	sadd.s32 s0, s3;
	s0 =	sld [smem:$0x3FA2]  }
0x30: {  	s3 =	sld [smem:$0x3FA5]  }
0x31: {  	[smem:$0x3FAE] =	sst s10  }
0x32: {  	s10 =	sld [smem:$0x3FAC];
	_ =	sdelay $0x3  }
0x33: {  	p0 =	seq.s32 s10, $0x1;
	s10 =	sld [smem:$0x3FAE];
	_ =	sdelay $0x3  }
0x34: {  	[smem:$0x3FAE] =	sst s10  }
0x35: {  	s10 =	sld [smem:$0x3FAD];
	_ =	sdelay $0x3  }
0x36: {  	p1 =	seq.s32 s10, $0x1;
	s10 =	sld [smem:$0x3FAE];
	_ =	sdelay $0x3  }
0x37: {  	[smem:$0x3FAE] =	sst s10  }
0x38: {  	s10 =	sld [smem:$0x3FAF]  }
0x39: {  	_ = 	snop;
	(pc) =	sbr.ind lr, $3  }
0x3a: {  	_ = 	snop  }
0x3b: {  	_ = 	snop  }
0x3c: {  	p2 =	seq.s32 s10, $0x1;
	s10 =	sld [smem:$0x3FAE]  }
0x3d: {  	_ =	shalt  }
0x3e: {  	_ =	shalt  }
0x3f: {  	_ =	shalt  }
0x40: {  	_ =	shalt  }
0x41: {  	_ =	shalt  }
0x42: {  	_ =	shalt  }
0x43: {  	_ =	shalt  }
0x44: {  	_ =	shalt  }
0x45: {  	_ =	shalt  }
0x46: {  	_ =	shalt  }
0x47: {  	_ =	shalt  }
0x48: {  	_ =	shalt  }
0x49: {  	_ =	shalt  }
0x4a: {  	_ =	shalt  }
0x4b: {  	_ =	shalt  }
0x4c: {  	_ =	shalt  }
0x4d: {  	_ =	shalt  }
0x4e: {  	_ =	shalt  }
0x4f: {  	_ =	shalt  }
0x50: {  	_ =	shalt  }
0x51: {  	_ =	shalt  }
0x52: {  	_ =	shalt  }
0x53: {  	_ =	shalt  }
0x54: {  	_ =	shalt  }
0x55: {  	_ =	shalt  }
0x56: {  	_ =	shalt  }
0x57: {  	_ =	shalt  }
0x58: {  	_ =	shalt  }
0x59: {  	_ =	shalt  }
0x5a: {  	_ =	shalt  }
0x5b: {  	_ =	shalt  }
0x5c: {  	_ =	shalt  }
0x5d: {  	_ =	shalt  }
0x5e: {  	_ =	shalt  }
0x5f: {  	_ =	shalt  }
0x60: {  	_ =	shalt  }
0x61: {  	_ =	shalt  }
0x62: {  	_ =	shalt  }
0x63: {  	_ =	shalt  }
0x64: {  	_ =	shalt  }
0x65: {  	_ =	shalt  }
0x66: {  	_ =	shalt  }
0x67: {  	_ =	shalt  }
0x68: {  	_ =	shalt  }
0x69: {  	_ =	shalt  }
0x6a: {  	_ =	shalt  }
0x6b: {  	_ =	shalt  }
0x6c: {  	_ =	shalt  }
0x6d: {  	_ =	shalt  }
0x6e: {  	_ =	shalt  }
0x6f: {  	_ =	shalt  }
0x70: {  	_ =	shalt  }
0x71: {  	_ =	shalt  }
0x72: {  	_ =	shalt  }
0x73: {  	_ =	shalt  }
0x74: {  	_ =	shalt  }
0x75: {  	_ =	shalt  }
0x76: {  	_ =	shalt  }
0x77: {  	_ =	shalt  }
0x78: {  	_ =	shalt  }
0x79: {  	_ =	shalt  }
0x7a: {  	_ =	shalt  }
0x7b: {  	_ =	shalt  }
0x7c: {  	_ =	shalt  }
0x7d: {  	_ =	shalt  }
0x7e: {  	_ =	shalt  }
0x7f: {  	_ =	shalt  }
0x80: {  	_ =	shalt  }
0x81: {  	_ =	shalt  }
0x82: {  	_ =	shalt  }
0x83: {  	_ =	shalt  }
0x84: {  	_ =	shalt  }
0x85: {  	_ =	shalt  }
0x86: {  	_ =	shalt  }
0x87: {  	_ =	shalt  }
.Lfunc_end0:
.L_simem_size_0:
called_computation.2_lowered:
.L_overlay_start_0:
0x88: {  	s2 =	sld [smem:$0x3FD9]  }
0x89: {  	s3 =	sld [smem:$0x3FFE];
	_ =	sdelay $0x1  }
0x8a: {  	s1 =	srdreg.scid  }
0x8b: {  	s0 =	sand.u32 $0x1, s1  }
0x8c: {  	s17 =	sshll.u32 s0, $0xA;
	s2 =	sadd.s32 s3, s2  }
0x8d: {  	s2 =	sadd.s32 s2, s17  }
0x8e: {  	[smem:$0x3FBA] =	sst s2  }
0x8f: {  	_ = 	snop  }
0x90: {  	s2 =	sld [smem:$0x3FD0];
	(tm) =	ssettm $0x1  }
0x91: {  	s18 =	sld [smem:$0x3FFB];
	_ =	sdelay $0x3  }
0x92: {  	_ =	strace s18  }
0x93: {  	s3 =	sld [smem:$0x3FFC];
	_ =	sdelay $0x3  }
0x94: {  	_ =	strace s3  }
0x95: {  	s3 =	sld [smem:$0x3FFD];
	_ =	sdelay $0x3  }
0x96: {  	_ =	strace s3  }
0x97: {  	_ =	strace $0x8FFFFFFF  }
0x98: {  	s19 =	sld [smem:$0x3FDB];
	_ =	sdelay $0x1  }
0x99: {  	s4 =	simm.s32 $_scs_section_size  }
0x9a: {  	s5 =	simm.s32 $_size__tile_overlayer_lowered;
	s6 =	simm.s32 $_tile_overlayer_lowered  }
0x9b: {  	s22 =	simm.s32 $0x1BFF;
	s21 =	sshll.u32 s6, $0x1;
	s3 =	sadd.s32 s4, s19  }
0x9c: {  	s7 =	simm.s32 $0x0;
	s20 =	sshll.u32 s5, $0x1;
	s5 =	sadd.s32 s21, s3  }
0x9d: {  	[timem:s7], [sflag:s22] =	dma.local [hbm:s5], s20  }
0x9e: {  	_ =	swait.ge [sflag:s22], s20  }
0x9f: {  	s4 =	ssub.s32 $0x0, s20;
	[sflag:s22] =	ssyncset.done $0x0  }
0xa0: {  	[sflag:s22] =	ssyncadd.s32 s4;
	_ =	sdelay $0x1  }
0xa1: {  	s23 =	simm.s32 $0x1B8B  }
0xa2: {  	_ =	swait.ge [sflag:s23], $0x1  }
0xa3: {  	[sflag:s23] =	ssyncset.done $0x0  }
0xa4: {  	s25 =	simm.s32 $0x1B8E;
	s24 =	sld [smem:$0x3FFE];
	[sflag:s23] =	ssyncadd.s32 $0xFFFFFFFF  }
0xa5: {  	s26 =	simm.s32 $execute0_lowered;
	[smem:$0x3FD2] =	sst s25  }
0xa6: {  	s5 =	sshll.u32 s26, $0x1;
	_ =	strace $0x8000004C;
	[dreg:$0x1] =	wrdreg $0xFFFFFFFF  }
0xa7: {  	s28 =	simm.s32 $_size_execute0_lowered;
	s3 =	sadd.s32 s3, s5;
	[dreg:$0x0] =	wrdreg $0x0  }
0xa8: {  	s5 =	sshll.u32 s28, $0x1;
	[dreg:$0x2] =	wrdreg s3  }
0xa9: {  	[dreg:$0x3] =	wrdreg s5  }
0xaa: {  	[dreg:$0x4] =	wrdreg $0xC0  }
0xab: {  	_ =	task [dreg:s7], $0x5FFFF  }
0xac: {  	[dreg:$0x1] =	wrdreg $0xFFFFFFFF  }
0xad: {  	[dreg:$0x0] =	wrdreg $0x60  }
0xae: {  	[dreg:$0x2] =	wrdreg s2  }
0xaf: {  	[dreg:$0x3] =	wrdreg s24  }
0xb0: {  	[dreg:$0x4] =	wrdreg $0x82000  }
0xb1: {  	[dreg:$0x5] =	wrdreg $0x9  }
0xb2: {  	_ =	task.clear_ibuf [dreg:s7], $0x6FFFF;
	_ =	strace $0x9000004C  }
0xb3: {  	s29 =	simm.s32 $0x9;
	_ =	strace $0x8000004E  }
0xb4: {  	_ =	swait.ge [sflag:s29], $0x1  }
0xb5: {  	[sflag:s29] =	ssyncadd.s32 $0xFFFFFFFF  }
0xb6: {  	_ =	strace $0x9000004E  }
0xb7: {  	_ =	sfence  }
0xb8: {  	s30 =	sld [smem:$0x0];
	_ =	sdelay $0x2  }
0xb9: {  	s31 =	sshll.u32 s1, $0xD;
	s1 =	sshrl.u32 s1, $0x2  }
0xba: {  	s3 =	sand.u32 $0x4000, s31;
	s1 =	sadd.s32 s1, s30  }
0xbb: {  	s0 =	sor.u32 s3, s0;
	s1 =	sshll.u32 s1, $0x11  }
0xbc: {  	s0 =	sor.u32 s1, s0  }
0xbd: {  	s0 =	sadd.s32 $0x8F2B, s0  }
0xbe: {  	[sflag:s0] =	ssyncadd.remote.s32 $0x1  }
0xbf: {  	_ =	sfence.sel $0xFFFF  }
0xc0: {  	[dreg:$0x0] =	wrdreg $0xFFFFFFFF;
	(pc) =	sbr.abs _section_cstart, $3  }
0xc1: {  	[dreg:$0x1] =	wrdreg $0xFFFFFFFF  }
0xc2: {  	_ =	task.clear_ibuf [dreg:s7], $0x2FFFF;
	_ =	strace $0x9FFFFFFF  }
0xc3: {  	(tm) =	ssettm $0x7FFFFFFF  }
tec
execute0_lowered:
.L_overlay_start_1:
0x0: {  	(tag) =	ssettag $0x1  }
0x1: {  	s1 =	rddreg [dreg:$0x0]  }
0x2: {  	s0 =	rddreg [dreg:$0x1]  }
0x3: {  	s3 =	rddreg [dreg:$0x2];
	s4 =	simm.s32 $0x0  }
0x4: {  	s2 =	srdreg.scid;
	s11 =	stileid.u32;
	s18 =	simm.s32 $0x80  }
0x5: {  	s19 =	simm.s32 $0x200;
	s21 =	simm.s32 $0x3;
	s6 =	smul.u32 $0x2800, s11  }
0x6: {  	s22 =	simm.s32 $0x1;
	s28 =	simm.s32 $0x0;
	s24 =	smul.u32 $0x50000, s11  }
0x7: {  	[smem:$0x7FF] =	sst s4;
	s2 =	sand.u32 $0x1, s2;
	s29 =	smul.u32 $0x9E00, s11  }
0x8: {  	s12 =	sadd.s32 $0x17C00, s0;
	s8 =	sshll.u32 s11, $0x1;
	s7 =	smul.u32 $0x28000, s2  }
0x9: {  	s23 =	sor.u32 s2, s8;
	s9 =	ssub.s32 $0x2, s2;
	s2 =	smul.u32 $0x4F00, s2  }
0xa: {  	s5 =	sadd.s32 $0x4200, s0;
	_ =	strace $0x8000004D;
	s10 =	smul.u32 $0x4F00, s23  }
0xb: {  	s25 =	sshrl.u32 s9, $0x1;
	s26 =	sshrl.u32 s24, $0x2;
	s23 =	simm.s32 $0x2  }
0xc: {  	s24 =	simm.s32 $0x4;
	s6 =	sadd.s32 s6, s7;
	s13 =	sadd.s32 s26, s3  }
0xd: {  	s30 =	ssub.s32 s9, s25;
	s2 =	sadd.s32 s2, s29;
	s25 =	simm.s32 $0x180  }
0xe: {  	s26 =	simm.s32 $0x4200;
	s0 =	sadd.s32 s6, s0;
	s6 =	sshll.u32 s11, $0x6  }
0xf: {  	s14 =	sadd.s32 $0x4000, s13;
	s15 =	sadd.s32 $0x8000, s13;
	s31 =	sshrl.u32 s10, $0x3  }
0x10: {  	s16 =	sadd.s32 $0xC000, s13;
	s2 =	sadd.s32 $0x200, s2;
	s17 =	sadd.s32 $0x10000, s13  }
0x11: {  	s11 =	smax.u32 s30, $0x1;
	s13 =	sshrl.u32 s13, $0x3;
	s7 =	sor.u32 $0x1C03, s6  }
0x12: {  	s8 =	sadd.s32 s12, s31;
	s2 =	sshrl.u32 s2, $0x3;
	s10 =	sadd.s32 $0x2B800, s0  }
0x13: {  	s14 =	sshrl.u32 s14, $0x3;
	s15 =	sshrl.u32 s15, $0x3;
	s16 =	sshrl.u32 s16, $0x3  }
0x14: {  	s17 =	sshrl.u32 s17, $0x3;
	s9 =	sadd.s32 $0x20, s8;
	s12 =	sadd.s32 s2, s12  }
.LBB2_1:
0x15: {  	[spmem:s13], [sflag:s7] =	dma.local [hbm:s5], $0x800  }
0x16: {  	[spmem:s14], [sflag:s7] =	dma.local [hbm:s5], $0x800  }
0x17: {  	[spmem:s15], [sflag:s7] =	dma.local [hbm:s5], $0x800  }
0x18: {  	[spmem:s16], [sflag:s7] =	dma.local [hbm:s5], $0x800  }
0x19: {  	[spmem:s17], [sflag:s7] =	dma.local [hbm:s5], $0x800  }
0x1a: {  	[tilespmem:s4], [sflag:$0x1] =	stream.linear.gather [hbm4b:s8+s4], $0x100, $0x38;
	[tilespmem:$0x1C200] =	vst v63  }
0x1b: {  	_ =	swait.ge [sflag:s22], $0x100  }
0x1c: {  	[sflag:s22] =	ssyncset.done $0x0  }
0x1d: {  	[sflag:s22] =	ssyncadd.s32 $0xFFFFFF00  }
0x1e: {  	[tilespmem:s19], [sflag:$0x2] =	stream.indirect.gather [hbm4b:s1+s18], $0x80, s4, s18, $0xb8;
	[tilespmem:$0x1C200] =	vst v63  }
0x1f: {  	s0 =	simm.s32 $0x100  }
0x20: {  	[tilespmem:s0], [sflag:$0x1] =	stream.linear.gather [hbm4b:s9+s4], $0x100, $0x38;
	[tilespmem:$0x1C200] =	vst v63  }
0x21: {  	_ =	swait.ge [sflag:s21], $0x800  }
0x22: {  	[sflag:s21] =	ssyncset.done $0x0  }
0x23: {  	[sflag:s21] =	ssyncadd.s32 $0xFFFFF800  }
0x24: {  	_ =	swait.ge [sflag:s21], $0x800  }
0x25: {  	[sflag:s21] =	ssyncset.done $0x0  }
0x26: {  	[sflag:s21] =	ssyncadd.s32 $0xFFFFF800  }
0x27: {  	_ =	swait.ge [sflag:s21], $0x800  }
0x28: {  	[sflag:s21] =	ssyncset.done $0x0  }
0x29: {  	[sflag:s21] =	ssyncadd.s32 $0xFFFFF800  }
0x2a: {  	_ =	swait.ge [sflag:s21], $0x800  }
0x2b: {  	[sflag:s21] =	ssyncset.done $0x0  }
0x2c: {  	[sflag:s21] =	ssyncadd.s32 $0xFFFFF800  }
0x2d: {  	_ =	swait.ge [sflag:s21], $0x800  }
0x2e: {  	[sflag:s21] =	ssyncset.done $0x0  }
0x2f: {  	[sflag:s21] =	ssyncadd.s32 $0xFFFFF800  }
0x30: {  	[bflag:$0x0] =	sbarrier.arrive $0xFFFF  }
0x31: {  	s20 =	sand.u32 $0x1, s22;
	_ =	swait.ge [sflag:s22], $0x100  }
0x32: {  	s29 =	simm.s32 $0x0;
	s2 =	sshll.u32 s20, $0xE;
	[sflag:s22] =	ssyncset.done $0x0  }
0x33: {  	s2 =	sor.u32 $0x200, s2;
	s0 =	sshll.u32 s20, $0x8;
	[sflag:s22] =	ssyncadd.s32 $0xFFFFFF00  }
0x34: {  	[tilespmem:s2], [sflag:$0x2] =	stream.indirect.gather [hbm4b:s1+s18], $0x80, s0, s18, $0xb8;
	[tilespmem:$0x1C200] =	vst v63  }
0x35: {  	s2 =	sand.u32 $0x1, s29;
	_ =	swait.ge [sflag:s23], $0x4000  }
0x36: {  	s20 =	sshll.u32 s2, $0xE;
	s0 =	sshll.u32 s2, $0x8;
	[sflag:s23] =	ssyncset.done $0x0  }
0x37: {  	s2 =	sor.u32 $0x200, s20;
	s29 =	sor.u32 $0x80, s0;
	[sflag:s23] =	ssyncadd.s32 $0xFFFFC000  }
0x38: {  	[spmem:s3] =	stream.indirect.scatter.add.f32 [tilespmem:s2], [sflag:$0x4], $0x80, s29, s18, $0xb8;
	[tilespmem:$0x1C200] =	vst v63  }
0x39: {  	_ =	swait.ge [sflag:s24], $0x4000  }
0x3a: {  	s30 =	sadd.s32 $0x20, s12;
	[sflag:s24] =	ssyncset.done $0x0  }
0x3b: {  	s31 =	smov.u32 s12;
	s29 =	simm.s32 $0x2;
	[sflag:s24] =	ssyncadd.s32 $0xFFFFC000  }
.LBB2_2:
0x3c: {  	[tilespmem:s0], [sflag:$0x1] =	stream.linear.gather [hbm4b:s31+s4], $0x100, $0x38;
	[tilespmem:$0x1C200] =	vst v63  }
0x3d: {  	s0 =	smov.u32 s29;
	s31 =	smov.u32 s30  }
0x3e: {  	p0 =	sne.s32 s29, $0x4D;
	s29 =	sadd.s32 $0x1, s29;
	_ =	swait.ge [sflag:s22], $0x100  }
0x3f: {  	s2 =	sand.u32 $0x1, s0;
	s0 =	sadd.s32 $0xFFFFFFFF, s0;
	[sflag:s22] =	ssyncset.done $0x0  }
0x40: {  	s20 =	sshll.u32 s2, $0xE;
	s2 =	sshll.u32 s2, $0x8;
	[sflag:s22] =	ssyncadd.s32 $0xFFFFFF00  }
0x41: {  	s0 =	sand.u32 $0x1, s0;
	s20 =	sor.u32 $0x200, s20  }
0x42: {  	[tilespmem:s20], [sflag:$0x2] =	stream.indirect.gather [hbm4b:s1+s18], $0x80, s2, s18, $0xb8;
	[tilespmem:$0x1C200] =	vst v63  }
0x43: {  	s2 =	sshll.u32 s0, $0xE;
	_ =	swait.ge [sflag:s23], $0x4000  }
0x44: {  	s0 =	sshll.u32 s0, $0x8;
	s2 =	sor.u32 $0x200, s2;
	[sflag:s23] =	ssyncset.done $0x0  }
.Ltmp0:
0x45: {  	s20 =	sor.u32 $0x80, s0;
	[sflag:s23] =	ssyncadd.s32 $0xFFFFC000;
	(pc) =	sbr.rel @p0 .LBB2_2-.Ltmp0, $4  }
0x46: {  	[spmem:s3] =	stream.indirect.scatter.add.f32 [tilespmem:s2], [sflag:$0x4], $0x80, s20, s18, $0xb8;
	[tilespmem:$0x1C200] =	vst v63  }
0x47: {  	_ =	swait.ge [sflag:s24], $0x4000  }
0x48: {  	[sflag:s24] =	ssyncset.done $0x0  }
0x49: {  	s30 =	sadd.s32 $0x20, s30;
	[sflag:s24] =	ssyncadd.s32 $0xFFFFC000  }
0x4a: {  	[tilespmem:s0], [sflag:$0x1] =	stream.linear.gather [hbm4b:s31+s4], $0x100, $0x38;
	[tilespmem:$0x1C200] =	vst v63  }
0x4b: {  	_ =	swait.ge [sflag:s22], $0x100  }
0x4c: {  	[sflag:s22] =	ssyncset.done $0x0  }
0x4d: {  	[sflag:s22] =	ssyncadd.s32 $0xFFFFFF00  }
0x4e: {  	[tilespmem:s2], [sflag:$0x2] =	stream.indirect.gather [hbm4b:s1+s18], $0x80, s0, s18, $0xb8;
	[tilespmem:$0x1C200] =	vst v63  }
0x4f: {  	_ =	swait.ge [sflag:s23], $0x4000  }
0x50: {  	[sflag:s23] =	ssyncset.done $0x0  }
0x51: {  	[sflag:s23] =	ssyncadd.s32 $0xFFFFC000  }
0x52: {  	[spmem:s3] =	stream.indirect.scatter.add.f32 [tilespmem:s26], [sflag:$0x4], $0x80, s25, s18, $0xb8;
	[tilespmem:$0x1C200] =	vst v63  }
0x53: {  	_ =	swait.ge [sflag:s24], $0x4000  }
0x54: {  	[sflag:s24] =	ssyncset.done $0x0  }
0x55: {  	[sflag:s24] =	ssyncadd.s32 $0xFFFFC000  }
0x56: {  	_ =	swait.ge [sflag:s23], $0x4000  }
0x57: {  	[sflag:s23] =	ssyncset.done $0x0  }
0x58: {  	[sflag:s23] =	ssyncadd.s32 $0xFFFFC000  }
0x59: {  	[spmem:s3] =	stream.indirect.scatter.add.f32 [tilespmem:s19], [sflag:$0x4], $0x80, s18, s18, $0xb8;
	[tilespmem:$0x1C200] =	vst v63  }
0x5a: {  	_ =	swait.ge [sflag:s24], $0x4000  }
0x5b: {  	s28 =	sadd.s32 $0x1, s28;
	[sflag:s24] =	ssyncset.done $0x0  }
0x5c: {  	p0 =	sne.s32 s28, s11;
	[sflag:s24] =	ssyncadd.s32 $0xFFFFC000  }
.Ltmp1:
0x5d: {  	s31 =	sor.u32 $0x1C04, s6;
	[bflag:$0x0] =	sbarrier.arrive $0xFFFF;
	(pc) =	sbr.rel @p0 .LBB2_1-.Ltmp1, $4  }
0x5e: {  	[hbm:s10], [sflag:s31] =	dma.local [spmem:s13], $0x2800  }
0x5f: {  	_ =	swait.ge [sflag:s24], $0x2800  }
0x60: {  	[sflag:s24] =	ssyncset.done $0x0  }
0x61: {  	[sflag:s24] =	ssyncadd.s32 $0xFFFFD800  }
0x62: {  	_ =	sfence.sel $0x180000  }
0x63: {  	[bflag:$0x0] =	sbarrier.arrive $0xFFFF  }
0x64: {  	_ =	strace $0x9000004D  }
0x65: {  	s0 =	stileid.u32;
	[bflag:$0x2] =	sbarrier.arrive $0xFFFF  }
0x66: {  	p0 =	sne.s32 s0, $0x0;
	s0 =	rddreg [dreg:$0x3]  }
0x67: {  	s0 =	sadd.s32 @!p0 $0x100000, s0  }
0x68: {  	[sflag:s0] =	ssyncadd.tile.s32 @!p0 $0x1;
	_ =	shalt  }
.Lfunc_end2:
_tile_overlayer_lowered:
.L_overlay_start_2:
0x69: {  	(tag) =	ssettag $0x2  }
0x6a: {  	s0 =	rddreg [dreg:$0x0];
	s2 =	stileid.u32  }
0x6b: {  	s1 =	rddreg [dreg:$0x1];
	p0 =	sne.s32 s2, $0x0  }
0x6c: {  	s3 =	rddreg [dreg:$0x2];
	[bflag:$0x3] =	sbarrier.arrive $0xFFFF;
	s2 =	simm.s32 @!p0 $0x1C04  }
0x6d: {  	[timem:s3], [sflag:s2] =	dma.local @!p0 [hbm:s0], s1  }
0x6e: {  	s0 =	simm.s32 @!p0 $0x4  }
0x6f: {  	_ =	swait.ge @!p0 [sflag:s0], s1  }
0x70: {  	s1 =	ssub.s32 @!p0 $0x0, s1;
	[sflag:s0] =	ssyncset.done @!p0 $0x0  }
0x71: {  	[sflag:s0] =	ssyncadd.s32 @!p0 s1  }
0x72: {  	[bflag:$0x3] =	sbarrier.arrive $0xFFFF  }
0x73: {  	_ =	shalt  }

// kernel: kernel.19.cloned.1.call-start
scs
__scs_entry_jumppad:
0x0: {  	(pc) =	sbr.rel $0x88, $3  }
0x1: {  	(tag) =	ssettag $0x0;
	lr =	simm.s32 $0x1  }
0x2: {  	[smem:$0x3F93] =	sst lr;
	_ =	strace $0xD0000000  }
0x3: {  	_ = 	snop  }
0x4: {  	_ = 	snop  }
0x5: {  	_ = 	snop  }
0x6: {  	_ = 	snop  }
0x7: {  	_ = 	snop  }
__scs_overlays_trampoline_lowered:
0x8: {  	[smem:$0x3FA2] =	sst s0  }
0x9: {  	[smem:$0x3FA3] =	sst s1  }
0xa: {  	[smem:$0x3FA4] =	sst s2  }
0xb: {  	[smem:$0x3FA5] =	sst s3  }
0xc: {  	[smem:$0x3FA6] =	sst s4  }
0xd: {  	[smem:$0x3FA7] =	sst s5  }
0xe: {  	[smem:$0x3FA8] =	sst s6  }
0xf: {  	[smem:$0x3FA9] =	sst s7  }
0x10: {  	[smem:$0x3FAA] =	sst s8  }
0x11: {  	[smem:$0x3FAB] =	sst s9;
	s0 =	simm.s32 @!p0 $0x0  }
0x12: {  	s1 =	sld [smem:$0x3F91];
	s0 =	simm.s32 @p0 $0x1  }
0x13: {  	[smem:$0x3FAC] =	sst s0;
	s0 =	simm.s32 @!p1 $0x0  }
0x14: {  	s2 =	sld [smem:$0x3F90];
	s0 =	simm.s32 @p1 $0x1  }
0x15: {  	[smem:$0x3FAD] =	sst s0;
	s0 =	simm.s32 @!p2 $0x0  }
0x16: {  	s3 =	sld [smem:$0x3FDB];
	s0 =	simm.s32 @p2 $0x1  }
0x17: {  	s4 =	simm.s32 $0x1BF5;
	[smem:$0x3FAF] =	sst s0  }
0x18: {  	s0 =	sld [smem:$0x3F92];
	_ =	swait.ge [sflag:s4], $0x0  }
0x19: {  	s7 =	sld [smem:$0x3F93]  }
0x1a: {  	s8 =	sadd.s32 $0xFFFFE003, lr  }
0x1b: {  	s9 =	sadd.s32 $0xFFFFFEF7, lr;
	s5 =	simm.s32 $0xFFFFFFFF;
	p2 =	slt.u32 s8, $0xFFFFF086  }
0x1c: {  	p1 =	slt.u32 s9, $0xF7A;
	s5 =	simm.s32 @!p2 $0x0  }
0x1d: {  	s5 =	simm.s32 @p1 $0x1;
	p0 =	seq.s32 s7, s2  }
0x1e: {  	s7 =	smul.u32 @!p0 $0xF7A, s2;
	p2 =	seq.s32 @!p0 s5, $0x0  }
0x1f: {  	s9 =	smul.u32 $0xF7A, s1;
	s8 =	simm.s32 @!p0 $0x1BF5;
	p2 =	por !p2, p0  }
0x20: {  	[sflag:s8] =	ssyncset.s32 @!p0 $0xFFFFF086;
	s6 =	sadd.s32 @!p0 s3, s7;
	s7 =	simm.s32 @!p0 $0x108  }
0x21: {  	s3 =	sadd.s32 s3, s9;
	s6 =	sadd.s32 @!p0 $0x88, s6;
	s7 =	simm.s32 @p2 $0x1082  }
0x22: {  	[simem:s7], [sflag:s8] =	dma.local @!p0 [hbm:s6], $0xF7A  }
0x23: {  	s9 =	sor.u32 $0xD0000000, s2;
	s6 =	simm.s32 $0x108;
	_ =	swait.ge @!p0 [sflag:s8], $0x0  }
0x24: {  	s3 =	sadd.s32 $0x88, s3;
	s6 =	simm.s32 @!p1 $0x1082;
	[sflag:s4] =	ssyncset.s32 $0xFFFFF086  }
0x25: {  	[simem:s6], [sflag:s4] =	dma.local [hbm:s3], $0xF7A  }
0x26: {  	[smem:$0x3F93] =	sst s1;
	(tag) =	ssettag s2;
	_ =	strace s9  }
0x27: {  	s1 =	sld [smem:$0x3FA3]  }
0x28: {  	s2 =	sld [smem:$0x3FA4]  }
0x29: {  	s4 =	sld [smem:$0x3FA6]  }
0x2a: {  	p0 =	seq.s32 s5, $0x0;
	s5 =	sld [smem:$0x3FA7]  }
0x2b: {  	s6 =	sld [smem:$0x3FA8]  }
0x2c: {  	s7 =	sld [smem:$0x3FA9]  }
0x2d: {  	s3 =	simm.s32 $0x108;
	s8 =	sld [smem:$0x3FAA]  }
0x2e: {  	s3 =	simm.s32 @!p0 $0x1082;
	s9 =	sld [smem:$0x3FAB]  }
0x2f: {  	lr =	sadd.s32 s0, s3;
	s0 =	sld [smem:$0x3FA2]  }
0x30: {  	s3 =	sld [smem:$0x3FA5]  }
0x31: {  	[smem:$0x3FAE] =	sst s10  }
0x32: {  	s10 =	sld [smem:$0x3FAC];
	_ =	sdelay $0x3  }
0x33: {  	p0 =	seq.s32 s10, $0x1;
	s10 =	sld [smem:$0x3FAE];
	_ =	sdelay $0x3  }
0x34: {  	[smem:$0x3FAE] =	sst s10  }
0x35: {  	s10 =	sld [smem:$0x3FAD];
	_ =	sdelay $0x3  }
0x36: {  	p1 =	seq.s32 s10, $0x1;
	s10 =	sld [smem:$0x3FAE];
	_ =	sdelay $0x3  }
0x37: {  	[smem:$0x3FAE] =	sst s10  }
0x38: {  	s10 =	sld [smem:$0x3FAF]  }
0x39: {  	_ = 	snop;
	(pc) =	sbr.ind lr, $3  }
0x3a: {  	_ = 	snop  }
0x3b: {  	_ = 	snop  }
0x3c: {  	p2 =	seq.s32 s10, $0x1;
	s10 =	sld [smem:$0x3FAE]  }
0x3d: {  	_ =	shalt  }
0x3e: {  	_ =	shalt  }
0x3f: {  	_ =	shalt  }
0x40: {  	_ =	shalt  }
0x41: {  	_ =	shalt  }
0x42: {  	_ =	shalt  }
0x43: {  	_ =	shalt  }
0x44: {  	_ =	shalt  }
0x45: {  	_ =	shalt  }
0x46: {  	_ =	shalt  }
0x47: {  	_ =	shalt  }
0x48: {  	_ =	shalt  }
0x49: {  	_ =	shalt  }
0x4a: {  	_ =	shalt  }
0x4b: {  	_ =	shalt  }
0x4c: {  	_ =	shalt  }
0x4d: {  	_ =	shalt  }
0x4e: {  	_ =	shalt  }
0x4f: {  	_ =	shalt  }
0x50: {  	_ =	shalt  }
0x51: {  	_ =	shalt  }
0x52: {  	_ =	shalt  }
0x53: {  	_ =	shalt  }
0x54: {  	_ =	shalt  }
0x55: {  	_ =	shalt  }
0x56: {  	_ =	shalt  }
0x57: {  	_ =	shalt  }
0x58: {  	_ =	shalt  }
0x59: {  	_ =	shalt  }
0x5a: {  	_ =	shalt  }
0x5b: {  	_ =	shalt  }
0x5c: {  	_ =	shalt  }
0x5d: {  	_ =	shalt  }
0x5e: {  	_ =	shalt  }
0x5f: {  	_ =	shalt  }
0x60: {  	_ =	shalt  }
0x61: {  	_ =	shalt  }
0x62: {  	_ =	shalt  }
0x63: {  	_ =	shalt  }
0x64: {  	_ =	shalt  }
0x65: {  	_ =	shalt  }
0x66: {  	_ =	shalt  }
0x67: {  	_ =	shalt  }
0x68: {  	_ =	shalt  }
0x69: {  	_ =	shalt  }
0x6a: {  	_ =	shalt  }
0x6b: {  	_ =	shalt  }
0x6c: {  	_ =	shalt  }
0x6d: {  	_ =	shalt  }
0x6e: {  	_ =	shalt  }
0x6f: {  	_ =	shalt  }
0x70: {  	_ =	shalt  }
0x71: {  	_ =	shalt  }
0x72: {  	_ =	shalt  }
0x73: {  	_ =	shalt  }
0x74: {  	_ =	shalt  }
0x75: {  	_ =	shalt  }
0x76: {  	_ =	shalt  }
0x77: {  	_ =	shalt  }
0x78: {  	_ =	shalt  }
0x79: {  	_ =	shalt  }
0x7a: {  	_ =	shalt  }
0x7b: {  	_ =	shalt  }
0x7c: {  	_ =	shalt  }
0x7d: {  	_ =	shalt  }
0x7e: {  	_ =	shalt  }
0x7f: {  	_ =	shalt  }
0x80: {  	_ =	shalt  }
0x81: {  	_ =	shalt  }
0x82: {  	_ =	shalt  }
0x83: {  	_ =	shalt  }
0x84: {  	_ =	shalt  }
0x85: {  	_ =	shalt  }
0x86: {  	_ =	shalt  }
0x87: {  	_ =	shalt  }
.Lfunc_end0:
.L_simem_size_0:
called_computation.3_lowered:
.L_overlay_start_0:
0x88: {  	s2 =	sld [smem:$0x3FD9]  }
0x89: {  	s3 =	sld [smem:$0x3FFE];
	_ =	sdelay $0x1  }
0x8a: {  	s1 =	srdreg.scid  }
0x8b: {  	s0 =	sand.u32 $0x1, s1  }
0x8c: {  	s17 =	sshll.u32 s0, $0xA;
	s2 =	sadd.s32 s3, s2  }
0x8d: {  	s2 =	sadd.s32 s2, s17  }
0x8e: {  	[smem:$0x3FBA] =	sst s2  }
0x8f: {  	_ = 	snop  }
0x90: {  	s2 =	sld [smem:$0x3FD0];
	(tm) =	ssettm $0x1  }
0x91: {  	s18 =	sld [smem:$0x3FFB];
	_ =	sdelay $0x3  }
0x92: {  	_ =	strace s18  }
0x93: {  	s3 =	sld [smem:$0x3FFC];
	_ =	sdelay $0x3  }
0x94: {  	_ =	strace s3  }
0x95: {  	s3 =	sld [smem:$0x3FFD];
	_ =	sdelay $0x3  }
0x96: {  	_ =	strace s3  }
0x97: {  	_ =	strace $0x8FFFFFFF  }
0x98: {  	s19 =	sld [smem:$0x3FDB];
	_ =	sdelay $0x1  }
0x99: {  	s4 =	simm.s32 $_scs_section_size  }
0x9a: {  	s5 =	simm.s32 $_size__tile_overlayer_lowered;
	s6 =	simm.s32 $_tile_overlayer_lowered  }
0x9b: {  	s22 =	simm.s32 $0x1BFF;
	s21 =	sshll.u32 s6, $0x1;
	s3 =	sadd.s32 s4, s19  }
0x9c: {  	s7 =	simm.s32 $0x0;
	s20 =	sshll.u32 s5, $0x1;
	s5 =	sadd.s32 s21, s3  }
0x9d: {  	[timem:s7], [sflag:s22] =	dma.local [hbm:s5], s20  }
0x9e: {  	_ =	swait.ge [sflag:s22], s20  }
0x9f: {  	s4 =	ssub.s32 $0x0, s20;
	[sflag:s22] =	ssyncset.done $0x0  }
0xa0: {  	[sflag:s22] =	ssyncadd.s32 s4;
	_ =	sdelay $0x1  }
0xa1: {  	s23 =	simm.s32 $0x1B8B  }
0xa2: {  	_ =	swait.ge [sflag:s23], $0x1  }
0xa3: {  	[sflag:s23] =	ssyncset.done $0x0  }
0xa4: {  	s25 =	simm.s32 $0x1B8E;
	s24 =	sld [smem:$0x3FFE];
	[sflag:s23] =	ssyncadd.s32 $0xFFFFFFFF  }
0xa5: {  	s26 =	simm.s32 $execute0_lowered;
	[smem:$0x3FD2] =	sst s25  }
0xa6: {  	s5 =	sshll.u32 s26, $0x1;
	_ =	strace $0x8000004F;
	[dreg:$0x1] =	wrdreg $0xFFFFFFFF  }
0xa7: {  	s28 =	simm.s32 $_size_execute0_lowered;
	s3 =	sadd.s32 s3, s5;
	[dreg:$0x0] =	wrdreg $0x0  }
0xa8: {  	s5 =	sshll.u32 s28, $0x1;
	[dreg:$0x2] =	wrdreg s3  }
0xa9: {  	[dreg:$0x3] =	wrdreg s5  }
0xaa: {  	[dreg:$0x4] =	wrdreg $0xC0  }
0xab: {  	_ =	task [dreg:s7], $0x5FFFF  }
0xac: {  	[dreg:$0x1] =	wrdreg $0xFFFFFFFF  }
0xad: {  	[dreg:$0x0] =	wrdreg $0x60  }
0xae: {  	[dreg:$0x2] =	wrdreg s2  }
0xaf: {  	[dreg:$0x3] =	wrdreg s24  }
0xb0: {  	[dreg:$0x4] =	wrdreg $0x82000  }
0xb1: {  	[dreg:$0x5] =	wrdreg $0x9  }
0xb2: {  	_ =	task.clear_ibuf [dreg:s7], $0x6FFFF;
	_ =	strace $0x9000004F  }
0xb3: {  	s29 =	simm.s32 $0x9;
	_ =	strace $0x80000051  }
0xb4: {  	_ =	swait.ge [sflag:s29], $0x1  }
0xb5: {  	[sflag:s29] =	ssyncadd.s32 $0xFFFFFFFF  }
0xb6: {  	_ =	strace $0x90000051  }
0xb7: {  	_ =	sfence  }
0xb8: {  	s30 =	sld [smem:$0x0];
	_ =	sdelay $0x2  }
0xb9: {  	s31 =	sshll.u32 s1, $0xD;
	s1 =	sshrl.u32 s1, $0x2  }
0xba: {  	s3 =	sand.u32 $0x4000, s31;
	s1 =	sadd.s32 s1, s30  }
0xbb: {  	s0 =	sor.u32 s3, s0;
	s1 =	sshll.u32 s1, $0x11  }
0xbc: {  	s0 =	sor.u32 s1, s0  }
0xbd: {  	s0 =	sadd.s32 $0x8F2B, s0  }
0xbe: {  	[sflag:s0] =	ssyncadd.remote.s32 $0x1  }
0xbf: {  	_ =	sfence.sel $0xFFFF  }
0xc0: {  	[dreg:$0x0] =	wrdreg $0xFFFFFFFF;
	(pc) =	sbr.abs _section_cstart, $3  }
0xc1: {  	[dreg:$0x1] =	wrdreg $0xFFFFFFFF  }
0xc2: {  	_ =	task.clear_ibuf [dreg:s7], $0x2FFFF;
	_ =	strace $0x9FFFFFFF  }
0xc3: {  	(tm) =	ssettm $0x7FFFFFFF  }
tec
execute0_lowered:
.L_overlay_start_1:
0x0: {  	(tag) =	ssettag $0x1  }
0x1: {  	s1 =	rddreg [dreg:$0x0]  }
0x2: {  	s0 =	rddreg [dreg:$0x1]  }
0x3: {  	s3 =	rddreg [dreg:$0x2];
	s4 =	simm.s32 $0x0  }
0x4: {  	s2 =	srdreg.scid;
	s11 =	stileid.u32;
	s18 =	simm.s32 $0x80  }
0x5: {  	s19 =	simm.s32 $0x200;
	s21 =	simm.s32 $0x3;
	s6 =	smul.u32 $0x2800, s11  }
0x6: {  	s22 =	simm.s32 $0x1;
	s28 =	simm.s32 $0x0;
	s24 =	smul.u32 $0x50000, s11  }
0x7: {  	[smem:$0x7FF] =	sst s4;
	s2 =	sand.u32 $0x1, s2;
	s29 =	smul.u32 $0x9E00, s11  }
0x8: {  	s12 =	sadd.s32 $0x17C00, s0;
	s8 =	sshll.u32 s11, $0x1;
	s7 =	smul.u32 $0x28000, s2  }
0x9: {  	s23 =	sor.u32 s2, s8;
	s9 =	ssub.s32 $0x2, s2;
	s2 =	smul.u32 $0x4F00, s2  }
0xa: {  	s5 =	sadd.s32 $0x4200, s0;
	_ =	strace $0x80000050;
	s10 =	smul.u32 $0x4F00, s23  }
0xb: {  	s25 =	sshrl.u32 s9, $0x1;
	s26 =	sshrl.u32 s24, $0x2;
	s23 =	simm.s32 $0x2  }
0xc: {  	s24 =	simm.s32 $0x4;
	s6 =	sadd.s32 s6, s7;
	s13 =	sadd.s32 s26, s3  }
0xd: {  	s30 =	ssub.s32 s9, s25;
	s2 =	sadd.s32 s2, s29;
	s25 =	simm.s32 $0x180  }
0xe: {  	s26 =	simm.s32 $0x4200;
	s0 =	sadd.s32 s6, s0;
	s6 =	sshll.u32 s11, $0x6  }
0xf: {  	s14 =	sadd.s32 $0x4000, s13;
	s15 =	sadd.s32 $0x8000, s13;
	s31 =	sshrl.u32 s10, $0x3  }
0x10: {  	s16 =	sadd.s32 $0xC000, s13;
	s2 =	sadd.s32 $0x200, s2;
	s17 =	sadd.s32 $0x10000, s13  }
0x11: {  	s11 =	smax.u32 s30, $0x1;
	s13 =	sshrl.u32 s13, $0x3;
	s7 =	sor.u32 $0x1C03, s6  }
0x12: {  	s8 =	sadd.s32 s12, s31;
	s2 =	sshrl.u32 s2, $0x3;
	s10 =	sadd.s32 $0x2B800, s0  }
0x13: {  	s14 =	sshrl.u32 s14, $0x3;
	s15 =	sshrl.u32 s15, $0x3;
	s16 =	sshrl.u32 s16, $0x3  }
0x14: {  	s17 =	sshrl.u32 s17, $0x3;
	s9 =	sadd.s32 $0x20, s8;
	s12 =	sadd.s32 s2, s12  }
.LBB2_1:
0x15: {  	[spmem:s13], [sflag:s7] =	dma.local [hbm:s5], $0x800  }
0x16: {  	[spmem:s14], [sflag:s7] =	dma.local [hbm:s5], $0x800  }
0x17: {  	[spmem:s15], [sflag:s7] =	dma.local [hbm:s5], $0x800  }
0x18: {  	[spmem:s16], [sflag:s7] =	dma.local [hbm:s5], $0x800  }
0x19: {  	[spmem:s17], [sflag:s7] =	dma.local [hbm:s5], $0x800  }
0x1a: {  	[tilespmem:s4], [sflag:$0x1] =	stream.linear.gather [hbm4b:s8+s4], $0x100, $0x38;
	[tilespmem:$0x1C200] =	vst v63  }
0x1b: {  	_ =	swait.ge [sflag:s22], $0x100  }
0x1c: {  	[sflag:s22] =	ssyncset.done $0x0  }
0x1d: {  	[sflag:s22] =	ssyncadd.s32 $0xFFFFFF00  }
0x1e: {  	[tilespmem:s19], [sflag:$0x2] =	stream.indirect.gather [hbm4b:s1+s18], $0x80, s4, s18, $0xb8;
	[tilespmem:$0x1C200] =	vst v63  }
0x1f: {  	s0 =	simm.s32 $0x100  }
0x20: {  	[tilespmem:s0], [sflag:$0x1] =	stream.linear.gather [hbm4b:s9+s4], $0x100, $0x38;
	[tilespmem:$0x1C200] =	vst v63  }
0x21: {  	_ =	swait.ge [sflag:s21], $0x800  }
0x22: {  	[sflag:s21] =	ssyncset.done $0x0  }
0x23: {  	[sflag:s21] =	ssyncadd.s32 $0xFFFFF800  }
0x24: {  	_ =	swait.ge [sflag:s21], $0x800  }
0x25: {  	[sflag:s21] =	ssyncset.done $0x0  }
0x26: {  	[sflag:s21] =	ssyncadd.s32 $0xFFFFF800  }
0x27: {  	_ =	swait.ge [sflag:s21], $0x800  }
0x28: {  	[sflag:s21] =	ssyncset.done $0x0  }
0x29: {  	[sflag:s21] =	ssyncadd.s32 $0xFFFFF800  }
0x2a: {  	_ =	swait.ge [sflag:s21], $0x800  }
0x2b: {  	[sflag:s21] =	ssyncset.done $0x0  }
0x2c: {  	[sflag:s21] =	ssyncadd.s32 $0xFFFFF800  }
0x2d: {  	_ =	swait.ge [sflag:s21], $0x800  }
0x2e: {  	[sflag:s21] =	ssyncset.done $0x0  }
0x2f: {  	[sflag:s21] =	ssyncadd.s32 $0xFFFFF800  }
0x30: {  	[bflag:$0x0] =	sbarrier.arrive $0xFFFF  }
0x31: {  	s20 =	sand.u32 $0x1, s22;
	_ =	swait.ge [sflag:s22], $0x100  }
0x32: {  	s29 =	simm.s32 $0x0;
	s2 =	sshll.u32 s20, $0xE;
	[sflag:s22] =	ssyncset.done $0x0  }
0x33: {  	s2 =	sor.u32 $0x200, s2;
	s0 =	sshll.u32 s20, $0x8;
	[sflag:s22] =	ssyncadd.s32 $0xFFFFFF00  }
0x34: {  	[tilespmem:s2], [sflag:$0x2] =	stream.indirect.gather [hbm4b:s1+s18], $0x80, s0, s18, $0xb8;
	[tilespmem:$0x1C200] =	vst v63  }
0x35: {  	s2 =	sand.u32 $0x1, s29;
	_ =	swait.ge [sflag:s23], $0x4000  }
0x36: {  	s20 =	sshll.u32 s2, $0xE;
	s0 =	sshll.u32 s2, $0x8;
	[sflag:s23] =	ssyncset.done $0x0  }
0x37: {  	s2 =	sor.u32 $0x200, s20;
	s29 =	sor.u32 $0x80, s0;
	[sflag:s23] =	ssyncadd.s32 $0xFFFFC000  }
0x38: {  	[spmem:s3] =	stream.indirect.scatter.add.f32 [tilespmem:s2], [sflag:$0x4], $0x80, s29, s18, $0xb8;
	[tilespmem:$0x1C200] =	vst v63  }
0x39: {  	_ =	swait.ge [sflag:s24], $0x4000  }
0x3a: {  	s30 =	sadd.s32 $0x20, s12;
	[sflag:s24] =	ssyncset.done $0x0  }
0x3b: {  	s31 =	smov.u32 s12;
	s29 =	simm.s32 $0x2;
	[sflag:s24] =	ssyncadd.s32 $0xFFFFC000  }
.LBB2_2:
0x3c: {  	[tilespmem:s0], [sflag:$0x1] =	stream.linear.gather [hbm4b:s31+s4], $0x100, $0x38;
	[tilespmem:$0x1C200] =	vst v63  }
0x3d: {  	s0 =	smov.u32 s29;
	s31 =	smov.u32 s30  }
0x3e: {  	p0 =	sne.s32 s29, $0x4D;
	s29 =	sadd.s32 $0x1, s29;
	_ =	swait.ge [sflag:s22], $0x100  }
0x3f: {  	s2 =	sand.u32 $0x1, s0;
	s0 =	sadd.s32 $0xFFFFFFFF, s0;
	[sflag:s22] =	ssyncset.done $0x0  }
0x40: {  	s20 =	sshll.u32 s2, $0xE;
	s2 =	sshll.u32 s2, $0x8;
	[sflag:s22] =	ssyncadd.s32 $0xFFFFFF00  }
0x41: {  	s0 =	sand.u32 $0x1, s0;
	s20 =	sor.u32 $0x200, s20  }
0x42: {  	[tilespmem:s20], [sflag:$0x2] =	stream.indirect.gather [hbm4b:s1+s18], $0x80, s2, s18, $0xb8;
	[tilespmem:$0x1C200] =	vst v63  }
0x43: {  	s2 =	sshll.u32 s0, $0xE;
	_ =	swait.ge [sflag:s23], $0x4000  }
0x44: {  	s0 =	sshll.u32 s0, $0x8;
	s2 =	sor.u32 $0x200, s2;
	[sflag:s23] =	ssyncset.done $0x0  }
.Ltmp0:
0x45: {  	s20 =	sor.u32 $0x80, s0;
	[sflag:s23] =	ssyncadd.s32 $0xFFFFC000;
	(pc) =	sbr.rel @p0 .LBB2_2-.Ltmp0, $4  }
0x46: {  	[spmem:s3] =	stream.indirect.scatter.add.f32 [tilespmem:s2], [sflag:$0x4], $0x80, s20, s18, $0xb8;
	[tilespmem:$0x1C200] =	vst v63  }
0x47: {  	_ =	swait.ge [sflag:s24], $0x4000  }
0x48: {  	[sflag:s24] =	ssyncset.done $0x0  }
0x49: {  	s30 =	sadd.s32 $0x20, s30;
	[sflag:s24] =	ssyncadd.s32 $0xFFFFC000  }
0x4a: {  	[tilespmem:s0], [sflag:$0x1] =	stream.linear.gather [hbm4b:s31+s4], $0x100, $0x38;
	[tilespmem:$0x1C200] =	vst v63  }
0x4b: {  	_ =	swait.ge [sflag:s22], $0x100  }
0x4c: {  	[sflag:s22] =	ssyncset.done $0x0  }
0x4d: {  	[sflag:s22] =	ssyncadd.s32 $0xFFFFFF00  }
0x4e: {  	[tilespmem:s2], [sflag:$0x2] =	stream.indirect.gather [hbm4b:s1+s18], $0x80, s0, s18, $0xb8;
	[tilespmem:$0x1C200] =	vst v63  }
0x4f: {  	_ =	swait.ge [sflag:s23], $0x4000  }
0x50: {  	[sflag:s23] =	ssyncset.done $0x0  }
0x51: {  	[sflag:s23] =	ssyncadd.s32 $0xFFFFC000  }
0x52: {  	[spmem:s3] =	stream.indirect.scatter.add.f32 [tilespmem:s26], [sflag:$0x4], $0x80, s25, s18, $0xb8;
	[tilespmem:$0x1C200] =	vst v63  }
0x53: {  	_ =	swait.ge [sflag:s24], $0x4000  }
0x54: {  	[sflag:s24] =	ssyncset.done $0x0  }
0x55: {  	[sflag:s24] =	ssyncadd.s32 $0xFFFFC000  }
0x56: {  	_ =	swait.ge [sflag:s23], $0x4000  }
0x57: {  	[sflag:s23] =	ssyncset.done $0x0  }
0x58: {  	[sflag:s23] =	ssyncadd.s32 $0xFFFFC000  }
0x59: {  	[spmem:s3] =	stream.indirect.scatter.add.f32 [tilespmem:s19], [sflag:$0x4], $0x80, s18, s18, $0xb8;
	[tilespmem:$0x1C200] =	vst v63  }
0x5a: {  	_ =	swait.ge [sflag:s24], $0x4000  }
0x5b: {  	s28 =	sadd.s32 $0x1, s28;
	[sflag:s24] =	ssyncset.done $0x0  }
0x5c: {  	p0 =	sne.s32 s28, s11;
	[sflag:s24] =	ssyncadd.s32 $0xFFFFC000  }
.Ltmp1:
0x5d: {  	s31 =	sor.u32 $0x1C04, s6;
	[bflag:$0x0] =	sbarrier.arrive $0xFFFF;
	(pc) =	sbr.rel @p0 .LBB2_1-.Ltmp1, $4  }
0x5e: {  	[hbm:s10], [sflag:s31] =	dma.local [spmem:s13], $0x2800  }
0x5f: {  	_ =	swait.ge [sflag:s24], $0x2800  }
0x60: {  	[sflag:s24] =	ssyncset.done $0x0  }
0x61: {  	[sflag:s24] =	ssyncadd.s32 $0xFFFFD800  }
0x62: {  	_ =	sfence.sel $0x180000  }
0x63: {  	[bflag:$0x0] =	sbarrier.arrive $0xFFFF  }
0x64: {  	_ =	strace $0x90000050  }
0x65: {  	s0 =	stileid.u32;
	[bflag:$0x2] =	sbarrier.arrive $0xFFFF  }
0x66: {  	p0 =	sne.s32 s0, $0x0;
	s0 =	rddreg [dreg:$0x3]  }
0x67: {  	s0 =	sadd.s32 @!p0 $0x100000, s0  }
0x68: {  	[sflag:s0] =	ssyncadd.tile.s32 @!p0 $0x1;
	_ =	shalt  }
.Lfunc_end2:
_tile_overlayer_lowered:
.L_overlay_start_2:
0x69: {  	(tag) =	ssettag $0x2  }
0x6a: {  	s0 =	rddreg [dreg:$0x0];
	s2 =	stileid.u32  }
0x6b: {  	s1 =	rddreg [dreg:$0x1];
	p0 =	sne.s32 s2, $0x0  }
0x6c: {  	s3 =	rddreg [dreg:$0x2];
	[bflag:$0x3] =	sbarrier.arrive $0xFFFF;
	s2 =	simm.s32 @!p0 $0x1C04  }
0x6d: {  	[timem:s3], [sflag:s2] =	dma.local @!p0 [hbm:s0], s1  }
0x6e: {  	s0 =	simm.s32 @!p0 $0x4  }
0x6f: {  	_ =	swait.ge @!p0 [sflag:s0], s1  }
0x70: {  	s1 =	ssub.s32 @!p0 $0x0, s1;
	[sflag:s0] =	ssyncset.done @!p0 $0x0  }
0x71: {  	[sflag:s0] =	ssyncadd.s32 @!p0 s1  }
0x72: {  	[bflag:$0x3] =	sbarrier.arrive $0xFFFF  }
0x73: {  	_ =	shalt  }

</sc_bundles>
